<compile_context>
chip_gen: v7x
topology: tpu7x:2x2x1
jax: 0.10.2.dev20260603
libtpu: 0.0.44.dev20260713+nightly
codegen_flags: <defaults>
</compile_context>

<pallas_src>
import jax
import jax.numpy as jnp
from jax import lax
from jax.experimental import pallas as pl
from jax.experimental.pallas import tpu as pltpu
from jax.experimental.pallas import tpu_sc as plsc

D = 32
NC, NS = 2, 16
NW = NC * NS
SEQ = 50
BATCH = 16384
TOK = 512
NBLK = SEQ * (BATCH // TOK)
PER_W = NBLK // NW
NBUF = 2
BLK_WORDS = TOK * D
OUT_WORDS = SEQ * 4 * (BATCH // 128) * 8 * 128


def _emb_body(tok_hbm, table_hbm, out_hbm, idx_v, buf_v, tbuf_v,
              isems, gsems, ssems):
    wid = lax.axis_index("s") * NC + lax.axis_index("c")
    lane = lax.iota(jnp.int32, 16)
    p0 = ((lane >> 3) << 12) + ((lane & 7) << 7)
    p1 = p0 + 8192

    def sb(m):
        return m >> 5, m & 31

    def load_ids(m, b):
        s, b4 = sb(m)
        return pltpu.async_copy(
            tok_hbm.at[s, pl.ds(b4 * TOK, TOK)], idx_v.at[b], isems[b])

    def gather(b):
        return pltpu.async_copy(
            table_hbm.at[idx_v.at[b]], buf_v.at[b], gsems[b])

    def wait_ids(b):
        pltpu.make_async_copy(
            tok_hbm.at[0, pl.ds(0, TOK)], idx_v.at[b], isems[b]).wait()

    def wait_gather(b):
        pltpu.make_async_copy(
            table_hbm.at[idx_v.at[b]], buf_v.at[b], gsems[b]).wait()

    def wait_stores(b):
        for k in range(4):
            pltpu.make_async_copy(
                tbuf_v.at[b, pl.ds(k * 4096, 4096)],
                out_hbm.at[pl.ds(0, 4096)], ssems[b]).wait()

    def transpose_and_store(m, b):
        s, b4 = sb(m)

        for bq in range(4):
            q0 = p0 + (bq << 10)
            q1 = p1 + (bq << 10)
            cb = bq << 7

            @plsc.parallel_loop(0, 128, unroll=16)
            def _(cc, q0=q0, q1=q1, cb=cb):
                c = cb + cc
                v0 = buf_v[b, c, pl.ds(0, 16)]
                plsc.store_scatter(tbuf_v.at[b], [q0 + cc], v0)
                v1 = buf_v[b, c, pl.ds(16, 16)]
                plsc.store_scatter(tbuf_v.at[b], [q1 + cc], v1)
        out0 = (s * 4 * 128 + b4 * 4) * 1024
        for k in range(4):
            pltpu.async_copy(
                tbuf_v.at[b, pl.ds(k * 4096, 4096)],
                out_hbm.at[pl.ds(out0 + k * 131072, 4096)], ssems[b])

    m0 = wid * PER_W
    load_ids(m0, 0)
    wait_ids(0)
    gather(0)
    load_ids(m0 + 1, 1)

    def group(j, _):
        for b in (0, 1):
            i = j * 2 + b
            nb = 1 - b
            wait_gather(b)

            @pl.when(i < PER_W - 1)
            def _():
                wait_ids(nb)
                gather(nb)

            @pl.when(i >= 2)
            def _():
                wait_stores(b)

            transpose_and_store(m0 + i, b)

            @pl.when(i < PER_W - 2)
            def _():
                load_ids(m0 + i + 2, b)
        return 0

    lax.fori_loop(0, PER_W // 2, group, 0)
    wait_stores(0)
    wait_stores(1)


def kernel(token_ids, weights):
    tok_t = token_ids.T

    mesh = plsc.VectorSubcoreMesh(
        core_axis_name="c", subcore_axis_name="s", num_cores=NC, num_subcores=NS
    )
    grab = pl.kernel(
        _emb_body,
        out_type=jax.ShapeDtypeStruct((OUT_WORDS,), jnp.float32),
        mesh=mesh,
        scratch_types=[
            pltpu.VMEM((NBUF, TOK), jnp.int32),
            pltpu.VMEM((NBUF, TOK, D), jnp.float32),
            pltpu.VMEM((NBUF, 4 * 4096), jnp.float32),
            [pltpu.SemaphoreType.DMA] * NBUF,
            [pltpu.SemaphoreType.DMA] * NBUF,
            [pltpu.SemaphoreType.DMA] * NBUF,
        ],
        compiler_params=pltpu.CompilerParams(
            use_tc_tiling_on_sc=False, needs_layout_passes=False),
    )
    out1 = grab(tok_t, weights)
    out5 = out1.reshape(SEQ, 4, BATCH // 128, 8, 128)
    return out5.transpose(2, 4, 0, 1, 3).reshape(BATCH, SEQ, D)

# --- scband reference (transcript-rebuilt; emitter-appended) ---
"""Pipeline reference for scband-embedding-2413771620706 (READ-ONLY COPY).

The authoritative reference and input builder live on the scoring server;
editing this copy changes nothing except your own understanding.
"""

import jax, jax.numpy as jnp
import numpy as np

NUM_EMBEDDINGS = 1000000
EMBEDDING_DIM = 32

def setup_inputs(seed: int = 0) -> dict:
    key = jax.random.key(seed)
    k1, k2 = jax.random.split(key)
    token_ids = jax.random.randint(k1, (16384, 50), 0, NUM_EMBEDDINGS, dtype=jnp.int64 if jax.config.jax_enable_x64 else jnp.int32)
    # trunc_normal_(mean=0, std=1, a=-3, b=3)
    weights = jax.random.truncated_normal(k2, -3.0, 3.0, (NUM_EMBEDDINGS, EMBEDDING_DIM), dtype=jnp.float32)
    return {"token_ids": token_ids, "weights": weights}

def reference(token_ids, weights):
    # embedding_weight = self.weights[token_ids]
    embedding_weight = jnp.take(weights, token_ids, axis=0)
    return embedding_weight

if __name__ == "__main__":
    import jax
    _d = setup_inputs()
    print(jax.jit(kernel)(*tuple(_d.values())))

</pallas_src>

<mosaic_0001>
#map = affine_map<(d0, d1) -> (0, 0)>
#map1 = affine_map<(d0, d1) -> (0)>
module attributes {stable_mosaic.version = 14 : i64} {
  func.func @_emb_body(%arg0: i32, %arg1: i32, %arg2: memref<50x16384xi32, #tpu.memory_space<hbm>>, %arg3: memref<1000000x32xf32, #tpu.memory_space<hbm>>, %arg4: memref<26214400xf32, #tpu.memory_space<hbm>>, %arg5: memref<2x512xi32, #tpu.memory_space<vmem>>, %arg6: memref<2x512x32xf32, #tpu.memory_space<vmem>>, %arg7: memref<2x16384xf32, #tpu.memory_space<vmem>>, %arg8: memref<!tpu.dma_semaphore, #tpu.memory_space<semaphore_mem>>, %arg9: memref<!tpu.dma_semaphore, #tpu.memory_space<semaphore_mem>>, %arg10: memref<!tpu.dma_semaphore, #tpu.memory_space<semaphore_mem>>, %arg11: memref<!tpu.dma_semaphore, #tpu.memory_space<semaphore_mem>>, %arg12: memref<!tpu.dma_semaphore, #tpu.memory_space<semaphore_mem>>, %arg13: memref<!tpu.dma_semaphore, #tpu.memory_space<semaphore_mem>>) attributes {dimension_semantics = [#tpu.dimension_semantics<core_parallel>, #tpu.dimension_semantics<subcore_parallel>], iteration_bounds = array<i64: 2, 16>, scalar_prefetch = 0 : i64, scratch_operands = 9 : i64, tpu.core_type = #tpu.core_type<sc_vector_subcore>, window_params = [{transform_indices = #map}, {transform_indices = #map}, {transform_indices = #map1}]} {
    %mul3A = arith.constant 2 : i32
    %mul3A_0 = arith.muli %arg1, %mul3A : i32
    %add3A = arith.addi %mul3A_0, %arg0 : i32
    %iota3A = tpu.iota {dimensions = array<i32: 0>} : vector<16xi32>
    %shift_right_arithmetic3A = arith.constant 3 : i32
    %shift_right_arithmetic3A_1 = vector.broadcast %shift_right_arithmetic3A : i32 to vector<16xi32>
    %shift_right_arithmetic3A_2 = arith.shrsi %iota3A, %shift_right_arithmetic3A_1 : vector<16xi32>
    %shift_left3A = arith.constant 12 : i32
    %shift_left3A_3 = vector.broadcast %shift_left3A : i32 to vector<16xi32>
    %shift_left3A_4 = arith.shli %shift_right_arithmetic3A_2, %shift_left3A_3 : vector<16xi32>
    %and3A = arith.constant 7 : i32
    %and3A_5 = vector.broadcast %and3A : i32 to vector<16xi32>
    %and3A_6 = arith.andi %iota3A, %and3A_5 : vector<16xi32>
    %shift_left3A_7 = arith.constant 7 : i32
    %shift_left3A_8 = vector.broadcast %shift_left3A_7 : i32 to vector<16xi32>
    %shift_left3A_9 = arith.shli %and3A_6, %shift_left3A_8 : vector<16xi32>
    %add3A_10 = arith.addi %shift_left3A_4, %shift_left3A_9 : vector<16xi32>
    %add3A_11 = arith.constant 8192 : i32
    %add3A_12 = vector.broadcast %add3A_11 : i32 to vector<16xi32>
    %add3A_13 = arith.addi %add3A_10, %add3A_12 : vector<16xi32>
    %mul3A_14 = arith.constant 50 : i32
    %mul3A_15 = arith.muli %add3A, %mul3A_14 : i32
    %shift_right_arithmetic3A_16 = arith.constant 5 : i32
    %shift_right_arithmetic3A_17 = arith.shrsi %mul3A_15, %shift_right_arithmetic3A_16 : i32
    %and3A_18 = arith.constant 31 : i32
    %and3A_19 = arith.andi %mul3A_15, %and3A_18 : i32
    %mul3A_20 = arith.constant 512 : i32
    %mul3A_21 = arith.muli %and3A_19, %mul3A_20 : i32
    %dma_start3A = arith.constant 0 : i32
    %dma_start3A_22 = arith.constant 0 : i32
    %dma_start3A_23 = tpu.memref_slice %arg5[%dma_start3A, %dma_start3A_22] : memref<2x512xi32, #tpu.memory_space<vmem>> -> memref<1x512xi32, #tpu.memory_space<vmem>>
    %dma_start3A_24 = tpu.memref_squeeze %dma_start3A_23 : memref<1x512xi32, #tpu.memory_space<vmem>> -> memref<512xi32, #tpu.memory_space<vmem>>
    %dma_start3A_25 = tpu.memref_slice %arg2[%shift_right_arithmetic3A_17, %mul3A_21] : memref<50x16384xi32, #tpu.memory_space<hbm>> -> memref<1x512xi32, #tpu.memory_space<hbm>>
    %dma_start3A_26 = tpu.memref_squeeze %dma_start3A_25 : memref<1x512xi32, #tpu.memory_space<hbm>> -> memref<512xi32, #tpu.memory_space<hbm>>
    %dma_start3A_27 = arith.constant 0 : i32
    %dma_start3A_28 = tpu.memref_slice %arg5[%dma_start3A, %dma_start3A_27] : memref<2x512xi32, #tpu.memory_space<vmem>> -> memref<1x512xi32, #tpu.memory_space<vmem>>
    %dma_start3A_29 = tpu.memref_squeeze %dma_start3A_28 : memref<1x512xi32, #tpu.memory_space<vmem>> -> memref<512xi32, #tpu.memory_space<vmem>>
    %dma_start3A_30 = tpu.memref_slice %arg2[%shift_right_arithmetic3A_17, %mul3A_21] : memref<50x16384xi32, #tpu.memory_space<hbm>> -> memref<1x512xi32, #tpu.memory_space<hbm>>
    %dma_start3A_31 = tpu.memref_squeeze %dma_start3A_30 : memref<1x512xi32, #tpu.memory_space<hbm>> -> memref<512xi32, #tpu.memory_space<hbm>>
    tpu.enqueue_dma source(%dma_start3A_31 : memref<512xi32, #tpu.memory_space<hbm>>) target(%dma_start3A_29 : memref<512xi32, #tpu.memory_space<vmem>>) target_semaphore(%arg8 : memref<!tpu.dma_semaphore, #tpu.memory_space<semaphore_mem>>)
    %dma_wait3A = arith.constant 0 : i32
    %dma_wait3A_32 = arith.constant 0 : i32
    %dma_wait3A_33 = arith.constant 0 : i32
    %dma_wait3A_34 = tpu.memref_slice %arg5[%dma_wait3A_32, %dma_wait3A_33] : memref<2x512xi32, #tpu.memory_space<vmem>> -> memref<1x512xi32, #tpu.memory_space<vmem>>
    %dma_wait3A_35 = tpu.memref_squeeze %dma_wait3A_34 : memref<1x512xi32, #tpu.memory_space<vmem>> -> memref<512xi32, #tpu.memory_space<vmem>>
    %dma_wait3A_36 = arith.constant 0 : i32
    %dma_wait3A_37 = tpu.memref_slice %arg2[%dma_wait3A, %dma_wait3A_36] : memref<50x16384xi32, #tpu.memory_space<hbm>> -> memref<1x512xi32, #tpu.memory_space<hbm>>
    %dma_wait3A_38 = tpu.memref_squeeze %dma_wait3A_37 : memref<1x512xi32, #tpu.memory_space<hbm>> -> memref<512xi32, #tpu.memory_space<hbm>>
    %dma_wait3A_39 = arith.constant 0 : i32
    %dma_wait3A_40 = tpu.memref_slice %arg5[%dma_wait3A_32, %dma_wait3A_39] : memref<2x512xi32, #tpu.memory_space<vmem>> -> memref<1x512xi32, #tpu.memory_space<vmem>>
    %dma_wait3A_41 = tpu.memref_squeeze %dma_wait3A_40 : memref<1x512xi32, #tpu.memory_space<vmem>> -> memref<512xi32, #tpu.memory_space<vmem>>
    %dma_wait3A_42 = arith.constant 0 : i32
    %dma_wait3A_43 = tpu.memref_slice %arg2[%dma_wait3A, %dma_wait3A_42] : memref<50x16384xi32, #tpu.memory_space<hbm>> -> memref<1x512xi32, #tpu.memory_space<hbm>>
    %dma_wait3A_44 = tpu.memref_squeeze %dma_wait3A_43 : memref<1x512xi32, #tpu.memory_space<hbm>> -> memref<512xi32, #tpu.memory_space<hbm>>
    tpu.wait_dma2 semaphore(%arg8 : memref<!tpu.dma_semaphore, #tpu.memory_space<semaphore_mem>>) src(%dma_wait3A_44 : memref<512xi32, #tpu.memory_space<hbm>>) dst(%dma_wait3A_41 : memref<512xi32, #tpu.memory_space<vmem>>)
    %dma_start3A_45 = arith.constant 0 : i32
    %dma_start3A_46 = arith.constant 0 : i32
    %dma_start3A_47 = arith.constant 0 : i32
    %dma_start3A_48 = arith.constant 0 : i32
    %dma_start3A_49 = tpu.memref_slice %arg6[%dma_start3A_46, %dma_start3A_47, %dma_start3A_48] : memref<2x512x32xf32, #tpu.memory_space<vmem>> -> memref<1x512x32xf32, #tpu.memory_space<vmem>>
    %dma_start3A_50 = tpu.memref_squeeze %dma_start3A_49 : memref<1x512x32xf32, #tpu.memory_space<vmem>> -> memref<512x32xf32, #tpu.memory_space<vmem>>
    %dma_start3A_51 = arith.constant 0 : i32
    %dma_start3A_52 = tpu.memref_slice %arg5[%dma_start3A_45, %dma_start3A_51] : memref<2x512xi32, #tpu.memory_space<vmem>> -> memref<1x512xi32, #tpu.memory_space<vmem>>
    %dma_start3A_53 = tpu.memref_squeeze %dma_start3A_52 : memref<1x512xi32, #tpu.memory_space<vmem>> -> memref<512xi32, #tpu.memory_space<vmem>>
    %dma_start3A_54 = arith.constant 0 : i32
    %dma_start3A_55 = arith.constant 0 : i32
    %dma_start3A_56 = tpu.memref_slice %arg3[%dma_start3A_54, %dma_start3A_55] : memref<1000000x32xf32, #tpu.memory_space<hbm>> -> memref<1000000x32xf32, #tpu.memory_space<hbm>>
    tpu.enqueue_indirect_dma source(%dma_start3A_56 : memref<1000000x32xf32, #tpu.memory_space<hbm>>) target(%dma_start3A_50 : memref<512x32xf32, #tpu.memory_space<vmem>>) offsets(%dma_start3A_53 : memref<512xi32, #tpu.memory_space<vmem>>) semaphore(%arg10 : memref<!tpu.dma_semaphore, #tpu.memory_space<semaphore_mem>>)
    %add3A_57 = arith.constant 1 : i32
    %add3A_58 = arith.addi %mul3A_15, %add3A_57 : i32
    %shift_right_arithmetic3A_59 = arith.constant 5 : i32
    %shift_right_arithmetic3A_60 = arith.shrsi %add3A_58, %shift_right_arithmetic3A_59 : i32
    %and3A_61 = arith.constant 31 : i32
    %and3A_62 = arith.andi %add3A_58, %and3A_61 : i32
    %mul3A_63 = arith.constant 512 : i32
    %mul3A_64 = arith.muli %and3A_62, %mul3A_63 : i32
    %dma_start3A_65 = arith.constant 1 : i32
    %dma_start3A_66 = arith.constant 0 : i32
    %dma_start3A_67 = tpu.memref_slice %arg5[%dma_start3A_65, %dma_start3A_66] : memref<2x512xi32, #tpu.memory_space<vmem>> -> memref<1x512xi32, #tpu.memory_space<vmem>>
    %dma_start3A_68 = tpu.memref_squeeze %dma_start3A_67 : memref<1x512xi32, #tpu.memory_space<vmem>> -> memref<512xi32, #tpu.memory_space<vmem>>
    %dma_start3A_69 = tpu.memref_slice %arg2[%shift_right_arithmetic3A_60, %mul3A_64] : memref<50x16384xi32, #tpu.memory_space<hbm>> -> memref<1x512xi32, #tpu.memory_space<hbm>>
    %dma_start3A_70 = tpu.memref_squeeze %dma_start3A_69 : memref<1x512xi32, #tpu.memory_space<hbm>> -> memref<512xi32, #tpu.memory_space<hbm>>
    %dma_start3A_71 = arith.constant 0 : i32
    %dma_start3A_72 = tpu.memref_slice %arg5[%dma_start3A_65, %dma_start3A_71] : memref<2x512xi32, #tpu.memory_space<vmem>> -> memref<1x512xi32, #tpu.memory_space<vmem>>
    %dma_start3A_73 = tpu.memref_squeeze %dma_start3A_72 : memref<1x512xi32, #tpu.memory_space<vmem>> -> memref<512xi32, #tpu.memory_space<vmem>>
    %dma_start3A_74 = tpu.memref_slice %arg2[%shift_right_arithmetic3A_60, %mul3A_64] : memref<50x16384xi32, #tpu.memory_space<hbm>> -> memref<1x512xi32, #tpu.memory_space<hbm>>
    %dma_start3A_75 = tpu.memref_squeeze %dma_start3A_74 : memref<1x512xi32, #tpu.memory_space<hbm>> -> memref<512xi32, #tpu.memory_space<hbm>>
    tpu.enqueue_dma source(%dma_start3A_75 : memref<512xi32, #tpu.memory_space<hbm>>) target(%dma_start3A_73 : memref<512xi32, #tpu.memory_space<vmem>>) target_semaphore(%arg9 : memref<!tpu.dma_semaphore, #tpu.memory_space<semaphore_mem>>)
    %scan3A = arith.constant 0 : i32
    %scan3A_76 = arith.constant 0 : i32
    %scan3A_77 = arith.constant 25 : i32
    %scan3A_78 = arith.addi %scan3A_76, %scan3A_77 : i32
    %scan3A_79 = arith.constant 1 : i32
    %scan3A_80 = scf.for %scan3A_170 = %scan3A_76 to %scan3A_78 step %scan3A_79 iter_args(%scan3A_171 = %scan3A) -> (i32)  : i32 {
      %mul3A_172 = arith.constant 2 : i32
      %mul3A_173 = arith.muli %scan3A_170, %mul3A_172 : i32
      %add3A_174 = arith.constant 0 : i32
      %add3A_175 = arith.addi %mul3A_173, %add3A_174 : i32
      %dma_wait3A_176 = arith.constant 0 : i32
      %dma_wait3A_177 = arith.constant 0 : i32
      %dma_wait3A_178 = arith.constant 0 : i32
      %dma_wait3A_179 = arith.constant 0 : i32
      %dma_wait3A_180 = tpu.memref_slice %arg6[%dma_wait3A_177, %dma_wait3A_178, %dma_wait3A_179] : memref<2x512x32xf32, #tpu.memory_space<vmem>> -> memref<1x512x32xf32, #tpu.memory_space<vmem>>
      %dma_wait3A_181 = tpu.memref_squeeze %dma_wait3A_180 : memref<1x512x32xf32, #tpu.memory_space<vmem>> -> memref<512x32xf32, #tpu.memory_space<vmem>>
      %dma_wait3A_182 = arith.constant 0 : i32
      %dma_wait3A_183 = tpu.memref_slice %arg5[%dma_wait3A_176, %dma_wait3A_182] : memref<2x512xi32, #tpu.memory_space<vmem>> -> memref<1x512xi32, #tpu.memory_space<vmem>>
      %dma_wait3A_184 = tpu.memref_squeeze %dma_wait3A_183 : memref<1x512xi32, #tpu.memory_space<vmem>> -> memref<512xi32, #tpu.memory_space<vmem>>
      %dma_wait3A_185 = arith.constant 0 : i32
      %dma_wait3A_186 = arith.constant 0 : i32
      %dma_wait3A_187 = tpu.memref_slice %arg3[%dma_wait3A_185, %dma_wait3A_186] : memref<1000000x32xf32, #tpu.memory_space<hbm>> -> memref<1000000x32xf32, #tpu.memory_space<hbm>>
      tpu.wait_indirect_dma semaphore(%arg10 : memref<!tpu.dma_semaphore, #tpu.memory_space<semaphore_mem>>) src(%dma_wait3A_187 : memref<1000000x32xf32, #tpu.memory_space<hbm>>) dst(%dma_wait3A_181 : memref<512x32xf32, #tpu.memory_space<vmem>>)
      %lt3A = arith.constant 49 : i32
      %lt3A_188 = arith.cmpi slt, %add3A_175, %lt3A : i32
      %convert_element_type3A = arith.extui %lt3A_188 : i1 to i32
      %cond3A = arith.constant 0 : i32
      %cond3A_189 = arith.cmpi ne, %convert_element_type3A, %cond3A : i32
      scf.if %cond3A_189 {
        %dma_wait3A_418 = arith.constant 0 : i32
        %dma_wait3A_419 = arith.constant 1 : i32
        %dma_wait3A_420 = arith.constant 0 : i32
        %dma_wait3A_421 = tpu.memref_slice %arg5[%dma_wait3A_419, %dma_wait3A_420] : memref<2x512xi32, #tpu.memory_space<vmem>> -> memref<1x512xi32, #tpu.memory_space<vmem>>
        %dma_wait3A_422 = tpu.memref_squeeze %dma_wait3A_421 : memref<1x512xi32, #tpu.memory_space<vmem>> -> memref<512xi32, #tpu.memory_space<vmem>>
        %dma_wait3A_423 = arith.constant 0 : i32
        %dma_wait3A_424 = tpu.memref_slice %arg2[%dma_wait3A_418, %dma_wait3A_423] : memref<50x16384xi32, #tpu.memory_space<hbm>> -> memref<1x512xi32, #tpu.memory_space<hbm>>
        %dma_wait3A_425 = tpu.memref_squeeze %dma_wait3A_424 : memref<1x512xi32, #tpu.memory_space<hbm>> -> memref<512xi32, #tpu.memory_space<hbm>>
        %dma_wait3A_426 = arith.constant 0 : i32
        %dma_wait3A_427 = tpu.memref_slice %arg5[%dma_wait3A_419, %dma_wait3A_426] : memref<2x512xi32, #tpu.memory_space<vmem>> -> memref<1x512xi32, #tpu.memory_space<vmem>>
        %dma_wait3A_428 = tpu.memref_squeeze %dma_wait3A_427 : memref<1x512xi32, #tpu.memory_space<vmem>> -> memref<512xi32, #tpu.memory_space<vmem>>
        %dma_wait3A_429 = arith.constant 0 : i32
        %dma_wait3A_430 = tpu.memref_slice %arg2[%dma_wait3A_418, %dma_wait3A_429] : memref<50x16384xi32, #tpu.memory_space<hbm>> -> memref<1x512xi32, #tpu.memory_space<hbm>>
        %dma_wait3A_431 = tpu.memref_squeeze %dma_wait3A_430 : memref<1x512xi32, #tpu.memory_space<hbm>> -> memref<512xi32, #tpu.memory_space<hbm>>
        tpu.wait_dma2 semaphore(%arg9 : memref<!tpu.dma_semaphore, #tpu.memory_space<semaphore_mem>>) src(%dma_wait3A_431 : memref<512xi32, #tpu.memory_space<hbm>>) dst(%dma_wait3A_428 : memref<512xi32, #tpu.memory_space<vmem>>)
        %dma_start3A_432 = arith.constant 1 : i32
        %dma_start3A_433 = arith.constant 1 : i32
        %dma_start3A_434 = arith.constant 0 : i32
        %dma_start3A_435 = arith.constant 0 : i32
        %dma_start3A_436 = tpu.memref_slice %arg6[%dma_start3A_433, %dma_start3A_434, %dma_start3A_435] : memref<2x512x32xf32, #tpu.memory_space<vmem>> -> memref<1x512x32xf32, #tpu.memory_space<vmem>>
        %dma_start3A_437 = tpu.memref_squeeze %dma_start3A_436 : memref<1x512x32xf32, #tpu.memory_space<vmem>> -> memref<512x32xf32, #tpu.memory_space<vmem>>
        %dma_start3A_438 = arith.constant 0 : i32
        %dma_start3A_439 = tpu.memref_slice %arg5[%dma_start3A_432, %dma_start3A_438] : memref<2x512xi32, #tpu.memory_space<vmem>> -> memref<1x512xi32, #tpu.memory_space<vmem>>
        %dma_start3A_440 = tpu.memref_squeeze %dma_start3A_439 : memref<1x512xi32, #tpu.memory_space<vmem>> -> memref<512xi32, #tpu.memory_space<vmem>>
        %dma_start3A_441 = arith.constant 0 : i32
        %dma_start3A_442 = arith.constant 0 : i32
        %dma_start3A_443 = tpu.memref_slice %arg3[%dma_start3A_441, %dma_start3A_442] : memref<1000000x32xf32, #tpu.memory_space<hbm>> -> memref<1000000x32xf32, #tpu.memory_space<hbm>>
        tpu.enqueue_indirect_dma source(%dma_start3A_443 : memref<1000000x32xf32, #tpu.memory_space<hbm>>) target(%dma_start3A_437 : memref<512x32xf32, #tpu.memory_space<vmem>>) offsets(%dma_start3A_440 : memref<512xi32, #tpu.memory_space<vmem>>) semaphore(%arg11 : memref<!tpu.dma_semaphore, #tpu.memory_space<semaphore_mem>>)
      } else {
      }
      %ge3A = arith.constant 2 : i32
      %ge3A_190 = arith.cmpi sge, %add3A_175, %ge3A : i32
      %convert_element_type3A_191 = arith.extui %ge3A_190 : i1 to i32
      %cond3A_192 = arith.constant 0 : i32
      %cond3A_193 = arith.cmpi ne, %convert_element_type3A_191, %cond3A_192 : i32
      scf.if %cond3A_193 {
        %dma_wait3A_418 = arith.constant 0 : i32
        %dma_wait3A_419 = arith.constant 0 : i32
        %dma_wait3A_420 = tpu.memref_slice %arg7[%dma_wait3A_418, %dma_wait3A_419] : memref<2x16384xf32, #tpu.memory_space<vmem>> -> memref<1x4096xf32, #tpu.memory_space<vmem>>
        %dma_wait3A_421 = tpu.memref_squeeze %dma_wait3A_420 : memref<1x4096xf32, #tpu.memory_space<vmem>> -> memref<4096xf32, #tpu.memory_space<vmem>>
        %dma_wait3A_422 = arith.constant 0 : i32
        %dma_wait3A_423 = tpu.memref_slice %arg4[%dma_wait3A_422] : memref<26214400xf32, #tpu.memory_space<hbm>> -> memref<4096xf32, #tpu.memory_space<hbm>>
        %dma_wait3A_424 = arith.constant 0 : i32
        %dma_wait3A_425 = tpu.memref_slice %arg4[%dma_wait3A_424] : memref<26214400xf32, #tpu.memory_space<hbm>> -> memref<4096xf32, #tpu.memory_space<hbm>>
        %dma_wait3A_426 = arith.constant 0 : i32
        %dma_wait3A_427 = tpu.memref_slice %arg7[%dma_wait3A_418, %dma_wait3A_426] : memref<2x16384xf32, #tpu.memory_space<vmem>> -> memref<1x4096xf32, #tpu.memory_space<vmem>>
        %dma_wait3A_428 = tpu.memref_squeeze %dma_wait3A_427 : memref<1x4096xf32, #tpu.memory_space<vmem>> -> memref<4096xf32, #tpu.memory_space<vmem>>
        tpu.wait_dma2 semaphore(%arg12 : memref<!tpu.dma_semaphore, #tpu.memory_space<semaphore_mem>>) src(%dma_wait3A_428 : memref<4096xf32, #tpu.memory_space<vmem>>) dst(%dma_wait3A_425 : memref<4096xf32, #tpu.memory_space<hbm>>)
        %dma_wait3A_429 = arith.constant 0 : i32
        %dma_wait3A_430 = arith.constant 4096 : i32
        %dma_wait3A_431 = tpu.memref_slice %arg7[%dma_wait3A_429, %dma_wait3A_430] : memref<2x16384xf32, #tpu.memory_space<vmem>> -> memref<1x4096xf32, #tpu.memory_space<vmem>>
        %dma_wait3A_432 = tpu.memref_squeeze %dma_wait3A_431 : memref<1x4096xf32, #tpu.memory_space<vmem>> -> memref<4096xf32, #tpu.memory_space<vmem>>
        %dma_wait3A_433 = arith.constant 0 : i32
        %dma_wait3A_434 = tpu.memref_slice %arg4[%dma_wait3A_433] : memref<26214400xf32, #tpu.memory_space<hbm>> -> memref<4096xf32, #tpu.memory_space<hbm>>
        %dma_wait3A_435 = arith.constant 0 : i32
        %dma_wait3A_436 = tpu.memref_slice %arg4[%dma_wait3A_435] : memref<26214400xf32, #tpu.memory_space<hbm>> -> memref<4096xf32, #tpu.memory_space<hbm>>
        %dma_wait3A_437 = arith.constant 4096 : i32
        %dma_wait3A_438 = tpu.memref_slice %arg7[%dma_wait3A_429, %dma_wait3A_437] : memref<2x16384xf32, #tpu.memory_space<vmem>> -> memref<1x4096xf32, #tpu.memory_space<vmem>>
        %dma_wait3A_439 = tpu.memref_squeeze %dma_wait3A_438 : memref<1x4096xf32, #tpu.memory_space<vmem>> -> memref<4096xf32, #tpu.memory_space<vmem>>
        tpu.wait_dma2 semaphore(%arg12 : memref<!tpu.dma_semaphore, #tpu.memory_space<semaphore_mem>>) src(%dma_wait3A_439 : memref<4096xf32, #tpu.memory_space<vmem>>) dst(%dma_wait3A_436 : memref<4096xf32, #tpu.memory_space<hbm>>)
        %dma_wait3A_440 = arith.constant 0 : i32
        %dma_wait3A_441 = arith.constant 8192 : i32
        %dma_wait3A_442 = tpu.memref_slice %arg7[%dma_wait3A_440, %dma_wait3A_441] : memref<2x16384xf32, #tpu.memory_space<vmem>> -> memref<1x4096xf32, #tpu.memory_space<vmem>>
        %dma_wait3A_443 = tpu.memref_squeeze %dma_wait3A_442 : memref<1x4096xf32, #tpu.memory_space<vmem>> -> memref<4096xf32, #tpu.memory_space<vmem>>
        %dma_wait3A_444 = arith.constant 0 : i32
        %dma_wait3A_445 = tpu.memref_slice %arg4[%dma_wait3A_444] : memref<26214400xf32, #tpu.memory_space<hbm>> -> memref<4096xf32, #tpu.memory_space<hbm>>
        %dma_wait3A_446 = arith.constant 0 : i32
        %dma_wait3A_447 = tpu.memref_slice %arg4[%dma_wait3A_446] : memref<26214400xf32, #tpu.memory_space<hbm>> -> memref<4096xf32, #tpu.memory_space<hbm>>
        %dma_wait3A_448 = arith.constant 8192 : i32
        %dma_wait3A_449 = tpu.memref_slice %arg7[%dma_wait3A_440, %dma_wait3A_448] : memref<2x16384xf32, #tpu.memory_space<vmem>> -> memref<1x4096xf32, #tpu.memory_space<vmem>>
        %dma_wait3A_450 = tpu.memref_squeeze %dma_wait3A_449 : memref<1x4096xf32, #tpu.memory_space<vmem>> -> memref<4096xf32, #tpu.memory_space<vmem>>
        tpu.wait_dma2 semaphore(%arg12 : memref<!tpu.dma_semaphore, #tpu.memory_space<semaphore_mem>>) src(%dma_wait3A_450 : memref<4096xf32, #tpu.memory_space<vmem>>) dst(%dma_wait3A_447 : memref<4096xf32, #tpu.memory_space<hbm>>)
        %dma_wait3A_451 = arith.constant 0 : i32
        %dma_wait3A_452 = arith.constant 12288 : i32
        %dma_wait3A_453 = tpu.memref_slice %arg7[%dma_wait3A_451, %dma_wait3A_452] : memref<2x16384xf32, #tpu.memory_space<vmem>> -> memref<1x4096xf32, #tpu.memory_space<vmem>>
        %dma_wait3A_454 = tpu.memref_squeeze %dma_wait3A_453 : memref<1x4096xf32, #tpu.memory_space<vmem>> -> memref<4096xf32, #tpu.memory_space<vmem>>
        %dma_wait3A_455 = arith.constant 0 : i32
        %dma_wait3A_456 = tpu.memref_slice %arg4[%dma_wait3A_455] : memref<26214400xf32, #tpu.memory_space<hbm>> -> memref<4096xf32, #tpu.memory_space<hbm>>
        %dma_wait3A_457 = arith.constant 0 : i32
        %dma_wait3A_458 = tpu.memref_slice %arg4[%dma_wait3A_457] : memref<26214400xf32, #tpu.memory_space<hbm>> -> memref<4096xf32, #tpu.memory_space<hbm>>
        %dma_wait3A_459 = arith.constant 12288 : i32
        %dma_wait3A_460 = tpu.memref_slice %arg7[%dma_wait3A_451, %dma_wait3A_459] : memref<2x16384xf32, #tpu.memory_space<vmem>> -> memref<1x4096xf32, #tpu.memory_space<vmem>>
        %dma_wait3A_461 = tpu.memref_squeeze %dma_wait3A_460 : memref<1x4096xf32, #tpu.memory_space<vmem>> -> memref<4096xf32, #tpu.memory_space<vmem>>
        tpu.wait_dma2 semaphore(%arg12 : memref<!tpu.dma_semaphore, #tpu.memory_space<semaphore_mem>>) src(%dma_wait3A_461 : memref<4096xf32, #tpu.memory_space<vmem>>) dst(%dma_wait3A_458 : memref<4096xf32, #tpu.memory_space<hbm>>)
      } else {
      }
      %add3A_194 = arith.addi %mul3A_15, %add3A_175 : i32
      %shift_right_arithmetic3A_195 = arith.constant 5 : i32
      %shift_right_arithmetic3A_196 = arith.shrsi %add3A_194, %shift_right_arithmetic3A_195 : i32
      %and3A_197 = arith.constant 31 : i32
      %and3A_198 = arith.andi %add3A_194, %and3A_197 : i32
      %add3A_199 = arith.constant 0 : i32
      %add3A_200 = vector.broadcast %add3A_199 : i32 to vector<16xi32>
      %add3A_201 = arith.addi %add3A_10, %add3A_200 : vector<16xi32>
      %add3A_202 = arith.constant 0 : i32
      %add3A_203 = vector.broadcast %add3A_202 : i32 to vector<16xi32>
      %add3A_204 = arith.addi %add3A_13, %add3A_203 : vector<16xi32>
      %parallel_loop3A = arith.constant 0 : i32
      %parallel_loop3A_205 = arith.constant 128 : i32
      %parallel_loop3A_206 = arith.constant 1 : i32
      scf.for %parallel_loop3A_418 = %parallel_loop3A to %parallel_loop3A_205 step %parallel_loop3A_206  : i32 {
        %parallel_loop3A_419 = arith.constant 0 : i32
        %parallel_loop3A_420 = arith.addi %parallel_loop3A_419, %parallel_loop3A_418 : i32
        %parallel_loop3A_421 = arith.constant 0 : i32
        %parallel_loop3A_422 = arith.index_cast %parallel_loop3A_421 : i32 to index
        %parallel_loop3A_423 = arith.index_cast %parallel_loop3A_420 : i32 to index
        %parallel_loop3A_424 = arith.constant 0 : index
        %parallel_loop3A_425 = tpu.vector_load %arg6[%parallel_loop3A_422, %parallel_loop3A_423, %parallel_loop3A_424] {strides = array<i32>} : memref<2x512x32xf32, #tpu.memory_space<vmem>>, vector<16xf32>,
        %parallel_loop3A_426 = vector.broadcast %parallel_loop3A_418 : i32 to vector<16xi32>
        %parallel_loop3A_427 = arith.addi %add3A_201, %parallel_loop3A_426 : vector<16xi32>
        %parallel_loop3A_428 = arith.constant 0 : i32
        %parallel_loop3A_429 = arith.constant 0 : i32
        %parallel_loop3A_430 = tpu.memref_slice %arg7[%parallel_loop3A_428, %parallel_loop3A_429] : memref<2x16384xf32, #tpu.memory_space<vmem>> -> memref<1x16384xf32, #tpu.memory_space<vmem>>
        %parallel_loop3A_431 = tpu.memref_squeeze %parallel_loop3A_430 : memref<1x16384xf32, #tpu.memory_space<vmem>> -> memref<16384xf32, #tpu.memory_space<vmem>>
        tpu.vector_store_idx %parallel_loop3A_431[%parallel_loop3A_427], %parallel_loop3A_425 : memref<16384xf32, #tpu.memory_space<vmem>>[vector<16xi32>], vector<16xf32>,
        %parallel_loop3A_432 = arith.constant 0 : i32
        %parallel_loop3A_433 = arith.index_cast %parallel_loop3A_432 : i32 to index
        %parallel_loop3A_434 = arith.index_cast %parallel_loop3A_420 : i32 to index
        %parallel_loop3A_435 = arith.constant 16 : index
        %parallel_loop3A_436 = tpu.vector_load %arg6[%parallel_loop3A_433, %parallel_loop3A_434, %parallel_loop3A_435] {strides = array<i32>} : memref<2x512x32xf32, #tpu.memory_space<vmem>>, vector<16xf32>,
        %parallel_loop3A_437 = vector.broadcast %parallel_loop3A_418 : i32 to vector<16xi32>
        %parallel_loop3A_438 = arith.addi %add3A_204, %parallel_loop3A_437 : vector<16xi32>
        %parallel_loop3A_439 = arith.constant 0 : i32
        %parallel_loop3A_440 = arith.constant 0 : i32
        %parallel_loop3A_441 = tpu.memref_slice %arg7[%parallel_loop3A_439, %parallel_loop3A_440] : memref<2x16384xf32, #tpu.memory_space<vmem>> -> memref<1x16384xf32, #tpu.memory_space<vmem>>
        %parallel_loop3A_442 = tpu.memref_squeeze %parallel_loop3A_441 : memref<1x16384xf32, #tpu.memory_space<vmem>> -> memref<16384xf32, #tpu.memory_space<vmem>>
        tpu.vector_store_idx %parallel_loop3A_442[%parallel_loop3A_438], %parallel_loop3A_436 : memref<16384xf32, #tpu.memory_space<vmem>>[vector<16xi32>], vector<16xf32>,
      } {sc.loop_unroll_factor = 16 : i64, sc.parallel_access}
      %add3A_207 = arith.constant 1024 : i32
      %add3A_208 = vector.broadcast %add3A_207 : i32 to vector<16xi32>
      %add3A_209 = arith.addi %add3A_10, %add3A_208 : vector<16xi32>
      %add3A_210 = arith.constant 1024 : i32
      %add3A_211 = vector.broadcast %add3A_210 : i32 to vector<16xi32>
      %add3A_212 = arith.addi %add3A_13, %add3A_211 : vector<16xi32>
      %parallel_loop3A_213 = arith.constant 0 : i32
      %parallel_loop3A_214 = arith.constant 128 : i32
      %parallel_loop3A_215 = arith.constant 1 : i32
      scf.for %parallel_loop3A_418 = %parallel_loop3A_213 to %parallel_loop3A_214 step %parallel_loop3A_215  : i32 {
        %parallel_loop3A_419 = arith.constant 128 : i32
        %parallel_loop3A_420 = arith.addi %parallel_loop3A_419, %parallel_loop3A_418 : i32
        %parallel_loop3A_421 = arith.constant 0 : i32
        %parallel_loop3A_422 = arith.index_cast %parallel_loop3A_421 : i32 to index
        %parallel_loop3A_423 = arith.index_cast %parallel_loop3A_420 : i32 to index
        %parallel_loop3A_424 = arith.constant 0 : index
        %parallel_loop3A_425 = tpu.vector_load %arg6[%parallel_loop3A_422, %parallel_loop3A_423, %parallel_loop3A_424] {strides = array<i32>} : memref<2x512x32xf32, #tpu.memory_space<vmem>>, vector<16xf32>,
        %parallel_loop3A_426 = vector.broadcast %parallel_loop3A_418 : i32 to vector<16xi32>
        %parallel_loop3A_427 = arith.addi %add3A_209, %parallel_loop3A_426 : vector<16xi32>
        %parallel_loop3A_428 = arith.constant 0 : i32
        %parallel_loop3A_429 = arith.constant 0 : i32
        %parallel_loop3A_430 = tpu.memref_slice %arg7[%parallel_loop3A_428, %parallel_loop3A_429] : memref<2x16384xf32, #tpu.memory_space<vmem>> -> memref<1x16384xf32, #tpu.memory_space<vmem>>
        %parallel_loop3A_431 = tpu.memref_squeeze %parallel_loop3A_430 : memref<1x16384xf32, #tpu.memory_space<vmem>> -> memref<16384xf32, #tpu.memory_space<vmem>>
        tpu.vector_store_idx %parallel_loop3A_431[%parallel_loop3A_427], %parallel_loop3A_425 : memref<16384xf32, #tpu.memory_space<vmem>>[vector<16xi32>], vector<16xf32>,
        %parallel_loop3A_432 = arith.constant 0 : i32
        %parallel_loop3A_433 = arith.index_cast %parallel_loop3A_432 : i32 to index
        %parallel_loop3A_434 = arith.index_cast %parallel_loop3A_420 : i32 to index
        %parallel_loop3A_435 = arith.constant 16 : index
        %parallel_loop3A_436 = tpu.vector_load %arg6[%parallel_loop3A_433, %parallel_loop3A_434, %parallel_loop3A_435] {strides = array<i32>} : memref<2x512x32xf32, #tpu.memory_space<vmem>>, vector<16xf32>,
        %parallel_loop3A_437 = vector.broadcast %parallel_loop3A_418 : i32 to vector<16xi32>
        %parallel_loop3A_438 = arith.addi %add3A_212, %parallel_loop3A_437 : vector<16xi32>
        %parallel_loop3A_439 = arith.constant 0 : i32
        %parallel_loop3A_440 = arith.constant 0 : i32
        %parallel_loop3A_441 = tpu.memref_slice %arg7[%parallel_loop3A_439, %parallel_loop3A_440] : memref<2x16384xf32, #tpu.memory_space<vmem>> -> memref<1x16384xf32, #tpu.memory_space<vmem>>
        %parallel_loop3A_442 = tpu.memref_squeeze %parallel_loop3A_441 : memref<1x16384xf32, #tpu.memory_space<vmem>> -> memref<16384xf32, #tpu.memory_space<vmem>>
        tpu.vector_store_idx %parallel_loop3A_442[%parallel_loop3A_438], %parallel_loop3A_436 : memref<16384xf32, #tpu.memory_space<vmem>>[vector<16xi32>], vector<16xf32>,
      } {sc.loop_unroll_factor = 16 : i64, sc.parallel_access}
      %add3A_216 = arith.constant 2048 : i32
      %add3A_217 = vector.broadcast %add3A_216 : i32 to vector<16xi32>
      %add3A_218 = arith.addi %add3A_10, %add3A_217 : vector<16xi32>
      %add3A_219 = arith.constant 2048 : i32
      %add3A_220 = vector.broadcast %add3A_219 : i32 to vector<16xi32>
      %add3A_221 = arith.addi %add3A_13, %add3A_220 : vector<16xi32>
      %parallel_loop3A_222 = arith.constant 0 : i32
      %parallel_loop3A_223 = arith.constant 128 : i32
      %parallel_loop3A_224 = arith.constant 1 : i32
      scf.for %parallel_loop3A_418 = %parallel_loop3A_222 to %parallel_loop3A_223 step %parallel_loop3A_224  : i32 {
        %parallel_loop3A_419 = arith.constant 256 : i32
        %parallel_loop3A_420 = arith.addi %parallel_loop3A_419, %parallel_loop3A_418 : i32
        %parallel_loop3A_421 = arith.constant 0 : i32
        %parallel_loop3A_422 = arith.index_cast %parallel_loop3A_421 : i32 to index
        %parallel_loop3A_423 = arith.index_cast %parallel_loop3A_420 : i32 to index
        %parallel_loop3A_424 = arith.constant 0 : index
        %parallel_loop3A_425 = tpu.vector_load %arg6[%parallel_loop3A_422, %parallel_loop3A_423, %parallel_loop3A_424] {strides = array<i32>} : memref<2x512x32xf32, #tpu.memory_space<vmem>>, vector<16xf32>,
        %parallel_loop3A_426 = vector.broadcast %parallel_loop3A_418 : i32 to vector<16xi32>
        %parallel_loop3A_427 = arith.addi %add3A_218, %parallel_loop3A_426 : vector<16xi32>
        %parallel_loop3A_428 = arith.constant 0 : i32
        %parallel_loop3A_429 = arith.constant 0 : i32
        %parallel_loop3A_430 = tpu.memref_slice %arg7[%parallel_loop3A_428, %parallel_loop3A_429] : memref<2x16384xf32, #tpu.memory_space<vmem>> -> memref<1x16384xf32, #tpu.memory_space<vmem>>
        %parallel_loop3A_431 = tpu.memref_squeeze %parallel_loop3A_430 : memref<1x16384xf32, #tpu.memory_space<vmem>> -> memref<16384xf32, #tpu.memory_space<vmem>>
        tpu.vector_store_idx %parallel_loop3A_431[%parallel_loop3A_427], %parallel_loop3A_425 : memref<16384xf32, #tpu.memory_space<vmem>>[vector<16xi32>], vector<16xf32>,
        %parallel_loop3A_432 = arith.constant 0 : i32
        %parallel_loop3A_433 = arith.index_cast %parallel_loop3A_432 : i32 to index
        %parallel_loop3A_434 = arith.index_cast %parallel_loop3A_420 : i32 to index
        %parallel_loop3A_435 = arith.constant 16 : index
        %parallel_loop3A_436 = tpu.vector_load %arg6[%parallel_loop3A_433, %parallel_loop3A_434, %parallel_loop3A_435] {strides = array<i32>} : memref<2x512x32xf32, #tpu.memory_space<vmem>>, vector<16xf32>,
        %parallel_loop3A_437 = vector.broadcast %parallel_loop3A_418 : i32 to vector<16xi32>
        %parallel_loop3A_438 = arith.addi %add3A_221, %parallel_loop3A_437 : vector<16xi32>
        %parallel_loop3A_439 = arith.constant 0 : i32
        %parallel_loop3A_440 = arith.constant 0 : i32
        %parallel_loop3A_441 = tpu.memref_slice %arg7[%parallel_loop3A_439, %parallel_loop3A_440] : memref<2x16384xf32, #tpu.memory_space<vmem>> -> memref<1x16384xf32, #tpu.memory_space<vmem>>
        %parallel_loop3A_442 = tpu.memref_squeeze %parallel_loop3A_441 : memref<1x16384xf32, #tpu.memory_space<vmem>> -> memref<16384xf32, #tpu.memory_space<vmem>>
        tpu.vector_store_idx %parallel_loop3A_442[%parallel_loop3A_438], %parallel_loop3A_436 : memref<16384xf32, #tpu.memory_space<vmem>>[vector<16xi32>], vector<16xf32>,
      } {sc.loop_unroll_factor = 16 : i64, sc.parallel_access}
      %add3A_225 = arith.constant 3072 : i32
      %add3A_226 = vector.broadcast %add3A_225 : i32 to vector<16xi32>
      %add3A_227 = arith.addi %add3A_10, %add3A_226 : vector<16xi32>
      %add3A_228 = arith.constant 3072 : i32
      %add3A_229 = vector.broadcast %add3A_228 : i32 to vector<16xi32>
      %add3A_230 = arith.addi %add3A_13, %add3A_229 : vector<16xi32>
      %parallel_loop3A_231 = arith.constant 0 : i32
      %parallel_loop3A_232 = arith.constant 128 : i32
      %parallel_loop3A_233 = arith.constant 1 : i32
      scf.for %parallel_loop3A_418 = %parallel_loop3A_231 to %parallel_loop3A_232 step %parallel_loop3A_233  : i32 {
        %parallel_loop3A_419 = arith.constant 384 : i32
        %parallel_loop3A_420 = arith.addi %parallel_loop3A_419, %parallel_loop3A_418 : i32
        %parallel_loop3A_421 = arith.constant 0 : i32
        %parallel_loop3A_422 = arith.index_cast %parallel_loop3A_421 : i32 to index
        %parallel_loop3A_423 = arith.index_cast %parallel_loop3A_420 : i32 to index
        %parallel_loop3A_424 = arith.constant 0 : index
        %parallel_loop3A_425 = tpu.vector_load %arg6[%parallel_loop3A_422, %parallel_loop3A_423, %parallel_loop3A_424] {strides = array<i32>} : memref<2x512x32xf32, #tpu.memory_space<vmem>>, vector<16xf32>,
        %parallel_loop3A_426 = vector.broadcast %parallel_loop3A_418 : i32 to vector<16xi32>
        %parallel_loop3A_427 = arith.addi %add3A_227, %parallel_loop3A_426 : vector<16xi32>
        %parallel_loop3A_428 = arith.constant 0 : i32
        %parallel_loop3A_429 = arith.constant 0 : i32
        %parallel_loop3A_430 = tpu.memref_slice %arg7[%parallel_loop3A_428, %parallel_loop3A_429] : memref<2x16384xf32, #tpu.memory_space<vmem>> -> memref<1x16384xf32, #tpu.memory_space<vmem>>
        %parallel_loop3A_431 = tpu.memref_squeeze %parallel_loop3A_430 : memref<1x16384xf32, #tpu.memory_space<vmem>> -> memref<16384xf32, #tpu.memory_space<vmem>>
        tpu.vector_store_idx %parallel_loop3A_431[%parallel_loop3A_427], %parallel_loop3A_425 : memref<16384xf32, #tpu.memory_space<vmem>>[vector<16xi32>], vector<16xf32>,
        %parallel_loop3A_432 = arith.constant 0 : i32
        %parallel_loop3A_433 = arith.index_cast %parallel_loop3A_432 : i32 to index
        %parallel_loop3A_434 = arith.index_cast %parallel_loop3A_420 : i32 to index
        %parallel_loop3A_435 = arith.constant 16 : index
        %parallel_loop3A_436 = tpu.vector_load %arg6[%parallel_loop3A_433, %parallel_loop3A_434, %parallel_loop3A_435] {strides = array<i32>} : memref<2x512x32xf32, #tpu.memory_space<vmem>>, vector<16xf32>,
        %parallel_loop3A_437 = vector.broadcast %parallel_loop3A_418 : i32 to vector<16xi32>
        %parallel_loop3A_438 = arith.addi %add3A_230, %parallel_loop3A_437 : vector<16xi32>
        %parallel_loop3A_439 = arith.constant 0 : i32
        %parallel_loop3A_440 = arith.constant 0 : i32
        %parallel_loop3A_441 = tpu.memref_slice %arg7[%parallel_loop3A_439, %parallel_loop3A_440] : memref<2x16384xf32, #tpu.memory_space<vmem>> -> memref<1x16384xf32, #tpu.memory_space<vmem>>
        %parallel_loop3A_442 = tpu.memref_squeeze %parallel_loop3A_441 : memref<1x16384xf32, #tpu.memory_space<vmem>> -> memref<16384xf32, #tpu.memory_space<vmem>>
        tpu.vector_store_idx %parallel_loop3A_442[%parallel_loop3A_438], %parallel_loop3A_436 : memref<16384xf32, #tpu.memory_space<vmem>>[vector<16xi32>], vector<16xf32>,
      } {sc.loop_unroll_factor = 16 : i64, sc.parallel_access}
      %mul3A_234 = arith.constant 4 : i32
      %mul3A_235 = arith.muli %shift_right_arithmetic3A_196, %mul3A_234 : i32
      %mul3A_236 = arith.constant 128 : i32
      %mul3A_237 = arith.muli %mul3A_235, %mul3A_236 : i32
      %mul3A_238 = arith.constant 4 : i32
      %mul3A_239 = arith.muli %and3A_198, %mul3A_238 : i32
      %add3A_240 = arith.addi %mul3A_237, %mul3A_239 : i32
      %mul3A_241 = arith.constant 1024 : i32
      %mul3A_242 = arith.muli %add3A_240, %mul3A_241 : i32
      %add3A_243 = arith.constant 0 : i32
      %add3A_244 = arith.addi %mul3A_242, %add3A_243 : i32
      %dma_start3A_245 = arith.constant 0 : i32
      %dma_start3A_246 = arith.constant 0 : i32
      %dma_start3A_247 = tpu.memref_slice %arg7[%dma_start3A_245, %dma_start3A_246] : memref<2x16384xf32, #tpu.memory_space<vmem>> -> memref<1x4096xf32, #tpu.memory_space<vmem>>
      %dma_start3A_248 = tpu.memref_squeeze %dma_start3A_247 : memref<1x4096xf32, #tpu.memory_space<vmem>> -> memref<4096xf32, #tpu.memory_space<vmem>>
      %dma_start3A_249 = tpu.memref_slice %arg4[%add3A_244] : memref<26214400xf32, #tpu.memory_space<hbm>> -> memref<4096xf32, #tpu.memory_space<hbm>>
      %dma_start3A_250 = tpu.memref_slice %arg4[%add3A_244] : memref<26214400xf32, #tpu.memory_space<hbm>> -> memref<4096xf32, #tpu.memory_space<hbm>>
      %dma_start3A_251 = arith.constant 0 : i32
      %dma_start3A_252 = tpu.memref_slice %arg7[%dma_start3A_245, %dma_start3A_251] : memref<2x16384xf32, #tpu.memory_space<vmem>> -> memref<1x4096xf32, #tpu.memory_space<vmem>>
      %dma_start3A_253 = tpu.memref_squeeze %dma_start3A_252 : memref<1x4096xf32, #tpu.memory_space<vmem>> -> memref<4096xf32, #tpu.memory_space<vmem>>
      tpu.enqueue_dma source(%dma_start3A_253 : memref<4096xf32, #tpu.memory_space<vmem>>) target(%dma_start3A_250 : memref<4096xf32, #tpu.memory_space<hbm>>) target_semaphore(%arg12 : memref<!tpu.dma_semaphore, #tpu.memory_space<semaphore_mem>>)
      %add3A_254 = arith.constant 131072 : i32
      %add3A_255 = arith.addi %mul3A_242, %add3A_254 : i32
      %dma_start3A_256 = arith.constant 0 : i32
      %dma_start3A_257 = arith.constant 4096 : i32
      %dma_start3A_258 = tpu.memref_slice %arg7[%dma_start3A_256, %dma_start3A_257] : memref<2x16384xf32, #tpu.memory_space<vmem>> -> memref<1x4096xf32, #tpu.memory_space<vmem>>
      %dma_start3A_259 = tpu.memref_squeeze %dma_start3A_258 : memref<1x4096xf32, #tpu.memory_space<vmem>> -> memref<4096xf32, #tpu.memory_space<vmem>>
      %dma_start3A_260 = tpu.memref_slice %arg4[%add3A_255] : memref<26214400xf32, #tpu.memory_space<hbm>> -> memref<4096xf32, #tpu.memory_space<hbm>>
      %dma_start3A_261 = tpu.memref_slice %arg4[%add3A_255] : memref<26214400xf32, #tpu.memory_space<hbm>> -> memref<4096xf32, #tpu.memory_space<hbm>>
      %dma_start3A_262 = arith.constant 4096 : i32
      %dma_start3A_263 = tpu.memref_slice %arg7[%dma_start3A_256, %dma_start3A_262] : memref<2x16384xf32, #tpu.memory_space<vmem>> -> memref<1x4096xf32, #tpu.memory_space<vmem>>
      %dma_start3A_264 = tpu.memref_squeeze %dma_start3A_263 : memref<1x4096xf32, #tpu.memory_space<vmem>> -> memref<4096xf32, #tpu.memory_space<vmem>>
      tpu.enqueue_dma source(%dma_start3A_264 : memref<4096xf32, #tpu.memory_space<vmem>>) target(%dma_start3A_261 : memref<4096xf32, #tpu.memory_space<hbm>>) target_semaphore(%arg12 : memref<!tpu.dma_semaphore, #tpu.memory_space<semaphore_mem>>)
      %add3A_265 = arith.constant 262144 : i32
      %add3A_266 = arith.addi %mul3A_242, %add3A_265 : i32
      %dma_start3A_267 = arith.constant 0 : i32
      %dma_start3A_268 = arith.constant 8192 : i32
      %dma_start3A_269 = tpu.memref_slice %arg7[%dma_start3A_267, %dma_start3A_268] : memref<2x16384xf32, #tpu.memory_space<vmem>> -> memref<1x4096xf32, #tpu.memory_space<vmem>>
      %dma_start3A_270 = tpu.memref_squeeze %dma_start3A_269 : memref<1x4096xf32, #tpu.memory_space<vmem>> -> memref<4096xf32, #tpu.memory_space<vmem>>
      %dma_start3A_271 = tpu.memref_slice %arg4[%add3A_266] : memref<26214400xf32, #tpu.memory_space<hbm>> -> memref<4096xf32, #tpu.memory_space<hbm>>
      %dma_start3A_272 = tpu.memref_slice %arg4[%add3A_266] : memref<26214400xf32, #tpu.memory_space<hbm>> -> memref<4096xf32, #tpu.memory_space<hbm>>
      %dma_start3A_273 = arith.constant 8192 : i32
      %dma_start3A_274 = tpu.memref_slice %arg7[%dma_start3A_267, %dma_start3A_273] : memref<2x16384xf32, #tpu.memory_space<vmem>> -> memref<1x4096xf32, #tpu.memory_space<vmem>>
      %dma_start3A_275 = tpu.memref_squeeze %dma_start3A_274 : memref<1x4096xf32, #tpu.memory_space<vmem>> -> memref<4096xf32, #tpu.memory_space<vmem>>
      tpu.enqueue_dma source(%dma_start3A_275 : memref<4096xf32, #tpu.memory_space<vmem>>) target(%dma_start3A_272 : memref<4096xf32, #tpu.memory_space<hbm>>) target_semaphore(%arg12 : memref<!tpu.dma_semaphore, #tpu.memory_space<semaphore_mem>>)
      %add3A_276 = arith.constant 393216 : i32
      %add3A_277 = arith.addi %mul3A_242, %add3A_276 : i32
      %dma_start3A_278 = arith.constant 0 : i32
      %dma_start3A_279 = arith.constant 12288 : i32
      %dma_start3A_280 = tpu.memref_slice %arg7[%dma_start3A_278, %dma_start3A_279] : memref<2x16384xf32, #tpu.memory_space<vmem>> -> memref<1x4096xf32, #tpu.memory_space<vmem>>
      %dma_start3A_281 = tpu.memref_squeeze %dma_start3A_280 : memref<1x4096xf32, #tpu.memory_space<vmem>> -> memref<4096xf32, #tpu.memory_space<vmem>>
      %dma_start3A_282 = tpu.memref_slice %arg4[%add3A_277] : memref<26214400xf32, #tpu.memory_space<hbm>> -> memref<4096xf32, #tpu.memory_space<hbm>>
      %dma_start3A_283 = tpu.memref_slice %arg4[%add3A_277] : memref<26214400xf32, #tpu.memory_space<hbm>> -> memref<4096xf32, #tpu.memory_space<hbm>>
      %dma_start3A_284 = arith.constant 12288 : i32
      %dma_start3A_285 = tpu.memref_slice %arg7[%dma_start3A_278, %dma_start3A_284] : memref<2x16384xf32, #tpu.memory_space<vmem>> -> memref<1x4096xf32, #tpu.memory_space<vmem>>
      %dma_start3A_286 = tpu.memref_squeeze %dma_start3A_285 : memref<1x4096xf32, #tpu.memory_space<vmem>> -> memref<4096xf32, #tpu.memory_space<vmem>>
      tpu.enqueue_dma source(%dma_start3A_286 : memref<4096xf32, #tpu.memory_space<vmem>>) target(%dma_start3A_283 : memref<4096xf32, #tpu.memory_space<hbm>>) target_semaphore(%arg12 : memref<!tpu.dma_semaphore, #tpu.memory_space<semaphore_mem>>)
      %lt3A_287 = arith.constant 48 : i32
      %lt3A_288 = arith.cmpi slt, %add3A_175, %lt3A_287 : i32
      %convert_element_type3A_289 = arith.extui %lt3A_288 : i1 to i32
      %cond3A_290 = arith.constant 0 : i32
      %cond3A_291 = arith.cmpi ne, %convert_element_type3A_289, %cond3A_290 : i32
      scf.if %cond3A_291 {
        %add3A_418 = arith.addi %mul3A_15, %add3A_175 : i32
        %add3A_419 = arith.constant 2 : i32
        %add3A_420 = arith.addi %add3A_418, %add3A_419 : i32
        %shift_right_arithmetic3A_421 = arith.constant 5 : i32
        %shift_right_arithmetic3A_422 = arith.shrsi %add3A_420, %shift_right_arithmetic3A_421 : i32
        %and3A_423 = arith.constant 31 : i32
        %and3A_424 = arith.andi %add3A_420, %and3A_423 : i32
        %mul3A_425 = arith.constant 512 : i32
        %mul3A_426 = arith.muli %and3A_424, %mul3A_425 : i32
        %dma_start3A_427 = arith.constant 0 : i32
        %dma_start3A_428 = arith.constant 0 : i32
        %dma_start3A_429 = tpu.memref_slice %arg5[%dma_start3A_427, %dma_start3A_428] : memref<2x512xi32, #tpu.memory_space<vmem>> -> memref<1x512xi32, #tpu.memory_space<vmem>>
        %dma_start3A_430 = tpu.memref_squeeze %dma_start3A_429 : memref<1x512xi32, #tpu.memory_space<vmem>> -> memref<512xi32, #tpu.memory_space<vmem>>
        %dma_start3A_431 = tpu.memref_slice %arg2[%shift_right_arithmetic3A_422, %mul3A_426] : memref<50x16384xi32, #tpu.memory_space<hbm>> -> memref<1x512xi32, #tpu.memory_space<hbm>>
        %dma_start3A_432 = tpu.memref_squeeze %dma_start3A_431 : memref<1x512xi32, #tpu.memory_space<hbm>> -> memref<512xi32, #tpu.memory_space<hbm>>
        %dma_start3A_433 = arith.constant 0 : i32
        %dma_start3A_434 = tpu.memref_slice %arg5[%dma_start3A_427, %dma_start3A_433] : memref<2x512xi32, #tpu.memory_space<vmem>> -> memref<1x512xi32, #tpu.memory_space<vmem>>
        %dma_start3A_435 = tpu.memref_squeeze %dma_start3A_434 : memref<1x512xi32, #tpu.memory_space<vmem>> -> memref<512xi32, #tpu.memory_space<vmem>>
        %dma_start3A_436 = tpu.memref_slice %arg2[%shift_right_arithmetic3A_422, %mul3A_426] : memref<50x16384xi32, #tpu.memory_space<hbm>> -> memref<1x512xi32, #tpu.memory_space<hbm>>
        %dma_start3A_437 = tpu.memref_squeeze %dma_start3A_436 : memref<1x512xi32, #tpu.memory_space<hbm>> -> memref<512xi32, #tpu.memory_space<hbm>>
        tpu.enqueue_dma source(%dma_start3A_437 : memref<512xi32, #tpu.memory_space<hbm>>) target(%dma_start3A_435 : memref<512xi32, #tpu.memory_space<vmem>>) target_semaphore(%arg8 : memref<!tpu.dma_semaphore, #tpu.memory_space<semaphore_mem>>)
      } else {
      }
      %mul3A_292 = arith.constant 2 : i32
      %mul3A_293 = arith.muli %scan3A_170, %mul3A_292 : i32
      %add3A_294 = arith.constant 1 : i32
      %add3A_295 = arith.addi %mul3A_293, %add3A_294 : i32
      %dma_wait3A_296 = arith.constant 1 : i32
      %dma_wait3A_297 = arith.constant 1 : i32
      %dma_wait3A_298 = arith.constant 0 : i32
      %dma_wait3A_299 = arith.constant 0 : i32
      %dma_wait3A_300 = tpu.memref_slice %arg6[%dma_wait3A_297, %dma_wait3A_298, %dma_wait3A_299] : memref<2x512x32xf32, #tpu.memory_space<vmem>> -> memref<1x512x32xf32, #tpu.memory_space<vmem>>
      %dma_wait3A_301 = tpu.memref_squeeze %dma_wait3A_300 : memref<1x512x32xf32, #tpu.memory_space<vmem>> -> memref<512x32xf32, #tpu.memory_space<vmem>>
      %dma_wait3A_302 = arith.constant 0 : i32
      %dma_wait3A_303 = tpu.memref_slice %arg5[%dma_wait3A_296, %dma_wait3A_302] : memref<2x512xi32, #tpu.memory_space<vmem>> -> memref<1x512xi32, #tpu.memory_space<vmem>>
      %dma_wait3A_304 = tpu.memref_squeeze %dma_wait3A_303 : memref<1x512xi32, #tpu.memory_space<vmem>> -> memref<512xi32, #tpu.memory_space<vmem>>
      %dma_wait3A_305 = arith.constant 0 : i32
      %dma_wait3A_306 = arith.constant 0 : i32
      %dma_wait3A_307 = tpu.memref_slice %arg3[%dma_wait3A_305, %dma_wait3A_306] : memref<1000000x32xf32, #tpu.memory_space<hbm>> -> memref<1000000x32xf32, #tpu.memory_space<hbm>>
      tpu.wait_indirect_dma semaphore(%arg11 : memref<!tpu.dma_semaphore, #tpu.memory_space<semaphore_mem>>) src(%dma_wait3A_307 : memref<1000000x32xf32, #tpu.memory_space<hbm>>) dst(%dma_wait3A_301 : memref<512x32xf32, #tpu.memory_space<vmem>>)
      %lt3A_308 = arith.constant 49 : i32
      %lt3A_309 = arith.cmpi slt, %add3A_295, %lt3A_308 : i32
      %convert_element_type3A_310 = arith.extui %lt3A_309 : i1 to i32
      %cond3A_311 = arith.constant 0 : i32
      %cond3A_312 = arith.cmpi ne, %convert_element_type3A_310, %cond3A_311 : i32
      scf.if %cond3A_312 {
        %dma_wait3A_418 = arith.constant 0 : i32
        %dma_wait3A_419 = arith.constant 0 : i32
        %dma_wait3A_420 = arith.constant 0 : i32
        %dma_wait3A_421 = tpu.memref_slice %arg5[%dma_wait3A_419, %dma_wait3A_420] : memref<2x512xi32, #tpu.memory_space<vmem>> -> memref<1x512xi32, #tpu.memory_space<vmem>>
        %dma_wait3A_422 = tpu.memref_squeeze %dma_wait3A_421 : memref<1x512xi32, #tpu.memory_space<vmem>> -> memref<512xi32, #tpu.memory_space<vmem>>
        %dma_wait3A_423 = arith.constant 0 : i32
        %dma_wait3A_424 = tpu.memref_slice %arg2[%dma_wait3A_418, %dma_wait3A_423] : memref<50x16384xi32, #tpu.memory_space<hbm>> -> memref<1x512xi32, #tpu.memory_space<hbm>>
        %dma_wait3A_425 = tpu.memref_squeeze %dma_wait3A_424 : memref<1x512xi32, #tpu.memory_space<hbm>> -> memref<512xi32, #tpu.memory_space<hbm>>
        %dma_wait3A_426 = arith.constant 0 : i32
        %dma_wait3A_427 = tpu.memref_slice %arg5[%dma_wait3A_419, %dma_wait3A_426] : memref<2x512xi32, #tpu.memory_space<vmem>> -> memref<1x512xi32, #tpu.memory_space<vmem>>
        %dma_wait3A_428 = tpu.memref_squeeze %dma_wait3A_427 : memref<1x512xi32, #tpu.memory_space<vmem>> -> memref<512xi32, #tpu.memory_space<vmem>>
        %dma_wait3A_429 = arith.constant 0 : i32
        %dma_wait3A_430 = tpu.memref_slice %arg2[%dma_wait3A_418, %dma_wait3A_429] : memref<50x16384xi32, #tpu.memory_space<hbm>> -> memref<1x512xi32, #tpu.memory_space<hbm>>
        %dma_wait3A_431 = tpu.memref_squeeze %dma_wait3A_430 : memref<1x512xi32, #tpu.memory_space<hbm>> -> memref<512xi32, #tpu.memory_space<hbm>>
        tpu.wait_dma2 semaphore(%arg8 : memref<!tpu.dma_semaphore, #tpu.memory_space<semaphore_mem>>) src(%dma_wait3A_431 : memref<512xi32, #tpu.memory_space<hbm>>) dst(%dma_wait3A_428 : memref<512xi32, #tpu.memory_space<vmem>>)
        %dma_start3A_432 = arith.constant 0 : i32
        %dma_start3A_433 = arith.constant 0 : i32
        %dma_start3A_434 = arith.constant 0 : i32
        %dma_start3A_435 = arith.constant 0 : i32
        %dma_start3A_436 = tpu.memref_slice %arg6[%dma_start3A_433, %dma_start3A_434, %dma_start3A_435] : memref<2x512x32xf32, #tpu.memory_space<vmem>> -> memref<1x512x32xf32, #tpu.memory_space<vmem>>
        %dma_start3A_437 = tpu.memref_squeeze %dma_start3A_436 : memref<1x512x32xf32, #tpu.memory_space<vmem>> -> memref<512x32xf32, #tpu.memory_space<vmem>>
        %dma_start3A_438 = arith.constant 0 : i32
        %dma_start3A_439 = tpu.memref_slice %arg5[%dma_start3A_432, %dma_start3A_438] : memref<2x512xi32, #tpu.memory_space<vmem>> -> memref<1x512xi32, #tpu.memory_space<vmem>>
        %dma_start3A_440 = tpu.memref_squeeze %dma_start3A_439 : memref<1x512xi32, #tpu.memory_space<vmem>> -> memref<512xi32, #tpu.memory_space<vmem>>
        %dma_start3A_441 = arith.constant 0 : i32
        %dma_start3A_442 = arith.constant 0 : i32
        %dma_start3A_443 = tpu.memref_slice %arg3[%dma_start3A_441, %dma_start3A_442] : memref<1000000x32xf32, #tpu.memory_space<hbm>> -> memref<1000000x32xf32, #tpu.memory_space<hbm>>
        tpu.enqueue_indirect_dma source(%dma_start3A_443 : memref<1000000x32xf32, #tpu.memory_space<hbm>>) target(%dma_start3A_437 : memref<512x32xf32, #tpu.memory_space<vmem>>) offsets(%dma_start3A_440 : memref<512xi32, #tpu.memory_space<vmem>>) semaphore(%arg10 : memref<!tpu.dma_semaphore, #tpu.memory_space<semaphore_mem>>)
      } else {
      }
      %ge3A_313 = arith.constant 2 : i32
      %ge3A_314 = arith.cmpi sge, %add3A_295, %ge3A_313 : i32
      %convert_element_type3A_315 = arith.extui %ge3A_314 : i1 to i32
      %cond3A_316 = arith.constant 0 : i32
      %cond3A_317 = arith.cmpi ne, %convert_element_type3A_315, %cond3A_316 : i32
      scf.if %cond3A_317 {
        %dma_wait3A_418 = arith.constant 1 : i32
        %dma_wait3A_419 = arith.constant 0 : i32
        %dma_wait3A_420 = tpu.memref_slice %arg7[%dma_wait3A_418, %dma_wait3A_419] : memref<2x16384xf32, #tpu.memory_space<vmem>> -> memref<1x4096xf32, #tpu.memory_space<vmem>>
        %dma_wait3A_421 = tpu.memref_squeeze %dma_wait3A_420 : memref<1x4096xf32, #tpu.memory_space<vmem>> -> memref<4096xf32, #tpu.memory_space<vmem>>
        %dma_wait3A_422 = arith.constant 0 : i32
        %dma_wait3A_423 = tpu.memref_slice %arg4[%dma_wait3A_422] : memref<26214400xf32, #tpu.memory_space<hbm>> -> memref<4096xf32, #tpu.memory_space<hbm>>
        %dma_wait3A_424 = arith.constant 0 : i32
        %dma_wait3A_425 = tpu.memref_slice %arg4[%dma_wait3A_424] : memref<26214400xf32, #tpu.memory_space<hbm>> -> memref<4096xf32, #tpu.memory_space<hbm>>
        %dma_wait3A_426 = arith.constant 0 : i32
        %dma_wait3A_427 = tpu.memref_slice %arg7[%dma_wait3A_418, %dma_wait3A_426] : memref<2x16384xf32, #tpu.memory_space<vmem>> -> memref<1x4096xf32, #tpu.memory_space<vmem>>
        %dma_wait3A_428 = tpu.memref_squeeze %dma_wait3A_427 : memref<1x4096xf32, #tpu.memory_space<vmem>> -> memref<4096xf32, #tpu.memory_space<vmem>>
        tpu.wait_dma2 semaphore(%arg13 : memref<!tpu.dma_semaphore, #tpu.memory_space<semaphore_mem>>) src(%dma_wait3A_428 : memref<4096xf32, #tpu.memory_space<vmem>>) dst(%dma_wait3A_425 : memref<4096xf32, #tpu.memory_space<hbm>>)
        %dma_wait3A_429 = arith.constant 1 : i32
        %dma_wait3A_430 = arith.constant 4096 : i32
        %dma_wait3A_431 = tpu.memref_slice %arg7[%dma_wait3A_429, %dma_wait3A_430] : memref<2x16384xf32, #tpu.memory_space<vmem>> -> memref<1x4096xf32, #tpu.memory_space<vmem>>
        %dma_wait3A_432 = tpu.memref_squeeze %dma_wait3A_431 : memref<1x4096xf32, #tpu.memory_space<vmem>> -> memref<4096xf32, #tpu.memory_space<vmem>>
        %dma_wait3A_433 = arith.constant 0 : i32
        %dma_wait3A_434 = tpu.memref_slice %arg4[%dma_wait3A_433] : memref<26214400xf32, #tpu.memory_space<hbm>> -> memref<4096xf32, #tpu.memory_space<hbm>>
        %dma_wait3A_435 = arith.constant 0 : i32
        %dma_wait3A_436 = tpu.memref_slice %arg4[%dma_wait3A_435] : memref<26214400xf32, #tpu.memory_space<hbm>> -> memref<4096xf32, #tpu.memory_space<hbm>>
        %dma_wait3A_437 = arith.constant 4096 : i32
        %dma_wait3A_438 = tpu.memref_slice %arg7[%dma_wait3A_429, %dma_wait3A_437] : memref<2x16384xf32, #tpu.memory_space<vmem>> -> memref<1x4096xf32, #tpu.memory_space<vmem>>
        %dma_wait3A_439 = tpu.memref_squeeze %dma_wait3A_438 : memref<1x4096xf32, #tpu.memory_space<vmem>> -> memref<4096xf32, #tpu.memory_space<vmem>>
        tpu.wait_dma2 semaphore(%arg13 : memref<!tpu.dma_semaphore, #tpu.memory_space<semaphore_mem>>) src(%dma_wait3A_439 : memref<4096xf32, #tpu.memory_space<vmem>>) dst(%dma_wait3A_436 : memref<4096xf32, #tpu.memory_space<hbm>>)
        %dma_wait3A_440 = arith.constant 1 : i32
        %dma_wait3A_441 = arith.constant 8192 : i32
        %dma_wait3A_442 = tpu.memref_slice %arg7[%dma_wait3A_440, %dma_wait3A_441] : memref<2x16384xf32, #tpu.memory_space<vmem>> -> memref<1x4096xf32, #tpu.memory_space<vmem>>
        %dma_wait3A_443 = tpu.memref_squeeze %dma_wait3A_442 : memref<1x4096xf32, #tpu.memory_space<vmem>> -> memref<4096xf32, #tpu.memory_space<vmem>>
        %dma_wait3A_444 = arith.constant 0 : i32
        %dma_wait3A_445 = tpu.memref_slice %arg4[%dma_wait3A_444] : memref<26214400xf32, #tpu.memory_space<hbm>> -> memref<4096xf32, #tpu.memory_space<hbm>>
        %dma_wait3A_446 = arith.constant 0 : i32
        %dma_wait3A_447 = tpu.memref_slice %arg4[%dma_wait3A_446] : memref<26214400xf32, #tpu.memory_space<hbm>> -> memref<4096xf32, #tpu.memory_space<hbm>>
        %dma_wait3A_448 = arith.constant 8192 : i32
        %dma_wait3A_449 = tpu.memref_slice %arg7[%dma_wait3A_440, %dma_wait3A_448] : memref<2x16384xf32, #tpu.memory_space<vmem>> -> memref<1x4096xf32, #tpu.memory_space<vmem>>
        %dma_wait3A_450 = tpu.memref_squeeze %dma_wait3A_449 : memref<1x4096xf32, #tpu.memory_space<vmem>> -> memref<4096xf32, #tpu.memory_space<vmem>>
        tpu.wait_dma2 semaphore(%arg13 : memref<!tpu.dma_semaphore, #tpu.memory_space<semaphore_mem>>) src(%dma_wait3A_450 : memref<4096xf32, #tpu.memory_space<vmem>>) dst(%dma_wait3A_447 : memref<4096xf32, #tpu.memory_space<hbm>>)
        %dma_wait3A_451 = arith.constant 1 : i32
        %dma_wait3A_452 = arith.constant 12288 : i32
        %dma_wait3A_453 = tpu.memref_slice %arg7[%dma_wait3A_451, %dma_wait3A_452] : memref<2x16384xf32, #tpu.memory_space<vmem>> -> memref<1x4096xf32, #tpu.memory_space<vmem>>
        %dma_wait3A_454 = tpu.memref_squeeze %dma_wait3A_453 : memref<1x4096xf32, #tpu.memory_space<vmem>> -> memref<4096xf32, #tpu.memory_space<vmem>>
        %dma_wait3A_455 = arith.constant 0 : i32
        %dma_wait3A_456 = tpu.memref_slice %arg4[%dma_wait3A_455] : memref<26214400xf32, #tpu.memory_space<hbm>> -> memref<4096xf32, #tpu.memory_space<hbm>>
        %dma_wait3A_457 = arith.constant 0 : i32
        %dma_wait3A_458 = tpu.memref_slice %arg4[%dma_wait3A_457] : memref<26214400xf32, #tpu.memory_space<hbm>> -> memref<4096xf32, #tpu.memory_space<hbm>>
        %dma_wait3A_459 = arith.constant 12288 : i32
        %dma_wait3A_460 = tpu.memref_slice %arg7[%dma_wait3A_451, %dma_wait3A_459] : memref<2x16384xf32, #tpu.memory_space<vmem>> -> memref<1x4096xf32, #tpu.memory_space<vmem>>
        %dma_wait3A_461 = tpu.memref_squeeze %dma_wait3A_460 : memref<1x4096xf32, #tpu.memory_space<vmem>> -> memref<4096xf32, #tpu.memory_space<vmem>>
        tpu.wait_dma2 semaphore(%arg13 : memref<!tpu.dma_semaphore, #tpu.memory_space<semaphore_mem>>) src(%dma_wait3A_461 : memref<4096xf32, #tpu.memory_space<vmem>>) dst(%dma_wait3A_458 : memref<4096xf32, #tpu.memory_space<hbm>>)
      } else {
      }
      %add3A_318 = arith.addi %mul3A_15, %add3A_295 : i32
      %shift_right_arithmetic3A_319 = arith.constant 5 : i32
      %shift_right_arithmetic3A_320 = arith.shrsi %add3A_318, %shift_right_arithmetic3A_319 : i32
      %and3A_321 = arith.constant 31 : i32
      %and3A_322 = arith.andi %add3A_318, %and3A_321 : i32
      %add3A_323 = arith.constant 0 : i32
      %add3A_324 = vector.broadcast %add3A_323 : i32 to vector<16xi32>
      %add3A_325 = arith.addi %add3A_10, %add3A_324 : vector<16xi32>
      %add3A_326 = arith.constant 0 : i32
      %add3A_327 = vector.broadcast %add3A_326 : i32 to vector<16xi32>
      %add3A_328 = arith.addi %add3A_13, %add3A_327 : vector<16xi32>
      %parallel_loop3A_329 = arith.constant 0 : i32
      %parallel_loop3A_330 = arith.constant 128 : i32
      %parallel_loop3A_331 = arith.constant 1 : i32
      scf.for %parallel_loop3A_418 = %parallel_loop3A_329 to %parallel_loop3A_330 step %parallel_loop3A_331  : i32 {
        %parallel_loop3A_419 = arith.constant 0 : i32
        %parallel_loop3A_420 = arith.addi %parallel_loop3A_419, %parallel_loop3A_418 : i32
        %parallel_loop3A_421 = arith.constant 1 : i32
        %parallel_loop3A_422 = arith.index_cast %parallel_loop3A_421 : i32 to index
        %parallel_loop3A_423 = arith.index_cast %parallel_loop3A_420 : i32 to index
        %parallel_loop3A_424 = arith.constant 0 : index
        %parallel_loop3A_425 = tpu.vector_load %arg6[%parallel_loop3A_422, %parallel_loop3A_423, %parallel_loop3A_424] {strides = array<i32>} : memref<2x512x32xf32, #tpu.memory_space<vmem>>, vector<16xf32>,
        %parallel_loop3A_426 = vector.broadcast %parallel_loop3A_418 : i32 to vector<16xi32>
        %parallel_loop3A_427 = arith.addi %add3A_325, %parallel_loop3A_426 : vector<16xi32>
        %parallel_loop3A_428 = arith.constant 1 : i32
        %parallel_loop3A_429 = arith.constant 0 : i32
        %parallel_loop3A_430 = tpu.memref_slice %arg7[%parallel_loop3A_428, %parallel_loop3A_429] : memref<2x16384xf32, #tpu.memory_space<vmem>> -> memref<1x16384xf32, #tpu.memory_space<vmem>>
        %parallel_loop3A_431 = tpu.memref_squeeze %parallel_loop3A_430 : memref<1x16384xf32, #tpu.memory_space<vmem>> -> memref<16384xf32, #tpu.memory_space<vmem>>
        tpu.vector_store_idx %parallel_loop3A_431[%parallel_loop3A_427], %parallel_loop3A_425 : memref<16384xf32, #tpu.memory_space<vmem>>[vector<16xi32>], vector<16xf32>,
        %parallel_loop3A_432 = arith.constant 1 : i32
        %parallel_loop3A_433 = arith.index_cast %parallel_loop3A_432 : i32 to index
        %parallel_loop3A_434 = arith.index_cast %parallel_loop3A_420 : i32 to index
        %parallel_loop3A_435 = arith.constant 16 : index
        %parallel_loop3A_436 = tpu.vector_load %arg6[%parallel_loop3A_433, %parallel_loop3A_434, %parallel_loop3A_435] {strides = array<i32>} : memref<2x512x32xf32, #tpu.memory_space<vmem>>, vector<16xf32>,
        %parallel_loop3A_437 = vector.broadcast %parallel_loop3A_418 : i32 to vector<16xi32>
        %parallel_loop3A_438 = arith.addi %add3A_328, %parallel_loop3A_437 : vector<16xi32>
        %parallel_loop3A_439 = arith.constant 1 : i32
        %parallel_loop3A_440 = arith.constant 0 : i32
        %parallel_loop3A_441 = tpu.memref_slice %arg7[%parallel_loop3A_439, %parallel_loop3A_440] : memref<2x16384xf32, #tpu.memory_space<vmem>> -> memref<1x16384xf32, #tpu.memory_space<vmem>>
        %parallel_loop3A_442 = tpu.memref_squeeze %parallel_loop3A_441 : memref<1x16384xf32, #tpu.memory_space<vmem>> -> memref<16384xf32, #tpu.memory_space<vmem>>
        tpu.vector_store_idx %parallel_loop3A_442[%parallel_loop3A_438], %parallel_loop3A_436 : memref<16384xf32, #tpu.memory_space<vmem>>[vector<16xi32>], vector<16xf32>,
      } {sc.loop_unroll_factor = 16 : i64, sc.parallel_access}
      %add3A_332 = arith.constant 1024 : i32
      %add3A_333 = vector.broadcast %add3A_332 : i32 to vector<16xi32>
      %add3A_334 = arith.addi %add3A_10, %add3A_333 : vector<16xi32>
      %add3A_335 = arith.constant 1024 : i32
      %add3A_336 = vector.broadcast %add3A_335 : i32 to vector<16xi32>
      %add3A_337 = arith.addi %add3A_13, %add3A_336 : vector<16xi32>
      %parallel_loop3A_338 = arith.constant 0 : i32
      %parallel_loop3A_339 = arith.constant 128 : i32
      %parallel_loop3A_340 = arith.constant 1 : i32
      scf.for %parallel_loop3A_418 = %parallel_loop3A_338 to %parallel_loop3A_339 step %parallel_loop3A_340  : i32 {
        %parallel_loop3A_419 = arith.constant 128 : i32
        %parallel_loop3A_420 = arith.addi %parallel_loop3A_419, %parallel_loop3A_418 : i32
        %parallel_loop3A_421 = arith.constant 1 : i32
        %parallel_loop3A_422 = arith.index_cast %parallel_loop3A_421 : i32 to index
        %parallel_loop3A_423 = arith.index_cast %parallel_loop3A_420 : i32 to index
        %parallel_loop3A_424 = arith.constant 0 : index
        %parallel_loop3A_425 = tpu.vector_load %arg6[%parallel_loop3A_422, %parallel_loop3A_423, %parallel_loop3A_424] {strides = array<i32>} : memref<2x512x32xf32, #tpu.memory_space<vmem>>, vector<16xf32>,
        %parallel_loop3A_426 = vector.broadcast %parallel_loop3A_418 : i32 to vector<16xi32>
        %parallel_loop3A_427 = arith.addi %add3A_334, %parallel_loop3A_426 : vector<16xi32>
        %parallel_loop3A_428 = arith.constant 1 : i32
        %parallel_loop3A_429 = arith.constant 0 : i32
        %parallel_loop3A_430 = tpu.memref_slice %arg7[%parallel_loop3A_428, %parallel_loop3A_429] : memref<2x16384xf32, #tpu.memory_space<vmem>> -> memref<1x16384xf32, #tpu.memory_space<vmem>>
        %parallel_loop3A_431 = tpu.memref_squeeze %parallel_loop3A_430 : memref<1x16384xf32, #tpu.memory_space<vmem>> -> memref<16384xf32, #tpu.memory_space<vmem>>
        tpu.vector_store_idx %parallel_loop3A_431[%parallel_loop3A_427], %parallel_loop3A_425 : memref<16384xf32, #tpu.memory_space<vmem>>[vector<16xi32>], vector<16xf32>,
        %parallel_loop3A_432 = arith.constant 1 : i32
        %parallel_loop3A_433 = arith.index_cast %parallel_loop3A_432 : i32 to index
        %parallel_loop3A_434 = arith.index_cast %parallel_loop3A_420 : i32 to index
        %parallel_loop3A_435 = arith.constant 16 : index
        %parallel_loop3A_436 = tpu.vector_load %arg6[%parallel_loop3A_433, %parallel_loop3A_434, %parallel_loop3A_435] {strides = array<i32>} : memref<2x512x32xf32, #tpu.memory_space<vmem>>, vector<16xf32>,
        %parallel_loop3A_437 = vector.broadcast %parallel_loop3A_418 : i32 to vector<16xi32>
        %parallel_loop3A_438 = arith.addi %add3A_337, %parallel_loop3A_437 : vector<16xi32>
        %parallel_loop3A_439 = arith.constant 1 : i32
        %parallel_loop3A_440 = arith.constant 0 : i32
        %parallel_loop3A_441 = tpu.memref_slice %arg7[%parallel_loop3A_439, %parallel_loop3A_440] : memref<2x16384xf32, #tpu.memory_space<vmem>> -> memref<1x16384xf32, #tpu.memory_space<vmem>>
        %parallel_loop3A_442 = tpu.memref_squeeze %parallel_loop3A_441 : memref<1x16384xf32, #tpu.memory_space<vmem>> -> memref<16384xf32, #tpu.memory_space<vmem>>
        tpu.vector_store_idx %parallel_loop3A_442[%parallel_loop3A_438], %parallel_loop3A_436 : memref<16384xf32, #tpu.memory_space<vmem>>[vector<16xi32>], vector<16xf32>,
      } {sc.loop_unroll_factor = 16 : i64, sc.parallel_access}
      %add3A_341 = arith.constant 2048 : i32
      %add3A_342 = vector.broadcast %add3A_341 : i32 to vector<16xi32>
      %add3A_343 = arith.addi %add3A_10, %add3A_342 : vector<16xi32>
      %add3A_344 = arith.constant 2048 : i32
      %add3A_345 = vector.broadcast %add3A_344 : i32 to vector<16xi32>
      %add3A_346 = arith.addi %add3A_13, %add3A_345 : vector<16xi32>
      %parallel_loop3A_347 = arith.constant 0 : i32
      %parallel_loop3A_348 = arith.constant 128 : i32
      %parallel_loop3A_349 = arith.constant 1 : i32
      scf.for %parallel_loop3A_418 = %parallel_loop3A_347 to %parallel_loop3A_348 step %parallel_loop3A_349  : i32 {
        %parallel_loop3A_419 = arith.constant 256 : i32
        %parallel_loop3A_420 = arith.addi %parallel_loop3A_419, %parallel_loop3A_418 : i32
        %parallel_loop3A_421 = arith.constant 1 : i32
        %parallel_loop3A_422 = arith.index_cast %parallel_loop3A_421 : i32 to index
        %parallel_loop3A_423 = arith.index_cast %parallel_loop3A_420 : i32 to index
        %parallel_loop3A_424 = arith.constant 0 : index
        %parallel_loop3A_425 = tpu.vector_load %arg6[%parallel_loop3A_422, %parallel_loop3A_423, %parallel_loop3A_424] {strides = array<i32>} : memref<2x512x32xf32, #tpu.memory_space<vmem>>, vector<16xf32>,
        %parallel_loop3A_426 = vector.broadcast %parallel_loop3A_418 : i32 to vector<16xi32>
        %parallel_loop3A_427 = arith.addi %add3A_343, %parallel_loop3A_426 : vector<16xi32>
        %parallel_loop3A_428 = arith.constant 1 : i32
        %parallel_loop3A_429 = arith.constant 0 : i32
        %parallel_loop3A_430 = tpu.memref_slice %arg7[%parallel_loop3A_428, %parallel_loop3A_429] : memref<2x16384xf32, #tpu.memory_space<vmem>> -> memref<1x16384xf32, #tpu.memory_space<vmem>>
        %parallel_loop3A_431 = tpu.memref_squeeze %parallel_loop3A_430 : memref<1x16384xf32, #tpu.memory_space<vmem>> -> memref<16384xf32, #tpu.memory_space<vmem>>
        tpu.vector_store_idx %parallel_loop3A_431[%parallel_loop3A_427], %parallel_loop3A_425 : memref<16384xf32, #tpu.memory_space<vmem>>[vector<16xi32>], vector<16xf32>,
        %parallel_loop3A_432 = arith.constant 1 : i32
        %parallel_loop3A_433 = arith.index_cast %parallel_loop3A_432 : i32 to index
        %parallel_loop3A_434 = arith.index_cast %parallel_loop3A_420 : i32 to index
        %parallel_loop3A_435 = arith.constant 16 : index
        %parallel_loop3A_436 = tpu.vector_load %arg6[%parallel_loop3A_433, %parallel_loop3A_434, %parallel_loop3A_435] {strides = array<i32>} : memref<2x512x32xf32, #tpu.memory_space<vmem>>, vector<16xf32>,
        %parallel_loop3A_437 = vector.broadcast %parallel_loop3A_418 : i32 to vector<16xi32>
        %parallel_loop3A_438 = arith.addi %add3A_346, %parallel_loop3A_437 : vector<16xi32>
        %parallel_loop3A_439 = arith.constant 1 : i32
        %parallel_loop3A_440 = arith.constant 0 : i32
        %parallel_loop3A_441 = tpu.memref_slice %arg7[%parallel_loop3A_439, %parallel_loop3A_440] : memref<2x16384xf32, #tpu.memory_space<vmem>> -> memref<1x16384xf32, #tpu.memory_space<vmem>>
        %parallel_loop3A_442 = tpu.memref_squeeze %parallel_loop3A_441 : memref<1x16384xf32, #tpu.memory_space<vmem>> -> memref<16384xf32, #tpu.memory_space<vmem>>
        tpu.vector_store_idx %parallel_loop3A_442[%parallel_loop3A_438], %parallel_loop3A_436 : memref<16384xf32, #tpu.memory_space<vmem>>[vector<16xi32>], vector<16xf32>,
      } {sc.loop_unroll_factor = 16 : i64, sc.parallel_access}
      %add3A_350 = arith.constant 3072 : i32
      %add3A_351 = vector.broadcast %add3A_350 : i32 to vector<16xi32>
      %add3A_352 = arith.addi %add3A_10, %add3A_351 : vector<16xi32>
      %add3A_353 = arith.constant 3072 : i32
      %add3A_354 = vector.broadcast %add3A_353 : i32 to vector<16xi32>
      %add3A_355 = arith.addi %add3A_13, %add3A_354 : vector<16xi32>
      %parallel_loop3A_356 = arith.constant 0 : i32
      %parallel_loop3A_357 = arith.constant 128 : i32
      %parallel_loop3A_358 = arith.constant 1 : i32
      scf.for %parallel_loop3A_418 = %parallel_loop3A_356 to %parallel_loop3A_357 step %parallel_loop3A_358  : i32 {
        %parallel_loop3A_419 = arith.constant 384 : i32
        %parallel_loop3A_420 = arith.addi %parallel_loop3A_419, %parallel_loop3A_418 : i32
        %parallel_loop3A_421 = arith.constant 1 : i32
        %parallel_loop3A_422 = arith.index_cast %parallel_loop3A_421 : i32 to index
        %parallel_loop3A_423 = arith.index_cast %parallel_loop3A_420 : i32 to index
        %parallel_loop3A_424 = arith.constant 0 : index
        %parallel_loop3A_425 = tpu.vector_load %arg6[%parallel_loop3A_422, %parallel_loop3A_423, %parallel_loop3A_424] {strides = array<i32>} : memref<2x512x32xf32, #tpu.memory_space<vmem>>, vector<16xf32>,
        %parallel_loop3A_426 = vector.broadcast %parallel_loop3A_418 : i32 to vector<16xi32>
        %parallel_loop3A_427 = arith.addi %add3A_352, %parallel_loop3A_426 : vector<16xi32>
        %parallel_loop3A_428 = arith.constant 1 : i32
        %parallel_loop3A_429 = arith.constant 0 : i32
        %parallel_loop3A_430 = tpu.memref_slice %arg7[%parallel_loop3A_428, %parallel_loop3A_429] : memref<2x16384xf32, #tpu.memory_space<vmem>> -> memref<1x16384xf32, #tpu.memory_space<vmem>>
        %parallel_loop3A_431 = tpu.memref_squeeze %parallel_loop3A_430 : memref<1x16384xf32, #tpu.memory_space<vmem>> -> memref<16384xf32, #tpu.memory_space<vmem>>
        tpu.vector_store_idx %parallel_loop3A_431[%parallel_loop3A_427], %parallel_loop3A_425 : memref<16384xf32, #tpu.memory_space<vmem>>[vector<16xi32>], vector<16xf32>,
        %parallel_loop3A_432 = arith.constant 1 : i32
        %parallel_loop3A_433 = arith.index_cast %parallel_loop3A_432 : i32 to index
        %parallel_loop3A_434 = arith.index_cast %parallel_loop3A_420 : i32 to index
        %parallel_loop3A_435 = arith.constant 16 : index
        %parallel_loop3A_436 = tpu.vector_load %arg6[%parallel_loop3A_433, %parallel_loop3A_434, %parallel_loop3A_435] {strides = array<i32>} : memref<2x512x32xf32, #tpu.memory_space<vmem>>, vector<16xf32>,
        %parallel_loop3A_437 = vector.broadcast %parallel_loop3A_418 : i32 to vector<16xi32>
        %parallel_loop3A_438 = arith.addi %add3A_355, %parallel_loop3A_437 : vector<16xi32>
        %parallel_loop3A_439 = arith.constant 1 : i32
        %parallel_loop3A_440 = arith.constant 0 : i32
        %parallel_loop3A_441 = tpu.memref_slice %arg7[%parallel_loop3A_439, %parallel_loop3A_440] : memref<2x16384xf32, #tpu.memory_space<vmem>> -> memref<1x16384xf32, #tpu.memory_space<vmem>>
        %parallel_loop3A_442 = tpu.memref_squeeze %parallel_loop3A_441 : memref<1x16384xf32, #tpu.memory_space<vmem>> -> memref<16384xf32, #tpu.memory_space<vmem>>
        tpu.vector_store_idx %parallel_loop3A_442[%parallel_loop3A_438], %parallel_loop3A_436 : memref<16384xf32, #tpu.memory_space<vmem>>[vector<16xi32>], vector<16xf32>,
      } {sc.loop_unroll_factor = 16 : i64, sc.parallel_access}
      %mul3A_359 = arith.constant 4 : i32
      %mul3A_360 = arith.muli %shift_right_arithmetic3A_320, %mul3A_359 : i32
      %mul3A_361 = arith.constant 128 : i32
      %mul3A_362 = arith.muli %mul3A_360, %mul3A_361 : i32
      %mul3A_363 = arith.constant 4 : i32
      %mul3A_364 = arith.muli %and3A_322, %mul3A_363 : i32
      %add3A_365 = arith.addi %mul3A_362, %mul3A_364 : i32
      %mul3A_366 = arith.constant 1024 : i32
      %mul3A_367 = arith.muli %add3A_365, %mul3A_366 : i32
      %add3A_368 = arith.constant 0 : i32
      %add3A_369 = arith.addi %mul3A_367, %add3A_368 : i32
      %dma_start3A_370 = arith.constant 1 : i32
      %dma_start3A_371 = arith.constant 0 : i32
      %dma_start3A_372 = tpu.memref_slice %arg7[%dma_start3A_370, %dma_start3A_371] : memref<2x16384xf32, #tpu.memory_space<vmem>> -> memref<1x4096xf32, #tpu.memory_space<vmem>>
      %dma_start3A_373 = tpu.memref_squeeze %dma_start3A_372 : memref<1x4096xf32, #tpu.memory_space<vmem>> -> memref<4096xf32, #tpu.memory_space<vmem>>
      %dma_start3A_374 = tpu.memref_slice %arg4[%add3A_369] : memref<26214400xf32, #tpu.memory_space<hbm>> -> memref<4096xf32, #tpu.memory_space<hbm>>
      %dma_start3A_375 = tpu.memref_slice %arg4[%add3A_369] : memref<26214400xf32, #tpu.memory_space<hbm>> -> memref<4096xf32, #tpu.memory_space<hbm>>
      %dma_start3A_376 = arith.constant 0 : i32
      %dma_start3A_377 = tpu.memref_slice %arg7[%dma_start3A_370, %dma_start3A_376] : memref<2x16384xf32, #tpu.memory_space<vmem>> -> memref<1x4096xf32, #tpu.memory_space<vmem>>
      %dma_start3A_378 = tpu.memref_squeeze %dma_start3A_377 : memref<1x4096xf32, #tpu.memory_space<vmem>> -> memref<4096xf32, #tpu.memory_space<vmem>>
      tpu.enqueue_dma source(%dma_start3A_378 : memref<4096xf32, #tpu.memory_space<vmem>>) target(%dma_start3A_375 : memref<4096xf32, #tpu.memory_space<hbm>>) target_semaphore(%arg13 : memref<!tpu.dma_semaphore, #tpu.memory_space<semaphore_mem>>)
      %add3A_379 = arith.constant 131072 : i32
      %add3A_380 = arith.addi %mul3A_367, %add3A_379 : i32
      %dma_start3A_381 = arith.constant 1 : i32
      %dma_start3A_382 = arith.constant 4096 : i32
      %dma_start3A_383 = tpu.memref_slice %arg7[%dma_start3A_381, %dma_start3A_382] : memref<2x16384xf32, #tpu.memory_space<vmem>> -> memref<1x4096xf32, #tpu.memory_space<vmem>>
      %dma_start3A_384 = tpu.memref_squeeze %dma_start3A_383 : memref<1x4096xf32, #tpu.memory_space<vmem>> -> memref<4096xf32, #tpu.memory_space<vmem>>
      %dma_start3A_385 = tpu.memref_slice %arg4[%add3A_380] : memref<26214400xf32, #tpu.memory_space<hbm>> -> memref<4096xf32, #tpu.memory_space<hbm>>
      %dma_start3A_386 = tpu.memref_slice %arg4[%add3A_380] : memref<26214400xf32, #tpu.memory_space<hbm>> -> memref<4096xf32, #tpu.memory_space<hbm>>
      %dma_start3A_387 = arith.constant 4096 : i32
      %dma_start3A_388 = tpu.memref_slice %arg7[%dma_start3A_381, %dma_start3A_387] : memref<2x16384xf32, #tpu.memory_space<vmem>> -> memref<1x4096xf32, #tpu.memory_space<vmem>>
      %dma_start3A_389 = tpu.memref_squeeze %dma_start3A_388 : memref<1x4096xf32, #tpu.memory_space<vmem>> -> memref<4096xf32, #tpu.memory_space<vmem>>
      tpu.enqueue_dma source(%dma_start3A_389 : memref<4096xf32, #tpu.memory_space<vmem>>) target(%dma_start3A_386 : memref<4096xf32, #tpu.memory_space<hbm>>) target_semaphore(%arg13 : memref<!tpu.dma_semaphore, #tpu.memory_space<semaphore_mem>>)
      %add3A_390 = arith.constant 262144 : i32
      %add3A_391 = arith.addi %mul3A_367, %add3A_390 : i32
      %dma_start3A_392 = arith.constant 1 : i32
      %dma_start3A_393 = arith.constant 8192 : i32
      %dma_start3A_394 = tpu.memref_slice %arg7[%dma_start3A_392, %dma_start3A_393] : memref<2x16384xf32, #tpu.memory_space<vmem>> -> memref<1x4096xf32, #tpu.memory_space<vmem>>
      %dma_start3A_395 = tpu.memref_squeeze %dma_start3A_394 : memref<1x4096xf32, #tpu.memory_space<vmem>> -> memref<4096xf32, #tpu.memory_space<vmem>>
      %dma_start3A_396 = tpu.memref_slice %arg4[%add3A_391] : memref<26214400xf32, #tpu.memory_space<hbm>> -> memref<4096xf32, #tpu.memory_space<hbm>>
      %dma_start3A_397 = tpu.memref_slice %arg4[%add3A_391] : memref<26214400xf32, #tpu.memory_space<hbm>> -> memref<4096xf32, #tpu.memory_space<hbm>>
      %dma_start3A_398 = arith.constant 8192 : i32
      %dma_start3A_399 = tpu.memref_slice %arg7[%dma_start3A_392, %dma_start3A_398] : memref<2x16384xf32, #tpu.memory_space<vmem>> -> memref<1x4096xf32, #tpu.memory_space<vmem>>
      %dma_start3A_400 = tpu.memref_squeeze %dma_start3A_399 : memref<1x4096xf32, #tpu.memory_space<vmem>> -> memref<4096xf32, #tpu.memory_space<vmem>>
      tpu.enqueue_dma source(%dma_start3A_400 : memref<4096xf32, #tpu.memory_space<vmem>>) target(%dma_start3A_397 : memref<4096xf32, #tpu.memory_space<hbm>>) target_semaphore(%arg13 : memref<!tpu.dma_semaphore, #tpu.memory_space<semaphore_mem>>)
      %add3A_401 = arith.constant 393216 : i32
      %add3A_402 = arith.addi %mul3A_367, %add3A_401 : i32
      %dma_start3A_403 = arith.constant 1 : i32
      %dma_start3A_404 = arith.constant 12288 : i32
      %dma_start3A_405 = tpu.memref_slice %arg7[%dma_start3A_403, %dma_start3A_404] : memref<2x16384xf32, #tpu.memory_space<vmem>> -> memref<1x4096xf32, #tpu.memory_space<vmem>>
      %dma_start3A_406 = tpu.memref_squeeze %dma_start3A_405 : memref<1x4096xf32, #tpu.memory_space<vmem>> -> memref<4096xf32, #tpu.memory_space<vmem>>
      %dma_start3A_407 = tpu.memref_slice %arg4[%add3A_402] : memref<26214400xf32, #tpu.memory_space<hbm>> -> memref<4096xf32, #tpu.memory_space<hbm>>
      %dma_start3A_408 = tpu.memref_slice %arg4[%add3A_402] : memref<26214400xf32, #tpu.memory_space<hbm>> -> memref<4096xf32, #tpu.memory_space<hbm>>
      %dma_start3A_409 = arith.constant 12288 : i32
      %dma_start3A_410 = tpu.memref_slice %arg7[%dma_start3A_403, %dma_start3A_409] : memref<2x16384xf32, #tpu.memory_space<vmem>> -> memref<1x4096xf32, #tpu.memory_space<vmem>>
      %dma_start3A_411 = tpu.memref_squeeze %dma_start3A_410 : memref<1x4096xf32, #tpu.memory_space<vmem>> -> memref<4096xf32, #tpu.memory_space<vmem>>
      tpu.enqueue_dma source(%dma_start3A_411 : memref<4096xf32, #tpu.memory_space<vmem>>) target(%dma_start3A_408 : memref<4096xf32, #tpu.memory_space<hbm>>) target_semaphore(%arg13 : memref<!tpu.dma_semaphore, #tpu.memory_space<semaphore_mem>>)
      %lt3A_412 = arith.constant 48 : i32
      %lt3A_413 = arith.cmpi slt, %add3A_295, %lt3A_412 : i32
      %convert_element_type3A_414 = arith.extui %lt3A_413 : i1 to i32
      %cond3A_415 = arith.constant 0 : i32
      %cond3A_416 = arith.cmpi ne, %convert_element_type3A_414, %cond3A_415 : i32
      scf.if %cond3A_416 {
        %add3A_418 = arith.addi %mul3A_15, %add3A_295 : i32
        %add3A_419 = arith.constant 2 : i32
        %add3A_420 = arith.addi %add3A_418, %add3A_419 : i32
        %shift_right_arithmetic3A_421 = arith.constant 5 : i32
        %shift_right_arithmetic3A_422 = arith.shrsi %add3A_420, %shift_right_arithmetic3A_421 : i32
        %and3A_423 = arith.constant 31 : i32
        %and3A_424 = arith.andi %add3A_420, %and3A_423 : i32
        %mul3A_425 = arith.constant 512 : i32
        %mul3A_426 = arith.muli %and3A_424, %mul3A_425 : i32
        %dma_start3A_427 = arith.constant 1 : i32
        %dma_start3A_428 = arith.constant 0 : i32
        %dma_start3A_429 = tpu.memref_slice %arg5[%dma_start3A_427, %dma_start3A_428] : memref<2x512xi32, #tpu.memory_space<vmem>> -> memref<1x512xi32, #tpu.memory_space<vmem>>
        %dma_start3A_430 = tpu.memref_squeeze %dma_start3A_429 : memref<1x512xi32, #tpu.memory_space<vmem>> -> memref<512xi32, #tpu.memory_space<vmem>>
        %dma_start3A_431 = tpu.memref_slice %arg2[%shift_right_arithmetic3A_422, %mul3A_426] : memref<50x16384xi32, #tpu.memory_space<hbm>> -> memref<1x512xi32, #tpu.memory_space<hbm>>
        %dma_start3A_432 = tpu.memref_squeeze %dma_start3A_431 : memref<1x512xi32, #tpu.memory_space<hbm>> -> memref<512xi32, #tpu.memory_space<hbm>>
        %dma_start3A_433 = arith.constant 0 : i32
        %dma_start3A_434 = tpu.memref_slice %arg5[%dma_start3A_427, %dma_start3A_433] : memref<2x512xi32, #tpu.memory_space<vmem>> -> memref<1x512xi32, #tpu.memory_space<vmem>>
        %dma_start3A_435 = tpu.memref_squeeze %dma_start3A_434 : memref<1x512xi32, #tpu.memory_space<vmem>> -> memref<512xi32, #tpu.memory_space<vmem>>
        %dma_start3A_436 = tpu.memref_slice %arg2[%shift_right_arithmetic3A_422, %mul3A_426] : memref<50x16384xi32, #tpu.memory_space<hbm>> -> memref<1x512xi32, #tpu.memory_space<hbm>>
        %dma_start3A_437 = tpu.memref_squeeze %dma_start3A_436 : memref<1x512xi32, #tpu.memory_space<hbm>> -> memref<512xi32, #tpu.memory_space<hbm>>
        tpu.enqueue_dma source(%dma_start3A_437 : memref<512xi32, #tpu.memory_space<hbm>>) target(%dma_start3A_435 : memref<512xi32, #tpu.memory_space<vmem>>) target_semaphore(%arg9 : memref<!tpu.dma_semaphore, #tpu.memory_space<semaphore_mem>>)
      } else {
      }
      %scan3A_417 = arith.constant 0 : i32
      scf.yield %scan3A_417 : i32
    }
    %scan3A_81 = arith.constant 25 : i32
    %dma_wait3A_82 = arith.constant 0 : i32
    %dma_wait3A_83 = arith.constant 0 : i32
    %dma_wait3A_84 = tpu.memref_slice %arg7[%dma_wait3A_82, %dma_wait3A_83] : memref<2x16384xf32, #tpu.memory_space<vmem>> -> memref<1x4096xf32, #tpu.memory_space<vmem>>
    %dma_wait3A_85 = tpu.memref_squeeze %dma_wait3A_84 : memref<1x4096xf32, #tpu.memory_space<vmem>> -> memref<4096xf32, #tpu.memory_space<vmem>>
    %dma_wait3A_86 = arith.constant 0 : i32
    %dma_wait3A_87 = tpu.memref_slice %arg4[%dma_wait3A_86] : memref<26214400xf32, #tpu.memory_space<hbm>> -> memref<4096xf32, #tpu.memory_space<hbm>>
    %dma_wait3A_88 = arith.constant 0 : i32
    %dma_wait3A_89 = tpu.memref_slice %arg4[%dma_wait3A_88] : memref<26214400xf32, #tpu.memory_space<hbm>> -> memref<4096xf32, #tpu.memory_space<hbm>>
    %dma_wait3A_90 = arith.constant 0 : i32
    %dma_wait3A_91 = tpu.memref_slice %arg7[%dma_wait3A_82, %dma_wait3A_90] : memref<2x16384xf32, #tpu.memory_space<vmem>> -> memref<1x4096xf32, #tpu.memory_space<vmem>>
    %dma_wait3A_92 = tpu.memref_squeeze %dma_wait3A_91 : memref<1x4096xf32, #tpu.memory_space<vmem>> -> memref<4096xf32, #tpu.memory_space<vmem>>
    tpu.wait_dma2 semaphore(%arg12 : memref<!tpu.dma_semaphore, #tpu.memory_space<semaphore_mem>>) src(%dma_wait3A_92 : memref<4096xf32, #tpu.memory_space<vmem>>) dst(%dma_wait3A_89 : memref<4096xf32, #tpu.memory_space<hbm>>)
    %dma_wait3A_93 = arith.constant 0 : i32
    %dma_wait3A_94 = arith.constant 4096 : i32
    %dma_wait3A_95 = tpu.memref_slice %arg7[%dma_wait3A_93, %dma_wait3A_94] : memref<2x16384xf32, #tpu.memory_space<vmem>> -> memref<1x4096xf32, #tpu.memory_space<vmem>>
    %dma_wait3A_96 = tpu.memref_squeeze %dma_wait3A_95 : memref<1x4096xf32, #tpu.memory_space<vmem>> -> memref<4096xf32, #tpu.memory_space<vmem>>
    %dma_wait3A_97 = arith.constant 0 : i32
    %dma_wait3A_98 = tpu.memref_slice %arg4[%dma_wait3A_97] : memref<26214400xf32, #tpu.memory_space<hbm>> -> memref<4096xf32, #tpu.memory_space<hbm>>
    %dma_wait3A_99 = arith.constant 0 : i32
    %dma_wait3A_100 = tpu.memref_slice %arg4[%dma_wait3A_99] : memref<26214400xf32, #tpu.memory_space<hbm>> -> memref<4096xf32, #tpu.memory_space<hbm>>
    %dma_wait3A_101 = arith.constant 4096 : i32
    %dma_wait3A_102 = tpu.memref_slice %arg7[%dma_wait3A_93, %dma_wait3A_101] : memref<2x16384xf32, #tpu.memory_space<vmem>> -> memref<1x4096xf32, #tpu.memory_space<vmem>>
    %dma_wait3A_103 = tpu.memref_squeeze %dma_wait3A_102 : memref<1x4096xf32, #tpu.memory_space<vmem>> -> memref<4096xf32, #tpu.memory_space<vmem>>
    tpu.wait_dma2 semaphore(%arg12 : memref<!tpu.dma_semaphore, #tpu.memory_space<semaphore_mem>>) src(%dma_wait3A_103 : memref<4096xf32, #tpu.memory_space<vmem>>) dst(%dma_wait3A_100 : memref<4096xf32, #tpu.memory_space<hbm>>)
    %dma_wait3A_104 = arith.constant 0 : i32
    %dma_wait3A_105 = arith.constant 8192 : i32
    %dma_wait3A_106 = tpu.memref_slice %arg7[%dma_wait3A_104, %dma_wait3A_105] : memref<2x16384xf32, #tpu.memory_space<vmem>> -> memref<1x4096xf32, #tpu.memory_space<vmem>>
    %dma_wait3A_107 = tpu.memref_squeeze %dma_wait3A_106 : memref<1x4096xf32, #tpu.memory_space<vmem>> -> memref<4096xf32, #tpu.memory_space<vmem>>
    %dma_wait3A_108 = arith.constant 0 : i32
    %dma_wait3A_109 = tpu.memref_slice %arg4[%dma_wait3A_108] : memref<26214400xf32, #tpu.memory_space<hbm>> -> memref<4096xf32, #tpu.memory_space<hbm>>
    %dma_wait3A_110 = arith.constant 0 : i32
    %dma_wait3A_111 = tpu.memref_slice %arg4[%dma_wait3A_110] : memref<26214400xf32, #tpu.memory_space<hbm>> -> memref<4096xf32, #tpu.memory_space<hbm>>
    %dma_wait3A_112 = arith.constant 8192 : i32
    %dma_wait3A_113 = tpu.memref_slice %arg7[%dma_wait3A_104, %dma_wait3A_112] : memref<2x16384xf32, #tpu.memory_space<vmem>> -> memref<1x4096xf32, #tpu.memory_space<vmem>>
    %dma_wait3A_114 = tpu.memref_squeeze %dma_wait3A_113 : memref<1x4096xf32, #tpu.memory_space<vmem>> -> memref<4096xf32, #tpu.memory_space<vmem>>
    tpu.wait_dma2 semaphore(%arg12 : memref<!tpu.dma_semaphore, #tpu.memory_space<semaphore_mem>>) src(%dma_wait3A_114 : memref<4096xf32, #tpu.memory_space<vmem>>) dst(%dma_wait3A_111 : memref<4096xf32, #tpu.memory_space<hbm>>)
    %dma_wait3A_115 = arith.constant 0 : i32
    %dma_wait3A_116 = arith.constant 12288 : i32
    %dma_wait3A_117 = tpu.memref_slice %arg7[%dma_wait3A_115, %dma_wait3A_116] : memref<2x16384xf32, #tpu.memory_space<vmem>> -> memref<1x4096xf32, #tpu.memory_space<vmem>>
    %dma_wait3A_118 = tpu.memref_squeeze %dma_wait3A_117 : memref<1x4096xf32, #tpu.memory_space<vmem>> -> memref<4096xf32, #tpu.memory_space<vmem>>
    %dma_wait3A_119 = arith.constant 0 : i32
    %dma_wait3A_120 = tpu.memref_slice %arg4[%dma_wait3A_119] : memref<26214400xf32, #tpu.memory_space<hbm>> -> memref<4096xf32, #tpu.memory_space<hbm>>
    %dma_wait3A_121 = arith.constant 0 : i32
    %dma_wait3A_122 = tpu.memref_slice %arg4[%dma_wait3A_121] : memref<26214400xf32, #tpu.memory_space<hbm>> -> memref<4096xf32, #tpu.memory_space<hbm>>
    %dma_wait3A_123 = arith.constant 12288 : i32
    %dma_wait3A_124 = tpu.memref_slice %arg7[%dma_wait3A_115, %dma_wait3A_123] : memref<2x16384xf32, #tpu.memory_space<vmem>> -> memref<1x4096xf32, #tpu.memory_space<vmem>>
    %dma_wait3A_125 = tpu.memref_squeeze %dma_wait3A_124 : memref<1x4096xf32, #tpu.memory_space<vmem>> -> memref<4096xf32, #tpu.memory_space<vmem>>
    tpu.wait_dma2 semaphore(%arg12 : memref<!tpu.dma_semaphore, #tpu.memory_space<semaphore_mem>>) src(%dma_wait3A_125 : memref<4096xf32, #tpu.memory_space<vmem>>) dst(%dma_wait3A_122 : memref<4096xf32, #tpu.memory_space<hbm>>)
    %dma_wait3A_126 = arith.constant 1 : i32
    %dma_wait3A_127 = arith.constant 0 : i32
    %dma_wait3A_128 = tpu.memref_slice %arg7[%dma_wait3A_126, %dma_wait3A_127] : memref<2x16384xf32, #tpu.memory_space<vmem>> -> memref<1x4096xf32, #tpu.memory_space<vmem>>
    %dma_wait3A_129 = tpu.memref_squeeze %dma_wait3A_128 : memref<1x4096xf32, #tpu.memory_space<vmem>> -> memref<4096xf32, #tpu.memory_space<vmem>>
    %dma_wait3A_130 = arith.constant 0 : i32
    %dma_wait3A_131 = tpu.memref_slice %arg4[%dma_wait3A_130] : memref<26214400xf32, #tpu.memory_space<hbm>> -> memref<4096xf32, #tpu.memory_space<hbm>>
    %dma_wait3A_132 = arith.constant 0 : i32
    %dma_wait3A_133 = tpu.memref_slice %arg4[%dma_wait3A_132] : memref<26214400xf32, #tpu.memory_space<hbm>> -> memref<4096xf32, #tpu.memory_space<hbm>>
    %dma_wait3A_134 = arith.constant 0 : i32
    %dma_wait3A_135 = tpu.memref_slice %arg7[%dma_wait3A_126, %dma_wait3A_134] : memref<2x16384xf32, #tpu.memory_space<vmem>> -> memref<1x4096xf32, #tpu.memory_space<vmem>>
    %dma_wait3A_136 = tpu.memref_squeeze %dma_wait3A_135 : memref<1x4096xf32, #tpu.memory_space<vmem>> -> memref<4096xf32, #tpu.memory_space<vmem>>
    tpu.wait_dma2 semaphore(%arg13 : memref<!tpu.dma_semaphore, #tpu.memory_space<semaphore_mem>>) src(%dma_wait3A_136 : memref<4096xf32, #tpu.memory_space<vmem>>) dst(%dma_wait3A_133 : memref<4096xf32, #tpu.memory_space<hbm>>)
    %dma_wait3A_137 = arith.constant 1 : i32
    %dma_wait3A_138 = arith.constant 4096 : i32
    %dma_wait3A_139 = tpu.memref_slice %arg7[%dma_wait3A_137, %dma_wait3A_138] : memref<2x16384xf32, #tpu.memory_space<vmem>> -> memref<1x4096xf32, #tpu.memory_space<vmem>>
    %dma_wait3A_140 = tpu.memref_squeeze %dma_wait3A_139 : memref<1x4096xf32, #tpu.memory_space<vmem>> -> memref<4096xf32, #tpu.memory_space<vmem>>
    %dma_wait3A_141 = arith.constant 0 : i32
    %dma_wait3A_142 = tpu.memref_slice %arg4[%dma_wait3A_141] : memref<26214400xf32, #tpu.memory_space<hbm>> -> memref<4096xf32, #tpu.memory_space<hbm>>
    %dma_wait3A_143 = arith.constant 0 : i32
    %dma_wait3A_144 = tpu.memref_slice %arg4[%dma_wait3A_143] : memref<26214400xf32, #tpu.memory_space<hbm>> -> memref<4096xf32, #tpu.memory_space<hbm>>
    %dma_wait3A_145 = arith.constant 4096 : i32
    %dma_wait3A_146 = tpu.memref_slice %arg7[%dma_wait3A_137, %dma_wait3A_145] : memref<2x16384xf32, #tpu.memory_space<vmem>> -> memref<1x4096xf32, #tpu.memory_space<vmem>>
    %dma_wait3A_147 = tpu.memref_squeeze %dma_wait3A_146 : memref<1x4096xf32, #tpu.memory_space<vmem>> -> memref<4096xf32, #tpu.memory_space<vmem>>
    tpu.wait_dma2 semaphore(%arg13 : memref<!tpu.dma_semaphore, #tpu.memory_space<semaphore_mem>>) src(%dma_wait3A_147 : memref<4096xf32, #tpu.memory_space<vmem>>) dst(%dma_wait3A_144 : memref<4096xf32, #tpu.memory_space<hbm>>)
    %dma_wait3A_148 = arith.constant 1 : i32
    %dma_wait3A_149 = arith.constant 8192 : i32
    %dma_wait3A_150 = tpu.memref_slice %arg7[%dma_wait3A_148, %dma_wait3A_149] : memref<2x16384xf32, #tpu.memory_space<vmem>> -> memref<1x4096xf32, #tpu.memory_space<vmem>>
    %dma_wait3A_151 = tpu.memref_squeeze %dma_wait3A_150 : memref<1x4096xf32, #tpu.memory_space<vmem>> -> memref<4096xf32, #tpu.memory_space<vmem>>
    %dma_wait3A_152 = arith.constant 0 : i32
    %dma_wait3A_153 = tpu.memref_slice %arg4[%dma_wait3A_152] : memref<26214400xf32, #tpu.memory_space<hbm>> -> memref<4096xf32, #tpu.memory_space<hbm>>
    %dma_wait3A_154 = arith.constant 0 : i32
    %dma_wait3A_155 = tpu.memref_slice %arg4[%dma_wait3A_154] : memref<26214400xf32, #tpu.memory_space<hbm>> -> memref<4096xf32, #tpu.memory_space<hbm>>
    %dma_wait3A_156 = arith.constant 8192 : i32
    %dma_wait3A_157 = tpu.memref_slice %arg7[%dma_wait3A_148, %dma_wait3A_156] : memref<2x16384xf32, #tpu.memory_space<vmem>> -> memref<1x4096xf32, #tpu.memory_space<vmem>>
    %dma_wait3A_158 = tpu.memref_squeeze %dma_wait3A_157 : memref<1x4096xf32, #tpu.memory_space<vmem>> -> memref<4096xf32, #tpu.memory_space<vmem>>
    tpu.wait_dma2 semaphore(%arg13 : memref<!tpu.dma_semaphore, #tpu.memory_space<semaphore_mem>>) src(%dma_wait3A_158 : memref<4096xf32, #tpu.memory_space<vmem>>) dst(%dma_wait3A_155 : memref<4096xf32, #tpu.memory_space<hbm>>)
    %dma_wait3A_159 = arith.constant 1 : i32
    %dma_wait3A_160 = arith.constant 12288 : i32
    %dma_wait3A_161 = tpu.memref_slice %arg7[%dma_wait3A_159, %dma_wait3A_160] : memref<2x16384xf32, #tpu.memory_space<vmem>> -> memref<1x4096xf32, #tpu.memory_space<vmem>>
    %dma_wait3A_162 = tpu.memref_squeeze %dma_wait3A_161 : memref<1x4096xf32, #tpu.memory_space<vmem>> -> memref<4096xf32, #tpu.memory_space<vmem>>
    %dma_wait3A_163 = arith.constant 0 : i32
    %dma_wait3A_164 = tpu.memref_slice %arg4[%dma_wait3A_163] : memref<26214400xf32, #tpu.memory_space<hbm>> -> memref<4096xf32, #tpu.memory_space<hbm>>
    %dma_wait3A_165 = arith.constant 0 : i32
    %dma_wait3A_166 = tpu.memref_slice %arg4[%dma_wait3A_165] : memref<26214400xf32, #tpu.memory_space<hbm>> -> memref<4096xf32, #tpu.memory_space<hbm>>
    %dma_wait3A_167 = arith.constant 12288 : i32
    %dma_wait3A_168 = tpu.memref_slice %arg7[%dma_wait3A_159, %dma_wait3A_167] : memref<2x16384xf32, #tpu.memory_space<vmem>> -> memref<1x4096xf32, #tpu.memory_space<vmem>>
    %dma_wait3A_169 = tpu.memref_squeeze %dma_wait3A_168 : memref<1x4096xf32, #tpu.memory_space<vmem>> -> memref<4096xf32, #tpu.memory_space<vmem>>
    tpu.wait_dma2 semaphore(%arg13 : memref<!tpu.dma_semaphore, #tpu.memory_space<semaphore_mem>>) src(%dma_wait3A_169 : memref<4096xf32, #tpu.memory_space<vmem>>) dst(%dma_wait3A_166 : memref<4096xf32, #tpu.memory_space<hbm>>)
    return
  }
}

</mosaic_0001>

<sc_bundles>
// kernel: kernel.3.cloned.1.call-start
scs
__scs_entry_jumppad:
0x0: {  	(pc) =	sbr.rel $0x88, $3  }
0x1: {  	(tag) =	ssettag $0x0;
	lr =	simm.s32 $0x1  }
0x2: {  	[smem:$0x3F9F] =	sst lr;
	_ =	strace $0xD0000000  }
0x3: {  	_ = 	snop  }
0x4: {  	_ = 	snop  }
0x5: {  	_ = 	snop  }
0x6: {  	_ = 	snop  }
0x7: {  	_ = 	snop  }
__scs_overlays_trampoline_lowered:
0x8: {  	[smem:$0x3FAE] =	sst s0  }
0x9: {  	[smem:$0x3FAF] =	sst s1  }
0xa: {  	[smem:$0x3FB0] =	sst s2  }
0xb: {  	[smem:$0x3FB1] =	sst s3  }
0xc: {  	[smem:$0x3FB2] =	sst s4  }
0xd: {  	[smem:$0x3FB3] =	sst s5  }
0xe: {  	[smem:$0x3FB4] =	sst s6  }
0xf: {  	[smem:$0x3FB5] =	sst s7  }
0x10: {  	[smem:$0x3FB6] =	sst s8  }
0x11: {  	[smem:$0x3FB7] =	sst s9;
	s0 =	simm.s32 @!p0 $0x0  }
0x12: {  	s1 =	sld [smem:$0x3F9D];
	s0 =	simm.s32 @p0 $0x1  }
0x13: {  	[smem:$0x3FB8] =	sst s0;
	s0 =	simm.s32 @!p1 $0x0  }
0x14: {  	s2 =	sld [smem:$0x3F9C];
	s0 =	simm.s32 @p1 $0x1  }
0x15: {  	[smem:$0x3FB9] =	sst s0;
	s0 =	simm.s32 @!p2 $0x0  }
0x16: {  	s3 =	sld [smem:$0x3FDB];
	s0 =	simm.s32 @p2 $0x1  }
0x17: {  	s4 =	simm.s32 $0x1BF5;
	[smem:$0x3FBB] =	sst s0  }
0x18: {  	s0 =	sld [smem:$0x3F9E];
	_ =	swait.ge [sflag:s4], $0x0  }
0x19: {  	s7 =	sld [smem:$0x3F9F]  }
0x1a: {  	s8 =	sadd.s32 $0xFFFFE003, lr  }
0x1b: {  	s9 =	sadd.s32 $0xFFFFFEF7, lr;
	s5 =	simm.s32 $0xFFFFFFFF;
	p2 =	slt.u32 s8, $0xFFFFF086  }
0x1c: {  	p1 =	slt.u32 s9, $0xF7A;
	s5 =	simm.s32 @!p2 $0x0  }
0x1d: {  	s5 =	simm.s32 @p1 $0x1;
	p0 =	seq.s32 s7, s2  }
0x1e: {  	s7 =	smul.u32 @!p0 $0xF7A, s2;
	p2 =	seq.s32 @!p0 s5, $0x0  }
0x1f: {  	s9 =	smul.u32 $0xF7A, s1;
	s8 =	simm.s32 @!p0 $0x1BF5;
	p2 =	por !p2, p0  }
0x20: {  	[sflag:s8] =	ssyncset.s32 @!p0 $0xFFFFF086;
	s6 =	sadd.s32 @!p0 s3, s7;
	s7 =	simm.s32 @!p0 $0x108  }
0x21: {  	s3 =	sadd.s32 s3, s9;
	s6 =	sadd.s32 @!p0 $0x88, s6;
	s7 =	simm.s32 @p2 $0x1082  }
0x22: {  	[simem:s7], [sflag:s8] =	dma.local @!p0 [hbm:s6], $0xF7A  }
0x23: {  	s9 =	sor.u32 $0xD0000000, s2;
	s6 =	simm.s32 $0x108;
	_ =	swait.ge @!p0 [sflag:s8], $0x0  }
0x24: {  	s3 =	sadd.s32 $0x88, s3;
	s6 =	simm.s32 @!p1 $0x1082;
	[sflag:s4] =	ssyncset.s32 $0xFFFFF086  }
0x25: {  	[simem:s6], [sflag:s4] =	dma.local [hbm:s3], $0xF7A  }
0x26: {  	[smem:$0x3F9F] =	sst s1;
	(tag) =	ssettag s2;
	_ =	strace s9  }
0x27: {  	s1 =	sld [smem:$0x3FAF]  }
0x28: {  	s2 =	sld [smem:$0x3FB0]  }
0x29: {  	s4 =	sld [smem:$0x3FB2]  }
0x2a: {  	p0 =	seq.s32 s5, $0x0;
	s5 =	sld [smem:$0x3FB3]  }
0x2b: {  	s6 =	sld [smem:$0x3FB4]  }
0x2c: {  	s7 =	sld [smem:$0x3FB5]  }
0x2d: {  	s3 =	simm.s32 $0x108;
	s8 =	sld [smem:$0x3FB6]  }
0x2e: {  	s3 =	simm.s32 @!p0 $0x1082;
	s9 =	sld [smem:$0x3FB7]  }
0x2f: {  	lr =	sadd.s32 s0, s3;
	s0 =	sld [smem:$0x3FAE]  }
0x30: {  	s3 =	sld [smem:$0x3FB1]  }
0x31: {  	[smem:$0x3FBA] =	sst s10  }
0x32: {  	s10 =	sld [smem:$0x3FB8];
	_ =	sdelay $0x3  }
0x33: {  	p0 =	seq.s32 s10, $0x1;
	s10 =	sld [smem:$0x3FBA];
	_ =	sdelay $0x3  }
0x34: {  	[smem:$0x3FBA] =	sst s10  }
0x35: {  	s10 =	sld [smem:$0x3FB9];
	_ =	sdelay $0x3  }
0x36: {  	p1 =	seq.s32 s10, $0x1;
	s10 =	sld [smem:$0x3FBA];
	_ =	sdelay $0x3  }
0x37: {  	[smem:$0x3FBA] =	sst s10  }
0x38: {  	s10 =	sld [smem:$0x3FBB]  }
0x39: {  	_ = 	snop;
	(pc) =	sbr.ind lr, $3  }
0x3a: {  	_ = 	snop  }
0x3b: {  	_ = 	snop  }
0x3c: {  	p2 =	seq.s32 s10, $0x1;
	s10 =	sld [smem:$0x3FBA]  }
0x3d: {  	_ =	shalt  }
0x3e: {  	_ =	shalt  }
0x3f: {  	_ =	shalt  }
0x40: {  	_ =	shalt  }
0x41: {  	_ =	shalt  }
0x42: {  	_ =	shalt  }
0x43: {  	_ =	shalt  }
0x44: {  	_ =	shalt  }
0x45: {  	_ =	shalt  }
0x46: {  	_ =	shalt  }
0x47: {  	_ =	shalt  }
0x48: {  	_ =	shalt  }
0x49: {  	_ =	shalt  }
0x4a: {  	_ =	shalt  }
0x4b: {  	_ =	shalt  }
0x4c: {  	_ =	shalt  }
0x4d: {  	_ =	shalt  }
0x4e: {  	_ =	shalt  }
0x4f: {  	_ =	shalt  }
0x50: {  	_ =	shalt  }
0x51: {  	_ =	shalt  }
0x52: {  	_ =	shalt  }
0x53: {  	_ =	shalt  }
0x54: {  	_ =	shalt  }
0x55: {  	_ =	shalt  }
0x56: {  	_ =	shalt  }
0x57: {  	_ =	shalt  }
0x58: {  	_ =	shalt  }
0x59: {  	_ =	shalt  }
0x5a: {  	_ =	shalt  }
0x5b: {  	_ =	shalt  }
0x5c: {  	_ =	shalt  }
0x5d: {  	_ =	shalt  }
0x5e: {  	_ =	shalt  }
0x5f: {  	_ =	shalt  }
0x60: {  	_ =	shalt  }
0x61: {  	_ =	shalt  }
0x62: {  	_ =	shalt  }
0x63: {  	_ =	shalt  }
0x64: {  	_ =	shalt  }
0x65: {  	_ =	shalt  }
0x66: {  	_ =	shalt  }
0x67: {  	_ =	shalt  }
0x68: {  	_ =	shalt  }
0x69: {  	_ =	shalt  }
0x6a: {  	_ =	shalt  }
0x6b: {  	_ =	shalt  }
0x6c: {  	_ =	shalt  }
0x6d: {  	_ =	shalt  }
0x6e: {  	_ =	shalt  }
0x6f: {  	_ =	shalt  }
0x70: {  	_ =	shalt  }
0x71: {  	_ =	shalt  }
0x72: {  	_ =	shalt  }
0x73: {  	_ =	shalt  }
0x74: {  	_ =	shalt  }
0x75: {  	_ =	shalt  }
0x76: {  	_ =	shalt  }
0x77: {  	_ =	shalt  }
0x78: {  	_ =	shalt  }
0x79: {  	_ =	shalt  }
0x7a: {  	_ =	shalt  }
0x7b: {  	_ =	shalt  }
0x7c: {  	_ =	shalt  }
0x7d: {  	_ =	shalt  }
0x7e: {  	_ =	shalt  }
0x7f: {  	_ =	shalt  }
0x80: {  	_ =	shalt  }
0x81: {  	_ =	shalt  }
0x82: {  	_ =	shalt  }
0x83: {  	_ =	shalt  }
0x84: {  	_ =	shalt  }
0x85: {  	_ =	shalt  }
0x86: {  	_ =	shalt  }
0x87: {  	_ =	shalt  }
.Lfunc_end0:
.L_simem_size_0:
called_computation_lowered:
.L_overlay_start_0:
0x88: {  	s2 =	sld [smem:$0x3FD9]  }
0x89: {  	s3 =	sld [smem:$0x3FFE];
	_ =	sdelay $0x1  }
0x8a: {  	s1 =	srdreg.scid  }
0x8b: {  	s0 =	sand.u32 $0x1, s1  }
0x8c: {  	s17 =	sshll.u32 s0, $0xA;
	s2 =	sadd.s32 s3, s2  }
0x8d: {  	s2 =	sadd.s32 s2, s17  }
0x8e: {  	[smem:$0x3FC6] =	sst s2  }
0x8f: {  	_ = 	snop  }
0x90: {  	s2 =	sld [smem:$0x3FD0];
	(tm) =	ssettm $0x1  }
0x91: {  	s18 =	sld [smem:$0x3FFB];
	_ =	sdelay $0x3  }
0x92: {  	_ =	strace s18  }
0x93: {  	s3 =	sld [smem:$0x3FFC];
	_ =	sdelay $0x3  }
0x94: {  	_ =	strace s3  }
0x95: {  	s3 =	sld [smem:$0x3FFD];
	_ =	sdelay $0x3  }
0x96: {  	_ =	strace s3  }
0x97: {  	_ =	strace $0x8FFFFFFF  }
0x98: {  	s19 =	sld [smem:$0x3FDB];
	_ =	sdelay $0x1  }
0x99: {  	s4 =	simm.s32 $_scs_section_size  }
0x9a: {  	s5 =	simm.s32 $_size__tile_overlayer_lowered;
	s6 =	simm.s32 $_tile_overlayer_lowered  }
0x9b: {  	s22 =	simm.s32 $0x1BFF;
	s21 =	sshll.u32 s6, $0x1;
	s3 =	sadd.s32 s4, s19  }
0x9c: {  	s7 =	simm.s32 $0x0;
	s20 =	sshll.u32 s5, $0x1;
	s5 =	sadd.s32 s21, s3  }
0x9d: {  	[timem:s7], [sflag:s22] =	dma.local [hbm:s5], s20  }
0x9e: {  	_ =	swait.ge [sflag:s22], s20  }
0x9f: {  	s4 =	ssub.s32 $0x0, s20;
	[sflag:s22] =	ssyncset.done $0x0  }
0xa0: {  	[sflag:s22] =	ssyncadd.s32 s4;
	_ =	sdelay $0x1  }
0xa1: {  	s23 =	simm.s32 $0x1B8B  }
0xa2: {  	_ =	swait.ge [sflag:s23], $0x1  }
0xa3: {  	[sflag:s23] =	ssyncset.done $0x0  }
0xa4: {  	s25 =	simm.s32 $0x1B8E;
	s24 =	sld [smem:$0x3FFE];
	[sflag:s23] =	ssyncadd.s32 $0xFFFFFFFF  }
0xa5: {  	s26 =	simm.s32 $execute0_lowered;
	[smem:$0x3FD2] =	sst s25  }
0xa6: {  	s5 =	sshll.u32 s26, $0x1;
	_ =	strace $0x80000046;
	[dreg:$0x1] =	wrdreg $0xFFFFFFFF  }
0xa7: {  	s28 =	simm.s32 $_size_execute0_lowered;
	s3 =	sadd.s32 s3, s5;
	[dreg:$0x0] =	wrdreg $0x0  }
0xa8: {  	s5 =	sshll.u32 s28, $0x1;
	[dreg:$0x2] =	wrdreg s3  }
0xa9: {  	[dreg:$0x3] =	wrdreg s5  }
0xaa: {  	[dreg:$0x4] =	wrdreg $0xC0  }
0xab: {  	_ =	task [dreg:s7], $0x5FFFF  }
0xac: {  	[dreg:$0x1] =	wrdreg $0xFFFFFFFF  }
0xad: {  	[dreg:$0x0] =	wrdreg $0x60  }
0xae: {  	[dreg:$0x2] =	wrdreg s24  }
0xaf: {  	[dreg:$0x3] =	wrdreg s2  }
0xb0: {  	[dreg:$0x4] =	wrdreg $0x9  }
0xb1: {  	_ =	task.clear_ibuf [dreg:s7], $0x5FFFF;
	_ =	strace $0x90000046  }
0xb2: {  	s29 =	simm.s32 $0x9;
	_ =	strace $0x80000048  }
0xb3: {  	_ =	swait.ge [sflag:s29], $0x1  }
0xb4: {  	[sflag:s29] =	ssyncadd.s32 $0xFFFFFFFF  }
0xb5: {  	_ =	strace $0x90000048  }
0xb6: {  	_ =	sfence  }
0xb7: {  	s30 =	sld [smem:$0x0];
	_ =	sdelay $0x2  }
0xb8: {  	s31 =	sshll.u32 s1, $0xD;
	s1 =	sshrl.u32 s1, $0x2  }
0xb9: {  	s3 =	sand.u32 $0x4000, s31;
	s1 =	sadd.s32 s1, s30  }
0xba: {  	s0 =	sor.u32 s3, s0;
	s1 =	sshll.u32 s1, $0x11  }
0xbb: {  	s0 =	sor.u32 s1, s0  }
0xbc: {  	s0 =	sadd.s32 $0x8F2B, s0  }
0xbd: {  	[sflag:s0] =	ssyncadd.remote.s32 $0x1  }
0xbe: {  	_ =	sfence.sel $0xFFFF  }
0xbf: {  	[dreg:$0x0] =	wrdreg $0xFFFFFFFF;
	(pc) =	sbr.abs _section_cstart, $3  }
0xc0: {  	[dreg:$0x1] =	wrdreg $0xFFFFFFFF  }
0xc1: {  	_ =	task.clear_ibuf [dreg:s7], $0x2FFFF;
	_ =	strace $0x9FFFFFFF  }
0xc2: {  	(tm) =	ssettm $0x7FFFFFFF  }
0xc3: {  	_ =	shalt  }
tec
execute0_lowered:
.L_overlay_start_1:
0x0: {  	(tag) =	ssettag $0x1  }
0x1: {  	v0 =	vimm.s32 $0x1380;
	vm14 =	vcmask $0x300  }
0x2: {  	v1 =	vimm.s32 $0x3380;
	vm13 =	vcmask $0x704;
	vm12 =	vcmask $0xB08  }
0x3: {  	vm11 =	vcmask $0xF0C;
	vm10 =	vcmask $0x1310;
	vm9 =	vcmask $0x1714  }
0x4: {  	vm8 =	vcmask $0x1B18;
	vm7 =	vcmask $0x1F1C;
	vm6 =	vcmask $0x2320  }
0x5: {  	vm5 =	vcmask $0x2724;
	vm4 =	vcmask $0x2B28;
	vm3 =	vcmask $0x2F2C  }
0x6: {  	vm2 =	vcmask $0x3330;
	vm1 =	vcmask $0x3734;
	vm0 =	vcmask $0x3B38  }
0x7: {  	v2 =	vimm.s32 $0x1780;
	v3 =	vimm.s32 $0x3780;
	v4 =	vimm.s32 $0x1B80  }
0x8: {  	v5 =	vimm.s32 $0x3B80;
	v6 =	vimm.s32 $0x1F80;
	v7 =	vimm.s32 $0x3F80  }
0x9: {  	v0 =	vsel vm14, $0x0, v0;
	v1 =	vsel vm14, $0x2000, v1;
	v2 =	vsel vm14, $0x400, v2  }
0xa: {  	v3 =	vsel vm14, $0x2400, v3;
	v4 =	vsel vm14, $0x800, v4;
	v5 =	vsel vm14, $0x2800, v5  }
0xb: {  	v6 =	vsel vm14, $0xC00, v6;
	v7 =	vsel vm14, $0x2C00, v7;
	v0 =	vsel vm13, $0x80, v0  }
0xc: {  	v1 =	vsel vm13, $0x2080, v1;
	v2 =	vsel vm13, $0x480, v2;
	v3 =	vsel vm13, $0x2480, v3  }
0xd: {  	v4 =	vsel vm13, $0x880, v4;
	v5 =	vsel vm13, $0x2880, v5;
	v6 =	vsel vm13, $0xC80, v6  }
0xe: {  	v7 =	vsel vm13, $0x2C80, v7;
	v0 =	vsel vm12, $0x100, v0;
	v1 =	vsel vm12, $0x2100, v1  }
0xf: {  	v2 =	vsel vm12, $0x500, v2;
	v3 =	vsel vm12, $0x2500, v3;
	v4 =	vsel vm12, $0x900, v4  }
0x10: {  	v5 =	vsel vm12, $0x2900, v5;
	v6 =	vsel vm12, $0xD00, v6;
	v7 =	vsel vm12, $0x2D00, v7  }
0x11: {  	v0 =	vsel vm11, $0x180, v0;
	v1 =	vsel vm11, $0x2180, v1;
	v2 =	vsel vm11, $0x580, v2  }
0x12: {  	v3 =	vsel vm11, $0x2580, v3;
	v4 =	vsel vm11, $0x980, v4;
	v5 =	vsel vm11, $0x2980, v5  }
0x13: {  	v6 =	vsel vm11, $0xD80, v6;
	v7 =	vsel vm11, $0x2D80, v7;
	v0 =	vsel vm10, $0x200, v0  }
0x14: {  	v1 =	vsel vm10, $0x2200, v1;
	v2 =	vsel vm10, $0x600, v2;
	v3 =	vsel vm10, $0x2600, v3  }
0x15: {  	v4 =	vsel vm10, $0xA00, v4;
	v5 =	vsel vm10, $0x2A00, v5;
	v6 =	vsel vm10, $0xE00, v6  }
0x16: {  	v7 =	vsel vm10, $0x2E00, v7;
	v0 =	vsel vm9, $0x280, v0;
	v1 =	vsel vm9, $0x2280, v1  }
0x17: {  	v2 =	vsel vm9, $0x680, v2;
	v3 =	vsel vm9, $0x2680, v3;
	v4 =	vsel vm9, $0xA80, v4  }
0x18: {  	v5 =	vsel vm9, $0x2A80, v5;
	v6 =	vsel vm9, $0xE80, v6;
	v7 =	vsel vm9, $0x2E80, v7  }
0x19: {  	v0 =	vsel vm8, $0x300, v0;
	v1 =	vsel vm8, $0x2300, v1;
	v2 =	vsel vm8, $0x700, v2  }
0x1a: {  	v3 =	vsel vm8, $0x2700, v3;
	v4 =	vsel vm8, $0xB00, v4;
	v5 =	vsel vm8, $0x2B00, v5  }
0x1b: {  	v6 =	vsel vm8, $0xF00, v6;
	v7 =	vsel vm8, $0x2F00, v7;
	v0 =	vsel vm7, $0x380, v0  }
0x1c: {  	v1 =	vsel vm7, $0x2380, v1;
	v2 =	vsel vm7, $0x780, v2;
	v3 =	vsel vm7, $0x2780, v3  }
0x1d: {  	v4 =	vsel vm7, $0xB80, v4;
	v5 =	vsel vm7, $0x2B80, v5;
	v6 =	vsel vm7, $0xF80, v6  }
0x1e: {  	v7 =	vsel vm7, $0x2F80, v7;
	v0 =	vsel vm6, $0x1000, v0;
	v1 =	vsel vm6, $0x3000, v1  }
0x1f: {  	v2 =	vsel vm6, $0x1400, v2;
	v3 =	vsel vm6, $0x3400, v3;
	v4 =	vsel vm6, $0x1800, v4  }
0x20: {  	v5 =	vsel vm6, $0x3800, v5;
	v6 =	vsel vm6, $0x1C00, v6;
	v7 =	vsel vm6, $0x3C00, v7  }
0x21: {  	v0 =	vsel vm5, $0x1080, v0;
	v1 =	vsel vm5, $0x3080, v1;
	v2 =	vsel vm5, $0x1480, v2  }
0x22: {  	s2 =	rddreg [dreg:$0x0];
	v3 =	vsel vm5, $0x3480, v3;
	v4 =	vsel vm5, $0x1880, v4;
	v5 =	vsel vm5, $0x3880, v5  }
0x23: {  	s0 =	srdreg.scid;
	s5 =	rddreg [dreg:$0x1];
	s18 =	simm.s32 $0x0;
	v6 =	vsel vm5, $0x1C80, v6;
	v7 =	vsel vm5, $0x3C80, v7;
	v0 =	vsel vm4, $0x1100, v0  }
0x24: {  	s1 =	stileid.u32;
	s0 =	sand.u32 $0x1, s0;
	[smem:$0x7FF] =	sst s18;
	v1 =	vsel vm4, $0x3100, v1;
	v2 =	vsel vm4, $0x1500, v2;
	v3 =	vsel vm4, $0x3500, v3  }
0x25: {  	s1 =	sshll.u32 s1, $0x1;
	s23 =	sadd.s32 $0xF42A00, s2;
	s28 =	sadd.s32 $0x4000, s5;
	v4 =	vsel vm4, $0x1900, v4;
	v5 =	vsel vm4, $0x3900, v5;
	v6 =	vsel vm4, $0x1D00, v6  }
0x26: {  	s1 =	sor.u32 s0, s1;
	_ =	strace $0x80000047;
	[dreg:$0x3] =	wrdreg s23;
	v7 =	vsel vm4, $0x3D00, v7;
	v0 =	vsel vm3, $0x1180, v0;
	v1 =	vsel vm3, $0x3180, v1  }
0x27: {  	s29 =	sadd.s32 $0x8000, s5;
	[dreg:$0x7] =	wrdreg s28;
	s3 =	smul.u32 $0x6400, s1;
	v2 =	vsel vm3, $0x1580, v2;
	v3 =	vsel vm3, $0x3580, v3;
	v4 =	vsel vm3, $0x1980, v4  }
0x28: {  	s30 =	sadd.s32 $0xC000, s5;
	[dreg:$0x8] =	wrdreg s29;
	s4 =	smul.u32 $0x2400, s1;
	v5 =	vsel vm3, $0x3980, v5;
	v6 =	vsel vm3, $0x1D80, v6;
	v7 =	vsel vm3, $0x3D80, v7  }
0x29: {  	s31 =	sadd.s32 $0x680, s2;
	s0 =	ssub.s32 $0x2, s0;
	[dreg:$0x9] =	wrdreg s30;
	v0 =	vsel vm2, $0x1200, v0;
	v1 =	vsel vm2, $0x3200, v1;
	v2 =	vsel vm2, $0x1600, v2  }
0x2a: {  	[dreg:$0xb] =	wrdreg s31;
	s3 =	sand.u32 $0xFC000, s3;
	s4 =	sand.u32 $0x3C00, s4;
	v3 =	vsel vm2, $0x3600, v3;
	v4 =	vsel vm2, $0x1A00, v4;
	v5 =	vsel vm2, $0x3A00, v5  }
0x2b: {  	s24 =	sshrl.u32 s0, $0x1;
	s1 =	smul.u32 $0x32, s1;
	s3 =	sor.u32 s4, s3;
	v6 =	vsel vm2, $0x1E00, v6;
	v7 =	vsel vm2, $0x3E00, v7;
	v0 =	vsel vm1, $0x1280, v0  }
.Ltmp0:
0x2c: {  	s0 =	ssub.s32 s0, s24;
	s3 =	sshrl.u32 s3, $0x3;
	v1 =	vsel vm1, $0x3280, v1;
	v2 =	vsel vm1, $0x1680, v2;
	v3 =	vsel vm1, $0x3680, v3;
	(pc) =	sbr.rel .LBB2_1-.Ltmp0, $4  }
0x2d: {  	[dreg:$0x4] =	wrdreg s1;
	s0 =	smax.u32 s0, $0x1;
	s3 =	sadd.s32 s3, s2;
	v4 =	vsel vm1, $0x1A80, v4;
	v5 =	vsel vm1, $0x3A80, v5;
	v6 =	vsel vm1, $0x1E80, v6  }
0x2e: {  	s19 =	simm.s32 $0x8400;
	[dreg:$0xa] =	wrdreg s0;
	s25 =	sadd.s32 $0x600, s3;
	v7 =	vsel vm1, $0x3E80, v7;
	v0 =	vsel vm0, $0x1300, v0;
	v1 =	vsel vm0, $0x3300, v1  }
0x2f: {  	s24 =	simm.s32 $0xC400;
	s26 =	sadd.s32 $0x640, s3;
	[dreg:$0x5] =	wrdreg s25;
	v2 =	vsel vm0, $0x1700, v2;
	v3 =	vsel vm0, $0x3700, v3;
	v4 =	vsel vm0, $0x1B00, v4  }
0x30: {  	s1 =	simm.s32 $0x200;
	s2 =	simm.s32 $0x0;
	[dreg:$0x6] =	wrdreg s26;
	v5 =	vsel vm0, $0x3B00, v5;
	v6 =	vsel vm0, $0x1F00, v6;
	v7 =	vsel vm0, $0x3F00, v7  }
.LBB2_36:
0x31: {  	s0 =	simm.s32 $0x5  }
0x32: {  	_ =	swait.ge [sflag:s0], $0x1000  }
0x33: {  	[sflag:s0] =	ssyncset.done $0x0  }
0x34: {  	[sflag:s0] =	ssyncadd.s32 $0xFFFFF000  }
0x35: {  	_ =	swait.ge [sflag:s0], $0x1000  }
0x36: {  	[sflag:s0] =	ssyncset.done $0x0  }
0x37: {  	[sflag:s0] =	ssyncadd.s32 $0xFFFFF000  }
0x38: {  	_ =	swait.ge [sflag:s0], $0x1000  }
0x39: {  	[sflag:s0] =	ssyncset.done $0x0  }
0x3a: {  	[sflag:s0] =	ssyncadd.s32 $0xFFFFF000  }
0x3b: {  	_ =	swait.ge [sflag:s0], $0x1000  }
0x3c: {  	[sflag:s0] =	ssyncset.done $0x0  }
0x3d: {  	s1 =	simm.s32 $0x6;
	[sflag:s0] =	ssyncadd.s32 $0xFFFFF000  }
0x3e: {  	_ =	swait.ge [sflag:s1], $0x1000  }
0x3f: {  	[sflag:s1] =	ssyncset.done $0x0  }
0x40: {  	[sflag:s1] =	ssyncadd.s32 $0xFFFFF000  }
0x41: {  	_ =	swait.ge [sflag:s1], $0x1000  }
0x42: {  	[sflag:s1] =	ssyncset.done $0x0  }
0x43: {  	[sflag:s1] =	ssyncadd.s32 $0xFFFFF000  }
0x44: {  	_ =	swait.ge [sflag:s1], $0x1000  }
0x45: {  	[sflag:s1] =	ssyncset.done $0x0  }
0x46: {  	[sflag:s1] =	ssyncadd.s32 $0xFFFFF000  }
0x47: {  	_ =	swait.ge [sflag:s1], $0x1000  }
0x48: {  	s2 =	rddreg [dreg:$0xc]  }
0x49: {  	s31 =	rddreg [dreg:$0xa];
	s2 =	sadd.s32 $0x1, s2  }
0x4a: {  	p0 =	sne.s32 s2, s31  }
.Ltmp1:
0x4b: {  	_ = 	snop;
	(pc) =	sbr.rel @!p0 .LBB2_37-.Ltmp1, $3  }
0x4c: {  	_ =	sdelay $0x1  }
0x4d: {  	[sflag:s1] =	ssyncset.done $0x0  }
0x4e: {  	[sflag:s1] =	ssyncadd.s32 $0xFFFFF000;
	s1 =	simm.s32 $0x200  }
.LBB2_1:
0x4f: {  	[dreg:$0xc] =	wrdreg s2  }
0x50: {  	s0 =	rddreg [dreg:$0x5];
	s28 =	simm.s32 $0x1  }
0x51: {  	[tilespmem:s18], [sflag:$0x1] =	stream.linear.gather [hbm4b:s0+s18], $0x200, $0x38;
	[tilespmem:$0x10400] =	vst v63  }
0x52: {  	_ =	swait.ge [sflag:s28], $0x200  }
0x53: {  	[sflag:s28] =	ssyncset.done $0x0  }
0x54: {  	s30 =	simm.s32 $0x400;
	s29 =	rddreg [dreg:$0x3];
	[sflag:s28] =	ssyncadd.s32 $0xFFFFFE00  }
0x55: {  	[tilespmem:s30], [sflag:$0x3] =	stream.indirect.gather [hbm4b:s29+s1], $0x20, s18, s1, $0xb8;
	[tilespmem:$0x10400] =	vst v63  }
0x56: {  	s3 =	simm.s32 $0x0;
	s31 =	rddreg [dreg:$0x6]  }
0x57: {  	[tilespmem:s1], [sflag:$0x2] =	stream.linear.gather [hbm4b:s31+s18], $0x200, $0x38;
	[tilespmem:$0x10400] =	vst v63  }
.LBB2_2:
0x58: {  	s0 =	simm.s32 $0x3  }
0x59: {  	_ =	swait.ge [sflag:s0], $0x4000  }
0x5a: {  	[sflag:s0] =	ssyncset.done $0x0  }
0x5b: {  	s21 =	simm.s32 $0x2;
	[sflag:s0] =	ssyncadd.s32 $0xFFFFC000  }
0x5c: {  	_ =	swait.ge [sflag:s21], $0x200  }
0x5d: {  	s2 =	simm.s32 $0x4400;
	p0 =	seq.s32 s3, $0x0;
	[sflag:s21] =	ssyncset.done $0x0  }
0x5e: {  	s0 =	simm.s32 @!p0 $0x5;
	s22 =	rddreg [dreg:$0x3];
	[sflag:s21] =	ssyncadd.s32 $0xFFFFFE00  }
0x5f: {  	[tilespmem:s2], [sflag:$0x4] =	stream.indirect.gather [hbm4b:s22+s1], $0x20, s1, s1, $0xb8;
	[tilespmem:$0x10400] =	vst v63  }
0x60: {  	_ =	swait.ge @!p0 [sflag:s0], $0x1000  }
0x61: {  	[sflag:s0] =	ssyncset.done @!p0 $0x0  }
0x62: {  	[sflag:s0] =	ssyncadd.s32 @!p0 $0xFFFFF000  }
0x63: {  	_ =	swait.ge @!p0 [sflag:s0], $0x1000  }
0x64: {  	[sflag:s0] =	ssyncset.done @!p0 $0x0  }
0x65: {  	[sflag:s0] =	ssyncadd.s32 @!p0 $0xFFFFF000  }
0x66: {  	_ =	swait.ge @!p0 [sflag:s0], $0x1000  }
0x67: {  	[sflag:s0] =	ssyncset.done @!p0 $0x0  }
0x68: {  	[sflag:s0] =	ssyncadd.s32 @!p0 $0xFFFFF000  }
0x69: {  	_ =	swait.ge @!p0 [sflag:s0], $0x1000  }
0x6a: {  	[sflag:s0] =	ssyncset.done @!p0 $0x0  }
0x6b: {  	s12 =	simm.s32 $0x500;
	s14 =	simm.s32 $0xF;
	[sflag:s0] =	ssyncadd.s32 @!p0 $0xFFFFF000  }
0x6c: {  	s23 =	simm.s32 $0x1;
	v9 =	vor.u32 s14, v0;
	v8 =	vld [tilespmem:s12+$0xE0]  }
0x6d: {  	s29 =	simm.s32 $0x2;
	v11 =	vor.u32 s23, v0;
	v10 =	vld [tilespmem:s12+$0xFFFFFF20]  }
0x6e: {  	s4 =	simm.s32 $0x3;
	v13 =	vor.u32 s29, v0;
	v12 =	vld [tilespmem:s12+$0xFFFFFF40]  }
0x6f: {  	s5 =	simm.s32 $0x4;
	v15 =	vor.u32 s4, v0;
	v14 =	vld [tilespmem:s12+$0xFFFFFF60]  }
0x70: {  	s6 =	simm.s32 $0x5;
	v17 =	vor.u32 s5, v0;
	v16 =	vld [tilespmem:s12+$0xFFFFFF80]  }
0x71: {  	s7 =	simm.s32 $0x6;
	v19 =	vor.u32 s6, v0;
	v18 =	vld [tilespmem:s12+$0xFFFFFFA0];
	[tilespmem:v9+s19+$0x0] =	vst.idx.msk $0xffff, v8  }
0x72: {  	s18 =	simm.s32 $0x7;
	[tilespmem:v11+s19+$0x0] =	vst.idx.msk $0xffff, v10;
	v10 =	vld [tilespmem:s12+$0xFFFFFFC0];
	v11 =	vor.u32 s7, v0  }
0x73: {  	s20 =	simm.s32 $0x8;
	[tilespmem:v13+s19+$0x0] =	vst.idx.msk $0xffff, v12;
	v12 =	vld [tilespmem:s12+$0xFFFFFFE0];
	v13 =	vor.u32 s18, v0  }
0x74: {  	[tilespmem:v15+s19+$0x0] =	vst.idx.msk $0xffff, v14;
	v14 =	vld [tilespmem:s12+$0x0];
	v15 =	vor.u32 s20, v0  }
0x75: {  	s25 =	simm.s32 $0x9;
	v9 =	vor.u32 s14, v1;
	[tilespmem:v17+s19+$0x0] =	vst.idx.msk $0xffff, v16;
	v8 =	vld [tilespmem:s12+$0xF0]  }
0x76: {  	s26 =	simm.s32 $0xA;
	[tilespmem:v19+s19+$0x0] =	vst.idx.msk $0xffff, v18;
	v16 =	vld [tilespmem:s12+$0x20];
	v17 =	vor.u32 s25, v0  }
0x77: {  	s21 =	simm.s32 $0xC;
	v18 =	vld [tilespmem:s12+$0x40];
	v19 =	vor.u32 s26, v0;
	[tilespmem:v11+s19+$0x0] =	vst.idx.msk $0xffff, v10  }
0x78: {  	s28 =	simm.s32 $0xD;
	[tilespmem:v13+s19+$0x0] =	vst.idx.msk $0xffff, v12;
	v10 =	vld [tilespmem:s12+$0x80];
	v11 =	vor.u32 s21, v0  }
0x79: {  	s31 =	simm.s32 $0xB;
	[tilespmem:v15+s19+$0x0] =	vst.idx.msk $0xffff, v14;
	v12 =	vld [tilespmem:s12+$0xA0];
	v13 =	vor.u32 s28, v0  }
0x7a: {  	s2 =	simm.s32 $0xE;
	[tilespmem:v9+s19+$0x0] =	vst.idx.msk $0xffff, v8;
	v8 =	vld [tilespmem:s12+$0x60];
	v9 =	vor.u32 s31, v0  }
0x7b: {  	s22 =	simm.s32 $0x0;
	[tilespmem:v17+s19+$0x0] =	vst.idx.msk $0xffff, v16;
	v14 =	vld [tilespmem:s12+$0xC0];
	v15 =	vor.u32 s2, v0  }
0x7c: {  	v16 =	vld [tilespmem:s12+$0xFFFFFF00];
	v17 =	vor.u32 s22, v0;
	[tilespmem:v19+s19+$0x0] =	vst.idx.msk $0xffff, v18  }
0x7d: {  	v18 =	vld [tilespmem:s12+$0xFFFFFF30];
	v19 =	vor.u32 s23, v1;
	[tilespmem:v11+s19+$0x0] =	vst.idx.msk $0xffff, v10  }
0x7e: {  	v10 =	vld [tilespmem:s12+$0xFFFFFF70];
	v11 =	vor.u32 s4, v1;
	[tilespmem:v13+s19+$0x0] =	vst.idx.msk $0xffff, v12  }
0x7f: {  	[tilespmem:v9+s19+$0x0] =	vst.idx.msk $0xffff, v8;
	v8 =	vld [tilespmem:s12+$0xFFFFFF50];
	v9 =	vor.u32 s29, v1  }
0x80: {  	v12 =	vld [tilespmem:s12+$0xFFFFFF90];
	v13 =	vor.u32 s5, v1;
	[tilespmem:v15+s19+$0x0] =	vst.idx.msk $0xffff, v14  }
0x81: {  	[tilespmem:v17+s19+$0x0] =	vst.idx.msk $0xffff, v16;
	v14 =	vld [tilespmem:s12+$0xFFFFFFB0];
	v15 =	vor.u32 s6, v1  }
0x82: {  	[tilespmem:v19+s19+$0x0] =	vst.idx.msk $0xffff, v18;
	v16 =	vld [tilespmem:s12+$0xFFFFFFD0];
	v17 =	vor.u32 s7, v1  }
0x83: {  	v18 =	vor.u32 s20, v1;
	[tilespmem:v11+s19+$0x0] =	vst.idx.msk $0xffff, v10;
	v10 =	vld [tilespmem:s12+$0x10]  }
0x84: {  	[tilespmem:v9+s19+$0x0] =	vst.idx.msk $0xffff, v8;
	v8 =	vld [tilespmem:s12+$0xFFFFFFF0];
	v9 =	vor.u32 s18, v1  }
0x85: {  	[tilespmem:v13+s19+$0x0] =	vst.idx.msk $0xffff, v12  }
0x86: {  	v19 =	vld [tilespmem:s12+$0x50];
	[tilespmem:v15+s19+$0x0] =	vst.idx.msk $0xffff, v14  }
0x87: {  	v12 =	vld [tilespmem:s12+$0x30];
	v13 =	vor.u32 s25, v1;
	[tilespmem:v17+s19+$0x0] =	vst.idx.msk $0xffff, v16  }
0x88: {  	v20 =	vor.u32 s26, v1;
	v15 =	vld [tilespmem:s12+$0x70];
	[tilespmem:v18+s19+$0x0] =	vst.idx.msk $0xffff, v10  }
0x89: {  	v11 =	vld [tilespmem:s12+$0x90];
	v17 =	vor.u32 s31, v1;
	[tilespmem:v9+s19+$0x0] =	vst.idx.msk $0xffff, v8  }
0x8a: {  	s30 =	sshll.u32 s3, $0x1;
	v16 =	vor.u32 s21, v1;
	v8 =	vld [tilespmem:s12+$0xB0];
	[dreg:$0xd] =	wrdreg s3  }
0x8b: {  	v14 =	vor.u32 s28, v1;
	[dreg:$0xf] =	wrdreg s30  }
0x8c: {  	s9 =	simm.s32 $0x1F;
	s16 =	simm.s32 $0x700;
	[tilespmem:v13+s19+$0x0] =	vst.idx.msk $0xffff, v12;
	v9 =	vld [tilespmem:s12+$0xD0];
	v13 =	vor.u32 s2, v1  }
0x8d: {  	s17 =	simm.s32 $0x10;
	s23 =	simm.s32 $0x20;
	s6 =	simm.s32 $0x10;
	v10 =	vld [tilespmem:s12+$0xFFFFFF10];
	v12 =	vor.u32 s22, v1;
	[tilespmem:v20+s19+$0x0] =	vst.idx.msk $0xffff, v19  }
.LBB2_3:
0x8e: {  	p1 =	slt.u32 s23, $0x70;
	s5 =	sadd.s32 $0x1, s17;
	v18 =	vld [tilespmem:s16+$0xE0];
	v19 =	vor.u32 s9, v0;
	[tilespmem:v17+s19+$0x0] =	vst.idx.msk $0xffff, v15;
	s12 =	smov.u32 s17  }
0x8f: {  	s17 =	smov.u32 s23;
	v15 =	vld [tilespmem:s16+$0xFFFFFF20];
	v17 =	vor.u32 s5, v0;
	s8 =	sadd.s32 $0x2, s12;
	[tilespmem:v16+s19+$0x0] =	vst.idx.msk $0xffff, v11  }
0x90: {  	s10 =	sadd.s32 $0x3, s12;
	v11 =	vld [tilespmem:s16+$0xFFFFFF40];
	v16 =	vor.u32 s8, v0;
	[tilespmem:v14+s19+$0x0] =	vst.idx.msk $0xffff, v8  }
0x91: {  	s4 =	sadd.s32 $0x4, s12;
	v14 =	vor.u32 s10, v0;
	v8 =	vld [tilespmem:s16+$0xFFFFFF60];
	[tilespmem:v13+s19+$0x0] =	vst.idx.msk $0xffff, v9  }
0x92: {  	s3 =	sadd.s32 $0x5, s12;
	v13 =	vor.u32 s4, v0;
	v9 =	vld [tilespmem:s16+$0xFFFFFF80];
	[tilespmem:v12+s19+$0x0] =	vst.idx.msk $0xffff, v10  }
0x93: {  	v12 =	vor.u32 s3, v0;
	v10 =	vld [tilespmem:s16+$0xFFFFFFA0];
	[tilespmem:v19+s19+$0x0] =	vst.idx.msk $0xffff, v18  }
0x94: {  	s1 =	sadd.s32 $0x6, s12;
	[tilespmem:v17+s19+$0x0] =	vst.idx.msk $0xffff, v15;
	v15 =	vld [tilespmem:s16+$0xF0];
	v17 =	vor.u32 s9, v1  }
0x95: {  	s9 =	sadd.s32 $0x7, s12;
	[tilespmem:v16+s19+$0x0] =	vst.idx.msk $0xffff, v11;
	v11 =	vld [tilespmem:s16+$0xFFFFFFC0];
	v16 =	vor.u32 s1, v0  }
0x96: {  	s0 =	sadd.s32 $0x8, s12;
	[tilespmem:v14+s19+$0x0] =	vst.idx.msk $0xffff, v8;
	v8 =	vld [tilespmem:s16+$0xFFFFFFE0];
	v14 =	vor.u32 s9, v0  }
0x97: {  	s7 =	sadd.s32 $0x9, s12;
	[tilespmem:v13+s19+$0x0] =	vst.idx.msk $0xffff, v9;
	v9 =	vld [tilespmem:s16+$0x0];
	v13 =	vor.u32 s0, v0  }
0x98: {  	s11 =	sadd.s32 $0xA, s12;
	[tilespmem:v12+s19+$0x0] =	vst.idx.msk $0xffff, v10;
	v10 =	vld [tilespmem:s16+$0x20];
	v12 =	vor.u32 s7, v0  }
0x99: {  	s13 =	sadd.s32 $0xB, s12;
	v19 =	vor.u32 s11, v0;
	v18 =	vld [tilespmem:s16+$0x40];
	[tilespmem:v17+s19+$0x0] =	vst.idx.msk $0xffff, v15  }
0x9a: {  	s15 =	sadd.s32 $0xC, s12;
	v15 =	vor.u32 s13, v0;
	[tilespmem:v16+s19+$0x0] =	vst.idx.msk $0xffff, v11;
	v11 =	vld [tilespmem:s16+$0x60]  }
0x9b: {  	s29 =	sadd.s32 $0xD, s12;
	[tilespmem:v14+s19+$0x0] =	vst.idx.msk $0xffff, v8;
	v8 =	vld [tilespmem:s16+$0x80];
	v14 =	vor.u32 s15, v0  }
0x9c: {  	s30 =	sadd.s32 $0xE, s12;
	[tilespmem:v13+s19+$0x0] =	vst.idx.msk $0xffff, v9;
	v9 =	vld [tilespmem:s16+$0xA0];
	v13 =	vor.u32 s29, v0  }
0x9d: {  	[tilespmem:v12+s19+$0x0] =	vst.idx.msk $0xffff, v10;
	v10 =	vld [tilespmem:s16+$0xC0];
	v12 =	vor.u32 s30, v0  }
0x9e: {  	v17 =	vor.u32 s12, v0;
	v16 =	vld [tilespmem:s16+$0xFFFFFF00];
	[tilespmem:v19+s19+$0x0] =	vst.idx.msk $0xffff, v18  }
0x9f: {  	v19 =	vor.u32 s5, v1;
	v18 =	vld [tilespmem:s16+$0xFFFFFF30];
	[tilespmem:v15+s19+$0x0] =	vst.idx.msk $0xffff, v11  }
0xa0: {  	v15 =	vor.u32 s8, v1;
	v11 =	vld [tilespmem:s16+$0xFFFFFF50];
	[tilespmem:v14+s19+$0x0] =	vst.idx.msk $0xffff, v8  }
0xa1: {  	v14 =	vor.u32 s10, v1;
	v8 =	vld [tilespmem:s16+$0xFFFFFF70];
	[tilespmem:v13+s19+$0x0] =	vst.idx.msk $0xffff, v9  }
0xa2: {  	v13 =	vor.u32 s4, v1;
	v9 =	vld [tilespmem:s16+$0xFFFFFF90];
	[tilespmem:v12+s19+$0x0] =	vst.idx.msk $0xffff, v10  }
0xa3: {  	v12 =	vor.u32 s3, v1;
	[tilespmem:v17+s19+$0x0] =	vst.idx.msk $0xffff, v16;
	v10 =	vld [tilespmem:s16+$0xFFFFFFB0]  }
0xa4: {  	v17 =	vor.u32 s1, v1;
	[tilespmem:v19+s19+$0x0] =	vst.idx.msk $0xffff, v18;
	v16 =	vld [tilespmem:s16+$0xFFFFFFD0]  }
0xa5: {  	v18 =	vor.u32 s9, v1;
	[tilespmem:v15+s19+$0x0] =	vst.idx.msk $0xffff, v11;
	v11 =	vld [tilespmem:s16+$0xFFFFFFF0]  }
0xa6: {  	[tilespmem:v14+s19+$0x0] =	vst.idx.msk $0xffff, v8;
	v8 =	vld [tilespmem:s16+$0x10];
	v14 =	vor.u32 s0, v1  }
0xa7: {  	[tilespmem:v13+s19+$0x0] =	vst.idx.msk $0xffff, v9;
	v9 =	vld [tilespmem:s16+$0x30];
	v13 =	vor.u32 s7, v1  }
0xa8: {  	v20 =	vor.u32 s11, v1;
	[tilespmem:v12+s19+$0x0] =	vst.idx.msk $0xffff, v10;
	v19 =	vld [tilespmem:s16+$0x50]  }
.Ltmp2:
0xa9: {  	[tilespmem:v17+s19+$0x0] =	vst.idx.msk $0xffff, v16;
	v15 =	vld [tilespmem:s16+$0x70];
	v17 =	vor.u32 s13, v1;
	(pc) =	sbr.rel @p1 .LBB2_3-.Ltmp2, $4  }
0xaa: {  	v16 =	vor.u32 s15, v1;
	[tilespmem:v18+s19+$0x0] =	vst.idx.msk $0xffff, v11;
	v11 =	vld [tilespmem:s16+$0x90]  }
0xab: {  	[tilespmem:v14+s19+$0x0] =	vst.idx.msk $0xffff, v8;
	v8 =	vld [tilespmem:s16+$0xB0];
	v14 =	vor.u32 s29, v1  }
0xac: {  	[tilespmem:v13+s19+$0x0] =	vst.idx.msk $0xffff, v9;
	v9 =	vld [tilespmem:s16+$0xD0];
	v13 =	vor.u32 s30, v1  }
0xad: {  	s23 =	sadd.s32 $0x10, s23;
	s9 =	sadd.s32 $0xF, s17;
	v12 =	vor.u32 s12, v1;
	v10 =	vld [tilespmem:s16+$0xFFFFFF10];
	[tilespmem:v20+s19+$0x0] =	vst.idx.msk $0xffff, v19;
	s16 =	sadd.s32 $0x200, s16  }
0xae: {  	_ =	sdelay $0x3  }
0xaf: {  	s0 =	sadd.s32 $0x1, s17;
	v18 =	vld [tilespmem:s16+$0xE0];
	v19 =	vor.u32 s9, v0;
	[tilespmem:v17+s19+$0x0] =	vst.idx.msk $0xffff, v15  }
0xb0: {  	v15 =	vld [tilespmem:s16+$0xFFFFFF20];
	s1 =	sadd.s32 $0x2, s17;
	v17 =	vor.u32 s0, v0;
	[tilespmem:v16+s19+$0x0] =	vst.idx.msk $0xffff, v11  }
0xb1: {  	s3 =	sadd.s32 $0x3, s17;
	v11 =	vld [tilespmem:s16+$0xFFFFFF40];
	v16 =	vor.u32 s1, v0;
	[tilespmem:v14+s19+$0x0] =	vst.idx.msk $0xffff, v8  }
0xb2: {  	s4 =	sadd.s32 $0x4, s17;
	v8 =	vld [tilespmem:s16+$0xFFFFFF60];
	v14 =	vor.u32 s3, v0;
	[tilespmem:v13+s19+$0x0] =	vst.idx.msk $0xffff, v9  }
0xb3: {  	s5 =	sadd.s32 $0x5, s17;
	v9 =	vld [tilespmem:s16+$0xFFFFFF80];
	v13 =	vor.u32 s4, v0;
	[tilespmem:v12+s19+$0x0] =	vst.idx.msk $0xffff, v10  }
0xb4: {  	s11 =	sadd.s32 $0xA, s17;
	v10 =	vld [tilespmem:s16+$0xFFFFFFA0];
	v12 =	vor.u32 s5, v0;
	[tilespmem:v19+s19+$0x0] =	vst.idx.msk $0xffff, v18  }
0xb5: {  	v18 =	vld [tilespmem:s16+$0x40];
	v19 =	vor.u32 s11, v0;
	[tilespmem:v17+s19+$0x0] =	vst.idx.msk $0xffff, v15  }
0xb6: {  	s7 =	sadd.s32 $0x6, s17;
	v15 =	vld [tilespmem:s16+$0xF0];
	v17 =	vor.u32 s9, v1;
	[tilespmem:v16+s19+$0x0] =	vst.idx.msk $0xffff, v11  }
0xb7: {  	s8 =	sadd.s32 $0x7, s17;
	v11 =	vld [tilespmem:s16+$0xFFFFFFC0];
	v16 =	vor.u32 s7, v0;
	[tilespmem:v14+s19+$0x0] =	vst.idx.msk $0xffff, v8  }
0xb8: {  	s30 =	sadd.s32 $0x8, s17;
	v8 =	vld [tilespmem:s16+$0xFFFFFFE0];
	v14 =	vor.u32 s8, v0;
	[tilespmem:v13+s19+$0x0] =	vst.idx.msk $0xffff, v9  }
0xb9: {  	s10 =	sadd.s32 $0x9, s17;
	v9 =	vld [tilespmem:s16+$0x0];
	v13 =	vor.u32 s30, v0;
	[tilespmem:v12+s19+$0x0] =	vst.idx.msk $0xffff, v10  }
0xba: {  	v10 =	vld [tilespmem:s16+$0x20];
	v12 =	vor.u32 s10, v0;
	[tilespmem:v19+s19+$0x0] =	vst.idx.msk $0xffff, v18  }
0xbb: {  	s12 =	sadd.s32 $0xB, s17;
	v18 =	vor.u32 s0, v1;
	v19 =	vld [tilespmem:s16+$0xFFFFFF30];
	[tilespmem:v17+s19+$0x0] =	vst.idx.msk $0xffff, v15  }
0xbc: {  	s13 =	sadd.s32 $0xC, s17;
	[tilespmem:v16+s19+$0x0] =	vst.idx.msk $0xffff, v11;
	v11 =	vld [tilespmem:s16+$0x60];
	v15 =	vor.u32 s12, v0  }
0xbd: {  	s15 =	sadd.s32 $0xD, s17;
	[tilespmem:v14+s19+$0x0] =	vst.idx.msk $0xffff, v8;
	v8 =	vld [tilespmem:s16+$0x80];
	v14 =	vor.u32 s13, v0  }
0xbe: {  	s23 =	sadd.s32 $0xE, s17;
	[tilespmem:v13+s19+$0x0] =	vst.idx.msk $0xffff, v9;
	v9 =	vld [tilespmem:s16+$0xA0];
	v13 =	vor.u32 s15, v0  }
0xbf: {  	[tilespmem:v12+s19+$0x0] =	vst.idx.msk $0xffff, v10;
	v10 =	vld [tilespmem:s16+$0xC0];
	v12 =	vor.u32 s23, v0  }
0xc0: {  	v16 =	vld [tilespmem:s16+$0xFFFFFF00];
	v17 =	vor.u32 s17, v0;
	[tilespmem:v18+s19+$0x0] =	vst.idx.msk $0xffff, v19  }
0xc1: {  	[tilespmem:v15+s19+$0x0] =	vst.idx.msk $0xffff, v11;
	v11 =	vor.u32 s1, v1;
	v15 =	vld [tilespmem:s16+$0xFFFFFF50]  }
0xc2: {  	[tilespmem:v14+s19+$0x0] =	vst.idx.msk $0xffff, v8;
	v8 =	vor.u32 s3, v1;
	v14 =	vld [tilespmem:s16+$0xFFFFFF70]  }
0xc3: {  	[tilespmem:v13+s19+$0x0] =	vst.idx.msk $0xffff, v9;
	v9 =	vor.u32 s4, v1;
	v13 =	vld [tilespmem:s16+$0xFFFFFF90]  }
0xc4: {  	[tilespmem:v12+s19+$0x0] =	vst.idx.msk $0xffff, v10;
	v10 =	vor.u32 s5, v1;
	v12 =	vld [tilespmem:s16+$0xFFFFFFB0]  }
0xc5: {  	[tilespmem:v17+s19+$0x0] =	vst.idx.msk $0xffff, v16;
	v16 =	vor.u32 s7, v1;
	v17 =	vld [tilespmem:s16+$0xFFFFFFD0]  }
0xc6: {  	v18 =	vor.u32 s8, v1;
	[tilespmem:v11+s19+$0x0] =	vst.idx.msk $0xffff, v15;
	v11 =	vld [tilespmem:s16+$0xFFFFFFF0]  }
0xc7: {  	v15 =	vor.u32 s30, v1;
	[tilespmem:v8+s19+$0x0] =	vst.idx.msk $0xffff, v14;
	v8 =	vld [tilespmem:s16+$0x10]  }
0xc8: {  	v14 =	vor.u32 s10, v1;
	[tilespmem:v9+s19+$0x0] =	vst.idx.msk $0xffff, v13;
	v9 =	vld [tilespmem:s16+$0x30]  }
0xc9: {  	v13 =	vor.u32 s11, v1;
	[tilespmem:v10+s19+$0x0] =	vst.idx.msk $0xffff, v12;
	v10 =	vld [tilespmem:s16+$0x50]  }
0xca: {  	[tilespmem:v16+s19+$0x0] =	vst.idx.msk $0xffff, v17;
	v16 =	vld [tilespmem:s16+$0x70];
	v12 =	vor.u32 s12, v1  }
0xcb: {  	v17 =	vor.u32 s13, v1;
	[tilespmem:v18+s19+$0x0] =	vst.idx.msk $0xffff, v11;
	v11 =	vld [tilespmem:s16+$0x90]  }
0xcc: {  	v18 =	vor.u32 s15, v1;
	[tilespmem:v15+s19+$0x0] =	vst.idx.msk $0xffff, v8;
	v8 =	vld [tilespmem:s16+$0xB0]  }
0xcd: {  	v15 =	vor.u32 s23, v1;
	[tilespmem:v14+s19+$0x0] =	vst.idx.msk $0xffff, v9;
	v9 =	vld [tilespmem:s16+$0xD0]  }
0xce: {  	v19 =	vor.u32 s17, v1;
	v14 =	vld [tilespmem:s16+$0xFFFFFF10];
	[tilespmem:v13+s19+$0x0] =	vst.idx.msk $0xffff, v10  }
0xcf: {  	[tilespmem:v12+s19+$0x0] =	vst.idx.msk $0xffff, v16  }
0xd0: {  	[tilespmem:v17+s19+$0x0] =	vst.idx.msk $0xffff, v11  }
0xd1: {  	[tilespmem:v18+s19+$0x0] =	vst.idx.msk $0xffff, v8  }
0xd2: {  	[tilespmem:v15+s19+$0x0] =	vst.idx.msk $0xffff, v9  }
0xd3: {  	s13 =	simm.s32 $0x15F0;
	[tilespmem:v19+s19+$0x0] =	vst.idx.msk $0xffff, v14  }
0xd4: {  	s15 =	simm.s32 $0x1;
	v9 =	vor.u32 s14, v2;
	v8 =	vld [tilespmem:s13+$0xFFFFFFF0]  }
0xd5: {  	s16 =	simm.s32 $0x2;
	v11 =	vor.u32 s15, v2;
	v10 =	vld [tilespmem:s13+$0xFFFFFE30]  }
0xd6: {  	s17 =	simm.s32 $0x3;
	v13 =	vor.u32 s16, v2;
	v12 =	vld [tilespmem:s13+$0xFFFFFE50]  }
0xd7: {  	s23 =	simm.s32 $0x4;
	v15 =	vor.u32 s17, v2;
	v14 =	vld [tilespmem:s13+$0xFFFFFE70]  }
0xd8: {  	s29 =	simm.s32 $0x5;
	v17 =	vor.u32 s23, v2;
	v16 =	vld [tilespmem:s13+$0xFFFFFE90]  }
0xd9: {  	s30 =	simm.s32 $0x6;
	v19 =	vor.u32 s29, v2;
	v18 =	vld [tilespmem:s13+$0xFFFFFEB0];
	[tilespmem:v9+s19+$0x0] =	vst.idx.msk $0xffff, v8  }
0xda: {  	[tilespmem:v11+s19+$0x0] =	vst.idx.msk $0xffff, v10;
	v10 =	vld [tilespmem:s13+$0xFFFFFED0];
	v11 =	vor.u32 s30, v2  }
0xdb: {  	[tilespmem:v13+s19+$0x0] =	vst.idx.msk $0xffff, v12;
	v12 =	vld [tilespmem:s13+$0xFFFFFEF0];
	v13 =	vor.u32 s18, v2  }
0xdc: {  	[tilespmem:v15+s19+$0x0] =	vst.idx.msk $0xffff, v14;
	v14 =	vld [tilespmem:s13+$0xFFFFFF10];
	v15 =	vor.u32 s20, v2  }
0xdd: {  	v8 =	vor.u32 s14, v3;
	[tilespmem:v17+s19+$0x0] =	vst.idx.msk $0xffff, v16;
	v9 =	vld [tilespmem:s13+$0x0]  }
0xde: {  	[tilespmem:v19+s19+$0x0] =	vst.idx.msk $0xffff, v18;
	v16 =	vld [tilespmem:s13+$0xFFFFFF30];
	v17 =	vor.u32 s25, v2  }
0xdf: {  	v18 =	vld [tilespmem:s13+$0xFFFFFF50];
	v19 =	vor.u32 s26, v2;
	[tilespmem:v11+s19+$0x0] =	vst.idx.msk $0xffff, v10  }
0xe0: {  	[tilespmem:v13+s19+$0x0] =	vst.idx.msk $0xffff, v12;
	v10 =	vld [tilespmem:s13+$0xFFFFFF90];
	v11 =	vor.u32 s21, v2  }
0xe1: {  	[tilespmem:v15+s19+$0x0] =	vst.idx.msk $0xffff, v14;
	v12 =	vld [tilespmem:s13+$0xFFFFFFB0];
	v13 =	vor.u32 s28, v2  }
0xe2: {  	[tilespmem:v8+s19+$0x0] =	vst.idx.msk $0xffff, v9;
	v8 =	vld [tilespmem:s13+$0xFFFFFF70];
	v9 =	vor.u32 s31, v2  }
0xe3: {  	[tilespmem:v17+s19+$0x0] =	vst.idx.msk $0xffff, v16;
	v14 =	vld [tilespmem:s13+$0xFFFFFFD0];
	v15 =	vor.u32 s2, v2  }
0xe4: {  	v16 =	vld [tilespmem:s13+$0xFFFFFE10];
	v17 =	vor.u32 s22, v2;
	[tilespmem:v19+s19+$0x0] =	vst.idx.msk $0xffff, v18  }
0xe5: {  	v18 =	vor.u32 s15, v3;
	v19 =	vld [tilespmem:s13+$0xFFFFFE40];
	[tilespmem:v11+s19+$0x0] =	vst.idx.msk $0xffff, v10  }
0xe6: {  	v10 =	vor.u32 s17, v3;
	v11 =	vld [tilespmem:s13+$0xFFFFFE80];
	[tilespmem:v13+s19+$0x0] =	vst.idx.msk $0xffff, v12  }
0xe7: {  	[tilespmem:v9+s19+$0x0] =	vst.idx.msk $0xffff, v8;
	v8 =	vor.u32 s16, v3;
	v9 =	vld [tilespmem:s13+$0xFFFFFE60]  }
0xe8: {  	v12 =	vor.u32 s23, v3;
	v13 =	vld [tilespmem:s13+$0xFFFFFEA0];
	[tilespmem:v15+s19+$0x0] =	vst.idx.msk $0xffff, v14  }
0xe9: {  	v14 =	vor.u32 s29, v3;
	[tilespmem:v17+s19+$0x0] =	vst.idx.msk $0xffff, v16;
	v15 =	vld [tilespmem:s13+$0xFFFFFEC0]  }
0xea: {  	v16 =	vor.u32 s30, v3;
	[tilespmem:v18+s19+$0x0] =	vst.idx.msk $0xffff, v19;
	v17 =	vld [tilespmem:s13+$0xFFFFFEE0]  }
0xeb: {  	v20 =	vld [tilespmem:s13+$0xFFFFFF60];
	v19 =	vor.u32 s26, v3;
	[tilespmem:v10+s19+$0x0] =	vst.idx.msk $0xffff, v11  }
0xec: {  	v10 =	vld [tilespmem:s13+$0xFFFFFF20];
	[tilespmem:v8+s19+$0x0] =	vst.idx.msk $0xffff, v9;
	v9 =	vor.u32 s20, v3  }
0xed: {  	v11 =	vor.u32 s25, v3;
	[tilespmem:v12+s19+$0x0] =	vst.idx.msk $0xffff, v13;
	v12 =	vld [tilespmem:s13+$0xFFFFFF40]  }
0xee: {  	v18 =	vor.u32 s18, v3;
	[tilespmem:v14+s19+$0x0] =	vst.idx.msk $0xffff, v15;
	v8 =	vld [tilespmem:s13+$0xFFFFFF00]  }
0xef: {  	[tilespmem:v16+s19+$0x0] =	vst.idx.msk $0xffff, v17;
	v15 =	vld [tilespmem:s13+$0xFFFFFF80];
	v17 =	vor.u32 s31, v3  }
0xf0: {  	v13 =	vld [tilespmem:s13+$0xFFFFFFA0];
	v16 =	vor.u32 s21, v3;
	[tilespmem:v19+s19+$0x0] =	vst.idx.msk $0xffff, v20  }
0xf1: {  	v14 =	vor.u32 s28, v3;
	[tilespmem:v9+s19+$0x0] =	vst.idx.msk $0xffff, v10;
	v10 =	vld [tilespmem:s13+$0xFFFFFFC0]  }
0xf2: {  	[tilespmem:v11+s19+$0x0] =	vst.idx.msk $0xffff, v12;
	v11 =	vor.u32 s2, v3;
	v9 =	vld [tilespmem:s13+$0xFFFFFFE0]  }
0xf3: {  	s7 =	simm.s32 $0x20;
	s10 =	simm.s32 $0x1F;
	v12 =	vor.u32 s22, v3;
	s2 =	simm.s32 $0x17F0;
	[tilespmem:v18+s19+$0x0] =	vst.idx.msk $0xffff, v8;
	v8 =	vld [tilespmem:s13+$0xFFFFFE20]  }
.LBB2_5:
0xf4: {  	p1 =	slt.u32 s7, $0x70;
	s5 =	sadd.s32 $0x1, s6;
	v18 =	vld [tilespmem:s2+$0xFFFFFFF0];
	v19 =	vor.u32 s10, v2;
	[tilespmem:v17+s19+$0x0] =	vst.idx.msk $0xffff, v15;
	s11 =	smov.u32 s6  }
0xf5: {  	s6 =	smov.u32 s7;
	v15 =	vld [tilespmem:s2+$0xFFFFFE30];
	v17 =	vor.u32 s5, v2;
	s8 =	sadd.s32 $0x2, s11;
	[tilespmem:v16+s19+$0x0] =	vst.idx.msk $0xffff, v13  }
0xf6: {  	s9 =	sadd.s32 $0x3, s11;
	v13 =	vld [tilespmem:s2+$0xFFFFFE50];
	v16 =	vor.u32 s8, v2;
	[tilespmem:v14+s19+$0x0] =	vst.idx.msk $0xffff, v10  }
0xf7: {  	s3 =	sadd.s32 $0x4, s11;
	v14 =	vor.u32 s9, v2;
	v10 =	vld [tilespmem:s2+$0xFFFFFE70];
	[tilespmem:v11+s19+$0x0] =	vst.idx.msk $0xffff, v9  }
0xf8: {  	s4 =	sadd.s32 $0x5, s11;
	v11 =	vor.u32 s3, v2;
	v9 =	vld [tilespmem:s2+$0xFFFFFE90];
	[tilespmem:v12+s19+$0x0] =	vst.idx.msk $0xffff, v8  }
0xf9: {  	v12 =	vor.u32 s4, v2;
	v8 =	vld [tilespmem:s2+$0xFFFFFEB0];
	[tilespmem:v19+s19+$0x0] =	vst.idx.msk $0xffff, v18  }
0xfa: {  	s1 =	sadd.s32 $0x6, s11;
	[tilespmem:v17+s19+$0x0] =	vst.idx.msk $0xffff, v15;
	v15 =	vld [tilespmem:s2+$0x0];
	v17 =	vor.u32 s10, v3  }
0xfb: {  	s10 =	sadd.s32 $0x7, s11;
	[tilespmem:v16+s19+$0x0] =	vst.idx.msk $0xffff, v13;
	v13 =	vld [tilespmem:s2+$0xFFFFFED0];
	v16 =	vor.u32 s1, v2  }
0xfc: {  	s0 =	sadd.s32 $0x8, s11;
	[tilespmem:v14+s19+$0x0] =	vst.idx.msk $0xffff, v10;
	v10 =	vld [tilespmem:s2+$0xFFFFFEF0];
	v14 =	vor.u32 s10, v2  }
0xfd: {  	s12 =	sadd.s32 $0x9, s11;
	[tilespmem:v11+s19+$0x0] =	vst.idx.msk $0xffff, v9;
	v9 =	vld [tilespmem:s2+$0xFFFFFF10];
	v11 =	vor.u32 s0, v2  }
0xfe: {  	s13 =	sadd.s32 $0xA, s11;
	[tilespmem:v12+s19+$0x0] =	vst.idx.msk $0xffff, v8;
	v8 =	vld [tilespmem:s2+$0xFFFFFF30];
	v12 =	vor.u32 s12, v2  }
0xff: {  	s14 =	sadd.s32 $0xB, s11;
	v19 =	vor.u32 s13, v2;
	v18 =	vld [tilespmem:s2+$0xFFFFFF50];
	[tilespmem:v17+s19+$0x0] =	vst.idx.msk $0xffff, v15  }
0x100: {  	s15 =	sadd.s32 $0xC, s11;
	v15 =	vor.u32 s14, v2;
	[tilespmem:v16+s19+$0x0] =	vst.idx.msk $0xffff, v13;
	v13 =	vld [tilespmem:s2+$0xFFFFFF70]  }
0x101: {  	s16 =	sadd.s32 $0xD, s11;
	[tilespmem:v14+s19+$0x0] =	vst.idx.msk $0xffff, v10;
	v10 =	vld [tilespmem:s2+$0xFFFFFF90];
	v14 =	vor.u32 s15, v2  }
0x102: {  	s17 =	sadd.s32 $0xE, s11;
	[tilespmem:v11+s19+$0x0] =	vst.idx.msk $0xffff, v9;
	v9 =	vld [tilespmem:s2+$0xFFFFFFB0];
	v11 =	vor.u32 s16, v2  }
0x103: {  	[tilespmem:v12+s19+$0x0] =	vst.idx.msk $0xffff, v8;
	v8 =	vld [tilespmem:s2+$0xFFFFFFD0];
	v12 =	vor.u32 s17, v2  }
0x104: {  	v17 =	vor.u32 s11, v2;
	v16 =	vld [tilespmem:s2+$0xFFFFFE10];
	[tilespmem:v19+s19+$0x0] =	vst.idx.msk $0xffff, v18  }
0x105: {  	v19 =	vor.u32 s5, v3;
	v18 =	vld [tilespmem:s2+$0xFFFFFE40];
	[tilespmem:v15+s19+$0x0] =	vst.idx.msk $0xffff, v13  }
0x106: {  	v15 =	vor.u32 s8, v3;
	v13 =	vld [tilespmem:s2+$0xFFFFFE60];
	[tilespmem:v14+s19+$0x0] =	vst.idx.msk $0xffff, v10  }
0x107: {  	v14 =	vor.u32 s9, v3;
	v10 =	vld [tilespmem:s2+$0xFFFFFE80];
	[tilespmem:v11+s19+$0x0] =	vst.idx.msk $0xffff, v9  }
0x108: {  	v11 =	vor.u32 s3, v3;
	v9 =	vld [tilespmem:s2+$0xFFFFFEA0];
	[tilespmem:v12+s19+$0x0] =	vst.idx.msk $0xffff, v8  }
0x109: {  	v12 =	vor.u32 s4, v3;
	[tilespmem:v17+s19+$0x0] =	vst.idx.msk $0xffff, v16;
	v8 =	vld [tilespmem:s2+$0xFFFFFEC0]  }
0x10a: {  	v17 =	vor.u32 s1, v3;
	[tilespmem:v19+s19+$0x0] =	vst.idx.msk $0xffff, v18;
	v16 =	vld [tilespmem:s2+$0xFFFFFEE0]  }
0x10b: {  	v18 =	vor.u32 s10, v3;
	[tilespmem:v15+s19+$0x0] =	vst.idx.msk $0xffff, v13;
	v13 =	vld [tilespmem:s2+$0xFFFFFF00]  }
0x10c: {  	[tilespmem:v14+s19+$0x0] =	vst.idx.msk $0xffff, v10;
	v10 =	vld [tilespmem:s2+$0xFFFFFF20];
	v14 =	vor.u32 s0, v3  }
0x10d: {  	[tilespmem:v11+s19+$0x0] =	vst.idx.msk $0xffff, v9;
	v9 =	vld [tilespmem:s2+$0xFFFFFF40];
	v11 =	vor.u32 s12, v3  }
0x10e: {  	v20 =	vor.u32 s13, v3;
	[tilespmem:v12+s19+$0x0] =	vst.idx.msk $0xffff, v8;
	v19 =	vld [tilespmem:s2+$0xFFFFFF60]  }
.Ltmp3:
0x10f: {  	[tilespmem:v17+s19+$0x0] =	vst.idx.msk $0xffff, v16;
	v15 =	vld [tilespmem:s2+$0xFFFFFF80];
	v17 =	vor.u32 s14, v3;
	(pc) =	sbr.rel @p1 .LBB2_5-.Ltmp3, $4  }
0x110: {  	v16 =	vor.u32 s15, v3;
	[tilespmem:v18+s19+$0x0] =	vst.idx.msk $0xffff, v13;
	v13 =	vld [tilespmem:s2+$0xFFFFFFA0]  }
0x111: {  	[tilespmem:v14+s19+$0x0] =	vst.idx.msk $0xffff, v10;
	v10 =	vld [tilespmem:s2+$0xFFFFFFC0];
	v14 =	vor.u32 s16, v3  }
0x112: {  	[tilespmem:v11+s19+$0x0] =	vst.idx.msk $0xffff, v9;
	v9 =	vld [tilespmem:s2+$0xFFFFFFE0];
	v11 =	vor.u32 s17, v3  }
0x113: {  	s7 =	sadd.s32 $0x10, s7;
	s10 =	sadd.s32 $0xF, s6;
	v12 =	vor.u32 s11, v3;
	v8 =	vld [tilespmem:s2+$0xFFFFFE20];
	[tilespmem:v20+s19+$0x0] =	vst.idx.msk $0xffff, v19;
	s2 =	sadd.s32 $0x200, s2  }
0x114: {  	_ =	sdelay $0x3  }
0x115: {  	v18 =	vld [tilespmem:s2+$0xFFFFFFF0];
	v19 =	vor.u32 s10, v2;
	[tilespmem:v17+s19+$0x0] =	vst.idx.msk $0xffff, v15  }
0x116: {  	s0 =	sadd.s32 $0x1, s6;
	v34 =	vld [tilespmem:s2+$0xFFFFFE10];
	v35 =	vor.u32 s6, v2;
	[tilespmem:v16+s19+$0x0] =	vst.idx.msk $0xffff, v13  }
0x117: {  	v50 =	vld [tilespmem:s2+$0xFFFFFE30];
	s1 =	sadd.s32 $0x2, s6;
	v51 =	vor.u32 s0, v2;
	[tilespmem:v14+s19+$0x0] =	vst.idx.msk $0xffff, v10  }
0x118: {  	v52 =	vld [tilespmem:s2+$0xFFFFFE50];
	s3 =	sadd.s32 $0x3, s6;
	v53 =	vor.u32 s1, v2;
	[tilespmem:v11+s19+$0x0] =	vst.idx.msk $0xffff, v9  }
0x119: {  	v54 =	vld [tilespmem:s2+$0xFFFFFE70];
	s4 =	sadd.s32 $0x4, s6;
	v55 =	vor.u32 s3, v2;
	[tilespmem:v12+s19+$0x0] =	vst.idx.msk $0xffff, v8  }
0x11a: {  	v56 =	vld [tilespmem:s2+$0xFFFFFE90];
	s7 =	sadd.s32 $0x6, s6;
	v57 =	vor.u32 s4, v2;
	[tilespmem:v19+s19+$0x0] =	vst.idx.msk $0xffff, v18  }
0x11b: {  	v61 =	vld [tilespmem:s2+$0xFFFFFED0];
	s8 =	sadd.s32 $0x7, s6;
	v62 =	vor.u32 s7, v2;
	[tilespmem:v35+s19+$0x0] =	vst.idx.msk $0xffff, v34  }
0x11c: {  	v63 =	vld [tilespmem:s2+$0xFFFFFEF0];
	s9 =	sadd.s32 $0x8, s6;
	v21 =	vor.u32 s8, v2;
	[tilespmem:v51+s19+$0x0] =	vst.idx.msk $0xffff, v50  }
0x11d: {  	v22 =	vld [tilespmem:s2+$0xFFFFFF10];
	s11 =	sadd.s32 $0xA, s6;
	v23 =	vor.u32 s9, v2;
	[tilespmem:v53+s19+$0x0] =	vst.idx.msk $0xffff, v52  }
0x11e: {  	v25 =	vld [tilespmem:s2+$0xFFFFFF50];
	s12 =	sadd.s32 $0xB, s6;
	v26 =	vor.u32 s11, v2;
	[tilespmem:v55+s19+$0x0] =	vst.idx.msk $0xffff, v54  }
0x11f: {  	s5 =	sadd.s32 $0x5, s6;
	v27 =	vld [tilespmem:s2+$0xFFFFFF70];
	v28 =	vor.u32 s12, v2;
	[tilespmem:v57+s19+$0x0] =	vst.idx.msk $0xffff, v56  }
0x120: {  	s13 =	sadd.s32 $0xC, s6;
	v58 =	vor.u32 s5, v2;
	v8 =	vld [tilespmem:s2+$0xFFFFFEB0];
	[tilespmem:v62+s19+$0x0] =	vst.idx.msk $0xffff, v61  }
0x121: {  	v29 =	vld [tilespmem:s2+$0xFFFFFF90];
	s14 =	sadd.s32 $0xD, s6;
	v30 =	vor.u32 s13, v2;
	[tilespmem:v21+s19+$0x0] =	vst.idx.msk $0xffff, v63  }
0x122: {  	v31 =	vld [tilespmem:s2+$0xFFFFFFB0];
	v32 =	vor.u32 s14, v2;
	[tilespmem:v23+s19+$0x0] =	vst.idx.msk $0xffff, v22  }
0x123: {  	v60 =	vor.u32 s10, v3;
	v59 =	vld [tilespmem:s2+$0x0];
	[tilespmem:v26+s19+$0x0] =	vst.idx.msk $0xffff, v25  }
0x124: {  	s31 =	sadd.s32 $0x9, s6;
	[tilespmem:v28+s19+$0x0] =	vst.idx.msk $0xffff, v27;
	v62 =	vld [tilespmem:s2+$0xFFFFFE20];
	v63 =	vor.u32 s6, v3  }
0x125: {  	v24 =	vor.u32 s31, v2;
	[tilespmem:v58+s19+$0x0] =	vst.idx.msk $0xffff, v8;
	v8 =	vld [tilespmem:s2+$0xFFFFFF30]  }
0x126: {  	v37 =	vor.u32 s0, v3;
	[tilespmem:v30+s19+$0x0] =	vst.idx.msk $0xffff, v29;
	v36 =	vld [tilespmem:s2+$0xFFFFFE40]  }
0x127: {  	v39 =	vor.u32 s1, v3;
	[tilespmem:v32+s19+$0x0] =	vst.idx.msk $0xffff, v31;
	v38 =	vld [tilespmem:s2+$0xFFFFFE60]  }
0x128: {  	v41 =	vor.u32 s3, v3;
	v40 =	vld [tilespmem:s2+$0xFFFFFE80];
	[tilespmem:v60+s19+$0x0] =	vst.idx.msk $0xffff, v59  }
0x129: {  	s15 =	sadd.s32 $0xE, s6;
	v43 =	vor.u32 s4, v3;
	v42 =	vld [tilespmem:s2+$0xFFFFFEA0];
	[tilespmem:v63+s19+$0x0] =	vst.idx.msk $0xffff, v62  }
0x12a: {  	v33 =	vor.u32 s15, v2;
	[tilespmem:v24+s19+$0x0] =	vst.idx.msk $0xffff, v8;
	v8 =	vld [tilespmem:s2+$0xFFFFFFD0]  }
0x12b: {  	v46 =	vor.u32 s7, v3;
	v45 =	vld [tilespmem:s2+$0xFFFFFEE0];
	[tilespmem:v37+s19+$0x0] =	vst.idx.msk $0xffff, v36  }
0x12c: {  	v48 =	vor.u32 s8, v3;
	v47 =	vld [tilespmem:s2+$0xFFFFFF00];
	[tilespmem:v39+s19+$0x0] =	vst.idx.msk $0xffff, v38  }
0x12d: {  	v50 =	vor.u32 s9, v3;
	v49 =	vld [tilespmem:s2+$0xFFFFFF20];
	[tilespmem:v41+s19+$0x0] =	vst.idx.msk $0xffff, v40  }
0x12e: {  	v55 =	vor.u32 s12, v3;
	v54 =	vld [tilespmem:s2+$0xFFFFFF80];
	[tilespmem:v43+s19+$0x0] =	vst.idx.msk $0xffff, v42  }
0x12f: {  	v44 =	vor.u32 s5, v3;
	[tilespmem:v33+s19+$0x0] =	vst.idx.msk $0xffff, v8;
	v8 =	vld [tilespmem:s2+$0xFFFFFEC0]  }
0x130: {  	v57 =	vor.u32 s13, v3;
	v56 =	vld [tilespmem:s2+$0xFFFFFFA0];
	[tilespmem:v46+s19+$0x0] =	vst.idx.msk $0xffff, v45  }
0x131: {  	v58 =	vld [tilespmem:s2+$0xFFFFFFC0];
	v59 =	vor.u32 s14, v3;
	[tilespmem:v48+s19+$0x0] =	vst.idx.msk $0xffff, v47  }
0x132: {  	v52 =	vor.u32 s31, v3;
	[tilespmem:v50+s19+$0x0] =	vst.idx.msk $0xffff, v49;
	v51 =	vld [tilespmem:s2+$0xFFFFFF40]  }
0x133: {  	v61 =	vor.u32 s15, v3;
	[tilespmem:v55+s19+$0x0] =	vst.idx.msk $0xffff, v54;
	v60 =	vld [tilespmem:s2+$0xFFFFFFE0]  }
0x134: {  	p2 =	por $0x1, $0x1;
	v53 =	vor.u32 s11, v3;
	[tilespmem:v44+s19+$0x0] =	vst.idx.msk $0xffff, v8;
	v8 =	vld [tilespmem:s2+$0xFFFFFF60]  }
.Ltmp4:
0x135: {  	[tilespmem:v57+s19+$0x0] =	vst.idx.msk $0xffff, v56;
	(pc) =	sbr.rel @!p2 .LBB2_7-.Ltmp4, $4  }
0x136: {  	[tilespmem:v59+s19+$0x0] =	vst.idx.msk $0xffff, v58  }
0x137: {  	[tilespmem:v52+s19+$0x0] =	vst.idx.msk $0xffff, v51  }
0x138: {  	p1 =	por $0x0, $0x0;
	s7 =	simm.s32 $0xF;
	[tilespmem:v61+s19+$0x0] =	vst.idx.msk $0xffff, v60  }
0x139: {  	s6 =	simm.s32 $0x0;
	s15 =	simm.s32 $0x10;
	s2 =	simm.s32 $0x25F0;
	[tilespmem:v53+s19+$0x0] =	vst.idx.msk $0xffff, v8  }
0x13a: {  	v8 =	vld [tilespmem:s2+$0xFFFFFFF0];
	v9 =	vor.u32 s7, v4;
	s0 =	simm.s32 $0x1  }
0x13b: {  	v10 =	vld [tilespmem:s2+$0xFFFFFE30];
	s1 =	simm.s32 $0x2;
	v11 =	vor.u32 s0, v4  }
0x13c: {  	v12 =	vld [tilespmem:s2+$0xFFFFFE50];
	s3 =	simm.s32 $0x3;
	v13 =	vor.u32 s1, v4  }
0x13d: {  	v14 =	vld [tilespmem:s2+$0xFFFFFE70];
	s4 =	simm.s32 $0x4;
	v15 =	vor.u32 s3, v4  }
0x13e: {  	v16 =	vld [tilespmem:s2+$0xFFFFFE90];
	s5 =	simm.s32 $0x5;
	v17 =	vor.u32 s4, v4  }
0x13f: {  	v18 =	vld [tilespmem:s2+$0xFFFFFEB0];
	[tilespmem:v9+s19+$0x0] =	vst.idx.msk $0xffff, v8;
	v8 =	vor.u32 s5, v4  }
0x140: {  	s8 =	simm.s32 $0x6;
	v9 =	vld [tilespmem:s2+$0x0];
	[tilespmem:v11+s19+$0x0] =	vst.idx.msk $0xffff, v10;
	v10 =	vor.u32 s7, v5  }
0x141: {  	s9 =	simm.s32 $0x7;
	v11 =	vld [tilespmem:s2+$0xFFFFFED0];
	[tilespmem:v13+s19+$0x0] =	vst.idx.msk $0xffff, v12;
	v12 =	vor.u32 s8, v4  }
0x142: {  	s10 =	simm.s32 $0x8;
	v13 =	vld [tilespmem:s2+$0xFFFFFEF0];
	[tilespmem:v15+s19+$0x0] =	vst.idx.msk $0xffff, v14;
	v14 =	vor.u32 s9, v4  }
0x143: {  	s11 =	simm.s32 $0x9;
	v15 =	vld [tilespmem:s2+$0xFFFFFF10];
	[tilespmem:v17+s19+$0x0] =	vst.idx.msk $0xffff, v16;
	v16 =	vor.u32 s10, v4  }
0x144: {  	s12 =	simm.s32 $0xA;
	v17 =	vld [tilespmem:s2+$0xFFFFFF30];
	[tilespmem:v8+s19+$0x0] =	vst.idx.msk $0xffff, v18;
	v8 =	vor.u32 s11, v4  }
0x145: {  	s13 =	simm.s32 $0xB;
	v19 =	vor.u32 s12, v4;
	v18 =	vld [tilespmem:s2+$0xFFFFFF50];
	[tilespmem:v10+s19+$0x0] =	vst.idx.msk $0xffff, v9  }
0x146: {  	s14 =	simm.s32 $0xC;
	v9 =	vld [tilespmem:s2+$0xFFFFFF70];
	[tilespmem:v12+s19+$0x0] =	vst.idx.msk $0xffff, v11;
	v10 =	vor.u32 s13, v4  }
0x147: {  	s16 =	simm.s32 $0xD;
	v11 =	vld [tilespmem:s2+$0xFFFFFF90];
	[tilespmem:v14+s19+$0x0] =	vst.idx.msk $0xffff, v13;
	v12 =	vor.u32 s14, v4  }
0x148: {  	s17 =	simm.s32 $0xE;
	v13 =	vld [tilespmem:s2+$0xFFFFFFB0];
	[tilespmem:v16+s19+$0x0] =	vst.idx.msk $0xffff, v15;
	v14 =	vor.u32 s16, v4  }
0x149: {  	v15 =	vld [tilespmem:s2+$0xFFFFFFD0];
	[tilespmem:v8+s19+$0x0] =	vst.idx.msk $0xffff, v17;
	v8 =	vor.u32 s17, v4  }
0x14a: {  	v16 =	vld [tilespmem:s2+$0xFFFFFE10];
	v17 =	vor.u32 s6, v4;
	[tilespmem:v19+s19+$0x0] =	vst.idx.msk $0xffff, v18  }
0x14b: {  	v18 =	vld [tilespmem:s2+$0xFFFFFE40];
	v19 =	vor.u32 s0, v5;
	[tilespmem:v10+s19+$0x0] =	vst.idx.msk $0xffff, v9  }
0x14c: {  	v9 =	vld [tilespmem:s2+$0xFFFFFE60];
	v10 =	vor.u32 s1, v5;
	[tilespmem:v12+s19+$0x0] =	vst.idx.msk $0xffff, v11  }
0x14d: {  	v11 =	vld [tilespmem:s2+$0xFFFFFE80];
	v12 =	vor.u32 s3, v5;
	[tilespmem:v14+s19+$0x0] =	vst.idx.msk $0xffff, v13  }
0x14e: {  	v13 =	vld [tilespmem:s2+$0xFFFFFEA0];
	v14 =	vor.u32 s4, v5;
	[tilespmem:v8+s19+$0x0] =	vst.idx.msk $0xffff, v15  }
0x14f: {  	v22 =	vor.u32 s12, v5;
	v21 =	vld [tilespmem:s2+$0xFFFFFF60];
	[tilespmem:v17+s19+$0x0] =	vst.idx.msk $0xffff, v16  }
0x150: {  	v16 =	vld [tilespmem:s2+$0xFFFFFEE0];
	[tilespmem:v19+s19+$0x0] =	vst.idx.msk $0xffff, v18;
	v17 =	vor.u32 s8, v5  }
0x151: {  	v8 =	vld [tilespmem:s2+$0xFFFFFEC0];
	v15 =	vor.u32 s5, v5;
	[tilespmem:v10+s19+$0x0] =	vst.idx.msk $0xffff, v9  }
0x152: {  	v18 =	vld [tilespmem:s2+$0xFFFFFF00];
	v9 =	vor.u32 s9, v5;
	[tilespmem:v12+s19+$0x0] =	vst.idx.msk $0xffff, v11  }
0x153: {  	v19 =	vld [tilespmem:s2+$0xFFFFFF20];
	v12 =	vor.u32 s10, v5;
	[tilespmem:v14+s19+$0x0] =	vst.idx.msk $0xffff, v13  }
0x154: {  	p4 =	por $0x1, $0x1;
	v20 =	vld [tilespmem:s2+$0xFFFFFF40];
	v13 =	vor.u32 s11, v5;
	[tilespmem:v22+s19+$0x0] =	vst.idx.msk $0xffff, v21  }
.Ltmp5:
0x155: {  	v11 =	vld [tilespmem:s2+$0xFFFFFF80];
	[tilespmem:v17+s19+$0x0] =	vst.idx.msk $0xffff, v16;
	v17 =	vor.u32 s13, v5;
	(pc) =	sbr.rel @!p4 .LBB2_9-.Ltmp5, $4  }
0x156: {  	v10 =	vld [tilespmem:s2+$0xFFFFFFA0];
	[tilespmem:v15+s19+$0x0] =	vst.idx.msk $0xffff, v8;
	v15 =	vor.u32 s14, v5  }
0x157: {  	v16 =	vor.u32 s16, v5;
	[tilespmem:v9+s19+$0x0] =	vst.idx.msk $0xffff, v18;
	v9 =	vld [tilespmem:s2+$0xFFFFFFC0]  }
0x158: {  	p3 =	por $0x1, $0x1;
	v14 =	vor.u32 s17, v5;
	s11 =	simm.s32 $0x10;
	v8 =	vld [tilespmem:s2+$0xFFFFFFE0];
	[tilespmem:v12+s19+$0x0] =	vst.idx.msk $0xffff, v19  }
0x159: {  	s14 =	simm.s32 $0x1F;
	s13 =	simm.s32 $0x20;
	[tilespmem:v13+s19+$0x0] =	vst.idx.msk $0xffff, v20;
	v12 =	vld [tilespmem:s2+$0xFFFFFE20];
	v13 =	vor.u32 s6, v5;
	s2 =	simm.s32 $0x27F0  }
.LBB2_10:
0x15a: {  	p4 =	slt.u32 s13, $0x70;
	s5 =	sadd.s32 $0x1, s11;
	v18 =	vld [tilespmem:s2+$0xFFFFFFF0];
	v19 =	vor.u32 s14, v4;
	[tilespmem:v17+s19+$0x0] =	vst.idx.msk $0xffff, v11;
	s12 =	smov.u32 s11  }
0x15b: {  	s11 =	smov.u32 s13;
	v11 =	vld [tilespmem:s2+$0xFFFFFE30];
	v17 =	vor.u32 s5, v4;
	s8 =	sadd.s32 $0x2, s12;
	[tilespmem:v15+s19+$0x0] =	vst.idx.msk $0xffff, v10  }
0x15c: {  	s9 =	sadd.s32 $0x3, s12;
	v10 =	vld [tilespmem:s2+$0xFFFFFE50];
	v15 =	vor.u32 s8, v4;
	[tilespmem:v16+s19+$0x0] =	vst.idx.msk $0xffff, v9  }
0x15d: {  	s3 =	sadd.s32 $0x4, s12;
	v16 =	vor.u32 s9, v4;
	v9 =	vld [tilespmem:s2+$0xFFFFFE70];
	[tilespmem:v14+s19+$0x0] =	vst.idx.msk $0xffff, v8  }
0x15e: {  	s4 =	sadd.s32 $0x5, s12;
	v14 =	vor.u32 s3, v4;
	v8 =	vld [tilespmem:s2+$0xFFFFFE90];
	[tilespmem:v13+s19+$0x0] =	vst.idx.msk $0xffff, v12  }
0x15f: {  	v13 =	vor.u32 s4, v4;
	v12 =	vld [tilespmem:s2+$0xFFFFFEB0];
	[tilespmem:v19+s19+$0x0] =	vst.idx.msk $0xffff, v18  }
0x160: {  	s1 =	sadd.s32 $0x6, s12;
	[tilespmem:v17+s19+$0x0] =	vst.idx.msk $0xffff, v11;
	v11 =	vld [tilespmem:s2+$0x0];
	v17 =	vor.u32 s14, v5  }
0x161: {  	s10 =	sadd.s32 $0x7, s12;
	[tilespmem:v15+s19+$0x0] =	vst.idx.msk $0xffff, v10;
	v10 =	vld [tilespmem:s2+$0xFFFFFED0];
	v15 =	vor.u32 s1, v4  }
0x162: {  	s0 =	sadd.s32 $0x8, s12;
	[tilespmem:v16+s19+$0x0] =	vst.idx.msk $0xffff, v9;
	v9 =	vld [tilespmem:s2+$0xFFFFFEF0];
	v16 =	vor.u32 s10, v4  }
0x163: {  	s14 =	sadd.s32 $0x9, s12;
	[tilespmem:v14+s19+$0x0] =	vst.idx.msk $0xffff, v8;
	v8 =	vld [tilespmem:s2+$0xFFFFFF10];
	v14 =	vor.u32 s0, v4  }
0x164: {  	s16 =	sadd.s32 $0xA, s12;
	[tilespmem:v13+s19+$0x0] =	vst.idx.msk $0xffff, v12;
	v12 =	vld [tilespmem:s2+$0xFFFFFF30];
	v13 =	vor.u32 s14, v4  }
0x165: {  	s17 =	sadd.s32 $0xB, s12;
	v19 =	vor.u32 s16, v4;
	v18 =	vld [tilespmem:s2+$0xFFFFFF50];
	[tilespmem:v17+s19+$0x0] =	vst.idx.msk $0xffff, v11  }
0x166: {  	s18 =	sadd.s32 $0xC, s12;
	v11 =	vor.u32 s17, v4;
	[tilespmem:v15+s19+$0x0] =	vst.idx.msk $0xffff, v10;
	v10 =	vld [tilespmem:s2+$0xFFFFFF70]  }
0x167: {  	s20 =	sadd.s32 $0xD, s12;
	v15 =	vor.u32 s18, v4;
	[tilespmem:v16+s19+$0x0] =	vst.idx.msk $0xffff, v9;
	v9 =	vld [tilespmem:s2+$0xFFFFFF90]  }
0x168: {  	s21 =	sadd.s32 $0xE, s12;
	[tilespmem:v14+s19+$0x0] =	vst.idx.msk $0xffff, v8;
	v8 =	vld [tilespmem:s2+$0xFFFFFFB0];
	v14 =	vor.u32 s20, v4  }
0x169: {  	[tilespmem:v13+s19+$0x0] =	vst.idx.msk $0xffff, v12;
	v12 =	vld [tilespmem:s2+$0xFFFFFFD0];
	v13 =	vor.u32 s21, v4  }
0x16a: {  	v17 =	vor.u32 s12, v4;
	v16 =	vld [tilespmem:s2+$0xFFFFFE10];
	[tilespmem:v19+s19+$0x0] =	vst.idx.msk $0xffff, v18  }
0x16b: {  	v19 =	vor.u32 s5, v5;
	v18 =	vld [tilespmem:s2+$0xFFFFFE40];
	[tilespmem:v11+s19+$0x0] =	vst.idx.msk $0xffff, v10  }
0x16c: {  	v11 =	vor.u32 s8, v5;
	v10 =	vld [tilespmem:s2+$0xFFFFFE60];
	[tilespmem:v15+s19+$0x0] =	vst.idx.msk $0xffff, v9  }
0x16d: {  	v15 =	vor.u32 s9, v5;
	v9 =	vld [tilespmem:s2+$0xFFFFFE80];
	[tilespmem:v14+s19+$0x0] =	vst.idx.msk $0xffff, v8  }
0x16e: {  	v14 =	vor.u32 s3, v5;
	v8 =	vld [tilespmem:s2+$0xFFFFFEA0];
	[tilespmem:v13+s19+$0x0] =	vst.idx.msk $0xffff, v12  }
0x16f: {  	v13 =	vor.u32 s4, v5;
	[tilespmem:v17+s19+$0x0] =	vst.idx.msk $0xffff, v16;
	v12 =	vld [tilespmem:s2+$0xFFFFFEC0]  }
0x170: {  	v17 =	vor.u32 s1, v5;
	[tilespmem:v19+s19+$0x0] =	vst.idx.msk $0xffff, v18;
	v16 =	vld [tilespmem:s2+$0xFFFFFEE0]  }
0x171: {  	v18 =	vor.u32 s10, v5;
	[tilespmem:v11+s19+$0x0] =	vst.idx.msk $0xffff, v10;
	v10 =	vld [tilespmem:s2+$0xFFFFFF00]  }
0x172: {  	v19 =	vor.u32 s0, v5;
	[tilespmem:v15+s19+$0x0] =	vst.idx.msk $0xffff, v9;
	v9 =	vld [tilespmem:s2+$0xFFFFFF20]  }
0x173: {  	[tilespmem:v14+s19+$0x0] =	vst.idx.msk $0xffff, v8;
	v8 =	vld [tilespmem:s2+$0xFFFFFF40];
	v14 =	vor.u32 s14, v5  }
0x174: {  	v21 =	vor.u32 s16, v5;
	[tilespmem:v13+s19+$0x0] =	vst.idx.msk $0xffff, v12;
	v20 =	vld [tilespmem:s2+$0xFFFFFF60]  }
.Ltmp6:
0x175: {  	[tilespmem:v17+s19+$0x0] =	vst.idx.msk $0xffff, v16;
	v11 =	vld [tilespmem:s2+$0xFFFFFF80];
	v17 =	vor.u32 s17, v5;
	(pc) =	sbr.rel @p4 .LBB2_10-.Ltmp6, $4  }
0x176: {  	v15 =	vor.u32 s18, v5;
	[tilespmem:v18+s19+$0x0] =	vst.idx.msk $0xffff, v10;
	v10 =	vld [tilespmem:s2+$0xFFFFFFA0]  }
0x177: {  	v16 =	vor.u32 s20, v5;
	[tilespmem:v19+s19+$0x0] =	vst.idx.msk $0xffff, v9;
	v9 =	vld [tilespmem:s2+$0xFFFFFFC0]  }
0x178: {  	[tilespmem:v14+s19+$0x0] =	vst.idx.msk $0xffff, v8;
	v8 =	vld [tilespmem:s2+$0xFFFFFFE0];
	v14 =	vor.u32 s21, v5  }
0x179: {  	s13 =	sadd.s32 $0x10, s13;
	s14 =	sadd.s32 $0xF, s11;
	v13 =	vor.u32 s12, v5;
	v12 =	vld [tilespmem:s2+$0xFFFFFE20];
	[tilespmem:v21+s19+$0x0] =	vst.idx.msk $0xffff, v20;
	s2 =	sadd.s32 $0x200, s2  }
0x17a: {  	s20 =	rddreg [dreg:$0xf]  }
.LBB2_12:
0x17b: {  	_ =	sdelay $0x3  }
0x17c: {  	v18 =	vld [tilespmem:s2+$0xFFFFFFF0];
	v19 =	vor.u32 s14, v4;
	[tilespmem:v17+s19+$0x0] =	vst.idx.msk @p3 $0xffff, v11  }
0x17d: {  	s0 =	sadd.s32 $0x1, s11;
	[tilespmem:v15+s19+$0x0] =	vst.idx.msk @p3 $0xffff, v10;
	v35 =	vld [tilespmem:s2+$0xFFFFFE10];
	v36 =	vor.u32 s11, v4  }
0x17e: {  	v51 =	vld [tilespmem:s2+$0xFFFFFE30];
	s1 =	sadd.s32 $0x2, s11;
	v52 =	vor.u32 s0, v4;
	[tilespmem:v16+s19+$0x0] =	vst.idx.msk @p3 $0xffff, v9  }
0x17f: {  	v53 =	vld [tilespmem:s2+$0xFFFFFE50];
	s3 =	sadd.s32 $0x3, s11;
	v54 =	vor.u32 s1, v4;
	[tilespmem:v14+s19+$0x0] =	vst.idx.msk @p3 $0xffff, v8  }
0x180: {  	v55 =	vld [tilespmem:s2+$0xFFFFFE70];
	s5 =	sadd.s32 $0x5, s11;
	v56 =	vor.u32 s3, v4;
	[tilespmem:v13+s19+$0x0] =	vst.idx.msk @p3 $0xffff, v12  }
0x181: {  	s4 =	sadd.s32 $0x4, s11;
	v58 =	vld [tilespmem:s2+$0xFFFFFEB0];
	v59 =	vor.u32 s5, v4;
	[tilespmem:v19+s19+$0x0] =	vst.idx.msk $0xffff, v18  }
0x182: {  	s8 =	sadd.s32 $0x6, s11;
	v57 =	vor.u32 s4, v4;
	v8 =	vld [tilespmem:s2+$0xFFFFFE90];
	[tilespmem:v36+s19+$0x0] =	vst.idx.msk $0xffff, v35  }
0x183: {  	v62 =	vld [tilespmem:s2+$0xFFFFFED0];
	s9 =	sadd.s32 $0x7, s11;
	v63 =	vor.u32 s8, v4;
	[tilespmem:v52+s19+$0x0] =	vst.idx.msk $0xffff, v51  }
0x184: {  	v21 =	vld [tilespmem:s2+$0xFFFFFEF0];
	s12 =	sadd.s32 $0x9, s11;
	v22 =	vor.u32 s9, v4;
	[tilespmem:v54+s19+$0x0] =	vst.idx.msk $0xffff, v53  }
0x185: {  	v24 =	vld [tilespmem:s2+$0xFFFFFF30];
	s13 =	sadd.s32 $0xA, s11;
	v25 =	vor.u32 s12, v4;
	[tilespmem:v56+s19+$0x0] =	vst.idx.msk $0xffff, v55  }
0x186: {  	s10 =	sadd.s32 $0x8, s11;
	v26 =	vld [tilespmem:s2+$0xFFFFFF50];
	v27 =	vor.u32 s13, v4;
	[tilespmem:v59+s19+$0x0] =	vst.idx.msk $0xffff, v58  }
0x187: {  	s31 =	sadd.s32 $0xB, s11;
	v23 =	vor.u32 s10, v4;
	[tilespmem:v57+s19+$0x0] =	vst.idx.msk $0xffff, v8;
	v8 =	vld [tilespmem:s2+$0xFFFFFF10]  }
0x188: {  	v28 =	vld [tilespmem:s2+$0xFFFFFF70];
	s16 =	sadd.s32 $0xC, s11;
	v29 =	vor.u32 s31, v4;
	[tilespmem:v63+s19+$0x0] =	vst.idx.msk $0xffff, v62  }
0x189: {  	v30 =	vld [tilespmem:s2+$0xFFFFFF90];
	s18 =	sadd.s32 $0xE, s11;
	v31 =	vor.u32 s16, v4;
	[tilespmem:v22+s19+$0x0] =	vst.idx.msk $0xffff, v21  }
0x18a: {  	v33 =	vld [tilespmem:s2+$0xFFFFFFD0];
	v34 =	vor.u32 s18, v4;
	[tilespmem:v25+s19+$0x0] =	vst.idx.msk $0xffff, v24  }
0x18b: {  	v61 =	vor.u32 s14, v5;
	s17 =	sadd.s32 $0xD, s11;
	v60 =	vld [tilespmem:s2+$0x0];
	[tilespmem:v27+s19+$0x0] =	vst.idx.msk $0xffff, v26  }
0x18c: {  	v32 =	vor.u32 s17, v4;
	[tilespmem:v23+s19+$0x0] =	vst.idx.msk $0xffff, v8;
	v8 =	vld [tilespmem:s2+$0xFFFFFFB0]  }
0x18d: {  	[tilespmem:v29+s19+$0x0] =	vst.idx.msk $0xffff, v28;
	v62 =	vld [tilespmem:s2+$0xFFFFFE20];
	v63 =	vor.u32 s11, v5  }
0x18e: {  	v38 =	vor.u32 s0, v5;
	[tilespmem:v31+s19+$0x0] =	vst.idx.msk $0xffff, v30;
	v37 =	vld [tilespmem:s2+$0xFFFFFE40]  }
0x18f: {  	v40 =	vor.u32 s1, v5;
	[tilespmem:v34+s19+$0x0] =	vst.idx.msk $0xffff, v33;
	v39 =	vld [tilespmem:s2+$0xFFFFFE60]  }
0x190: {  	v42 =	vor.u32 s3, v5;
	v41 =	vld [tilespmem:s2+$0xFFFFFE80];
	[tilespmem:v61+s19+$0x0] =	vst.idx.msk $0xffff, v60  }
0x191: {  	v43 =	vor.u32 s4, v5;
	[tilespmem:v32+s19+$0x0] =	vst.idx.msk $0xffff, v8;
	v8 =	vld [tilespmem:s2+$0xFFFFFEA0]  }
0x192: {  	v45 =	vor.u32 s5, v5;
	v44 =	vld [tilespmem:s2+$0xFFFFFEC0];
	[tilespmem:v63+s19+$0x0] =	vst.idx.msk $0xffff, v62  }
0x193: {  	v47 =	vor.u32 s8, v5;
	v46 =	vld [tilespmem:s2+$0xFFFFFEE0];
	[tilespmem:v38+s19+$0x0] =	vst.idx.msk $0xffff, v37  }
0x194: {  	v49 =	vor.u32 s9, v5;
	v48 =	vld [tilespmem:s2+$0xFFFFFF00];
	[tilespmem:v40+s19+$0x0] =	vst.idx.msk $0xffff, v39  }
0x195: {  	v54 =	vor.u32 s13, v5;
	v53 =	vld [tilespmem:s2+$0xFFFFFF60];
	[tilespmem:v42+s19+$0x0] =	vst.idx.msk $0xffff, v41  }
0x196: {  	v52 =	vor.u32 s12, v5;
	[tilespmem:v43+s19+$0x0] =	vst.idx.msk $0xffff, v8;
	v8 =	vld [tilespmem:s2+$0xFFFFFF40]  }
0x197: {  	v56 =	vor.u32 s31, v5;
	v55 =	vld [tilespmem:s2+$0xFFFFFF80];
	[tilespmem:v45+s19+$0x0] =	vst.idx.msk $0xffff, v44  }
0x198: {  	v58 =	vor.u32 s16, v5;
	v57 =	vld [tilespmem:s2+$0xFFFFFFA0];
	[tilespmem:v47+s19+$0x0] =	vst.idx.msk $0xffff, v46  }
0x199: {  	v51 =	vor.u32 s10, v5;
	[tilespmem:v49+s19+$0x0] =	vst.idx.msk $0xffff, v48;
	v50 =	vld [tilespmem:s2+$0xFFFFFF20]  }
0x19a: {  	v60 =	vor.u32 s17, v5;
	[tilespmem:v54+s19+$0x0] =	vst.idx.msk $0xffff, v53;
	v59 =	vld [tilespmem:s2+$0xFFFFFFC0]  }
0x19b: {  	v61 =	vor.u32 s18, v5;
	[tilespmem:v52+s19+$0x0] =	vst.idx.msk $0xffff, v8;
	v8 =	vld [tilespmem:s2+$0xFFFFFFE0]  }
.Ltmp7:
0x19c: {  	[tilespmem:v56+s19+$0x0] =	vst.idx.msk $0xffff, v55;
	(pc) =	sbr.rel @!p2 .LBB2_13-.Ltmp7, $4  }
0x19d: {  	[tilespmem:v58+s19+$0x0] =	vst.idx.msk $0xffff, v57  }
0x19e: {  	[tilespmem:v51+s19+$0x0] =	vst.idx.msk $0xffff, v50  }
0x19f: {  	[tilespmem:v60+s19+$0x0] =	vst.idx.msk $0xffff, v59  }
0x1a0: {  	s2 =	simm.s32 $0x35F0;
	[tilespmem:v61+s19+$0x0] =	vst.idx.msk $0xffff, v8  }
0x1a1: {  	v8 =	vld [tilespmem:s2+$0xFFFFFFF0];
	v9 =	vor.u32 s7, v6;
	s0 =	simm.s32 $0x1  }
0x1a2: {  	v10 =	vld [tilespmem:s2+$0xFFFFFE30];
	s1 =	simm.s32 $0x2;
	v11 =	vor.u32 s0, v6  }
0x1a3: {  	v12 =	vld [tilespmem:s2+$0xFFFFFE50];
	s3 =	simm.s32 $0x3;
	v13 =	vor.u32 s1, v6  }
0x1a4: {  	v14 =	vld [tilespmem:s2+$0xFFFFFE70];
	s4 =	simm.s32 $0x4;
	v15 =	vor.u32 s3, v6  }
0x1a5: {  	v16 =	vld [tilespmem:s2+$0xFFFFFE90];
	s5 =	simm.s32 $0x5;
	v17 =	vor.u32 s4, v6  }
0x1a6: {  	v18 =	vld [tilespmem:s2+$0xFFFFFEB0];
	[tilespmem:v9+s19+$0x0] =	vst.idx.msk $0xffff, v8;
	v8 =	vor.u32 s5, v6  }
0x1a7: {  	s8 =	simm.s32 $0x6;
	v9 =	vld [tilespmem:s2+$0x0];
	[tilespmem:v11+s19+$0x0] =	vst.idx.msk $0xffff, v10;
	v10 =	vor.u32 s7, v7  }
0x1a8: {  	s31 =	simm.s32 $0x7;
	v11 =	vld [tilespmem:s2+$0xFFFFFED0];
	[tilespmem:v13+s19+$0x0] =	vst.idx.msk $0xffff, v12;
	v12 =	vor.u32 s8, v6  }
0x1a9: {  	s9 =	simm.s32 $0x8;
	v13 =	vld [tilespmem:s2+$0xFFFFFEF0];
	[tilespmem:v15+s19+$0x0] =	vst.idx.msk $0xffff, v14;
	v14 =	vor.u32 s31, v6  }
0x1aa: {  	s10 =	simm.s32 $0x9;
	v15 =	vld [tilespmem:s2+$0xFFFFFF10];
	[tilespmem:v17+s19+$0x0] =	vst.idx.msk $0xffff, v16;
	v16 =	vor.u32 s9, v6  }
0x1ab: {  	s11 =	simm.s32 $0xA;
	v17 =	vld [tilespmem:s2+$0xFFFFFF30];
	[tilespmem:v8+s19+$0x0] =	vst.idx.msk $0xffff, v18;
	v8 =	vor.u32 s10, v6  }
0x1ac: {  	s12 =	simm.s32 $0xB;
	v19 =	vor.u32 s11, v6;
	v18 =	vld [tilespmem:s2+$0xFFFFFF50];
	[tilespmem:v10+s19+$0x0] =	vst.idx.msk $0xffff, v9  }
0x1ad: {  	s13 =	simm.s32 $0xC;
	v9 =	vld [tilespmem:s2+$0xFFFFFF70];
	[tilespmem:v12+s19+$0x0] =	vst.idx.msk $0xffff, v11;
	v10 =	vor.u32 s12, v6  }
0x1ae: {  	s14 =	simm.s32 $0xD;
	v11 =	vld [tilespmem:s2+$0xFFFFFF90];
	[tilespmem:v14+s19+$0x0] =	vst.idx.msk $0xffff, v13;
	v12 =	vor.u32 s13, v6  }
0x1af: {  	s16 =	simm.s32 $0xE;
	v13 =	vld [tilespmem:s2+$0xFFFFFFB0];
	[tilespmem:v16+s19+$0x0] =	vst.idx.msk $0xffff, v15;
	v14 =	vor.u32 s14, v6  }
0x1b0: {  	v15 =	vld [tilespmem:s2+$0xFFFFFFD0];
	[tilespmem:v8+s19+$0x0] =	vst.idx.msk $0xffff, v17;
	v8 =	vor.u32 s16, v6  }
0x1b1: {  	v16 =	vld [tilespmem:s2+$0xFFFFFE10];
	v17 =	vor.u32 s6, v6;
	[tilespmem:v19+s19+$0x0] =	vst.idx.msk $0xffff, v18  }
0x1b2: {  	v18 =	vld [tilespmem:s2+$0xFFFFFE40];
	v19 =	vor.u32 s0, v7;
	[tilespmem:v10+s19+$0x0] =	vst.idx.msk $0xffff, v9  }
0x1b3: {  	v9 =	vld [tilespmem:s2+$0xFFFFFE60];
	v10 =	vor.u32 s1, v7;
	[tilespmem:v12+s19+$0x0] =	vst.idx.msk $0xffff, v11  }
0x1b4: {  	v11 =	vld [tilespmem:s2+$0xFFFFFE80];
	v12 =	vor.u32 s3, v7;
	[tilespmem:v14+s19+$0x0] =	vst.idx.msk $0xffff, v13  }
0x1b5: {  	v13 =	vld [tilespmem:s2+$0xFFFFFEA0];
	v14 =	vor.u32 s4, v7;
	[tilespmem:v8+s19+$0x0] =	vst.idx.msk $0xffff, v15  }
0x1b6: {  	v22 =	vor.u32 s11, v7;
	v21 =	vld [tilespmem:s2+$0xFFFFFF60];
	[tilespmem:v17+s19+$0x0] =	vst.idx.msk $0xffff, v16  }
0x1b7: {  	v16 =	vld [tilespmem:s2+$0xFFFFFEE0];
	[tilespmem:v19+s19+$0x0] =	vst.idx.msk $0xffff, v18;
	v17 =	vor.u32 s8, v7  }
0x1b8: {  	v8 =	vld [tilespmem:s2+$0xFFFFFEC0];
	v15 =	vor.u32 s5, v7;
	[tilespmem:v10+s19+$0x0] =	vst.idx.msk $0xffff, v9  }
0x1b9: {  	v18 =	vld [tilespmem:s2+$0xFFFFFF00];
	v9 =	vor.u32 s31, v7;
	[tilespmem:v12+s19+$0x0] =	vst.idx.msk $0xffff, v11  }
0x1ba: {  	v20 =	vld [tilespmem:s2+$0xFFFFFF40];
	[tilespmem:v14+s19+$0x0] =	vst.idx.msk $0xffff, v13;
	v13 =	vor.u32 s10, v7  }
0x1bb: {  	p2 =	por $0x1, $0x1;
	v19 =	vld [tilespmem:s2+$0xFFFFFF20];
	v11 =	vor.u32 s9, v7;
	[tilespmem:v22+s19+$0x0] =	vst.idx.msk $0xffff, v21  }
.Ltmp8:
0x1bc: {  	v12 =	vld [tilespmem:s2+$0xFFFFFF80];
	[tilespmem:v17+s19+$0x0] =	vst.idx.msk $0xffff, v16;
	v17 =	vor.u32 s12, v7;
	(pc) =	sbr.rel @!p2 .LBB2_15-.Ltmp8, $4  }
0x1bd: {  	v10 =	vld [tilespmem:s2+$0xFFFFFFA0];
	[tilespmem:v15+s19+$0x0] =	vst.idx.msk $0xffff, v8;
	v15 =	vor.u32 s13, v7  }
0x1be: {  	v16 =	vor.u32 s14, v7;
	[tilespmem:v9+s19+$0x0] =	vst.idx.msk $0xffff, v18;
	v9 =	vld [tilespmem:s2+$0xFFFFFFC0]  }
0x1bf: {  	p1 =	por $0x1, $0x1;
	s18 =	simm.s32 $0x0;
	v8 =	vld [tilespmem:s2+$0xFFFFFFE0];
	[tilespmem:v13+s19+$0x0] =	vst.idx.msk $0xffff, v20;
	v13 =	vor.u32 s16, v7  }
0x1c0: {  	s11 =	simm.s32 $0x20;
	s7 =	simm.s32 $0x1F;
	v14 =	vor.u32 s6, v7;
	[tilespmem:v11+s19+$0x0] =	vst.idx.msk $0xffff, v19;
	v11 =	vld [tilespmem:s2+$0xFFFFFE20];
	s2 =	simm.s32 $0x37F0  }
.LBB2_16:
0x1c1: {  	p2 =	slt.u32 s11, $0x70;
	s5 =	sadd.s32 $0x1, s15;
	v18 =	vld [tilespmem:s2+$0xFFFFFFF0];
	v19 =	vor.u32 s7, v6;
	[tilespmem:v17+s19+$0x0] =	vst.idx.msk $0xffff, v12;
	s6 =	smov.u32 s15  }
0x1c2: {  	s15 =	smov.u32 s11;
	v12 =	vld [tilespmem:s2+$0xFFFFFE30];
	v17 =	vor.u32 s5, v6;
	s8 =	sadd.s32 $0x2, s6;
	[tilespmem:v15+s19+$0x0] =	vst.idx.msk $0xffff, v10  }
0x1c3: {  	s9 =	sadd.s32 $0x3, s6;
	v10 =	vld [tilespmem:s2+$0xFFFFFE50];
	v15 =	vor.u32 s8, v6;
	[tilespmem:v16+s19+$0x0] =	vst.idx.msk $0xffff, v9  }
0x1c4: {  	s3 =	sadd.s32 $0x4, s6;
	v16 =	vor.u32 s9, v6;
	v9 =	vld [tilespmem:s2+$0xFFFFFE70];
	[tilespmem:v13+s19+$0x0] =	vst.idx.msk $0xffff, v8  }
0x1c5: {  	s4 =	sadd.s32 $0x5, s6;
	v13 =	vor.u32 s3, v6;
	v8 =	vld [tilespmem:s2+$0xFFFFFE90];
	[tilespmem:v14+s19+$0x0] =	vst.idx.msk $0xffff, v11  }
0x1c6: {  	v14 =	vor.u32 s4, v6;
	v11 =	vld [tilespmem:s2+$0xFFFFFEB0];
	[tilespmem:v19+s19+$0x0] =	vst.idx.msk $0xffff, v18  }
0x1c7: {  	s1 =	sadd.s32 $0x6, s6;
	[tilespmem:v17+s19+$0x0] =	vst.idx.msk $0xffff, v12;
	v12 =	vld [tilespmem:s2+$0x0];
	v17 =	vor.u32 s7, v7  }
0x1c8: {  	s7 =	sadd.s32 $0x7, s6;
	[tilespmem:v15+s19+$0x0] =	vst.idx.msk $0xffff, v10;
	v10 =	vld [tilespmem:s2+$0xFFFFFED0];
	v15 =	vor.u32 s1, v6  }
0x1c9: {  	s0 =	sadd.s32 $0x8, s6;
	[tilespmem:v16+s19+$0x0] =	vst.idx.msk $0xffff, v9;
	v9 =	vld [tilespmem:s2+$0xFFFFFEF0];
	v16 =	vor.u32 s7, v6  }
0x1ca: {  	s10 =	sadd.s32 $0x9, s6;
	[tilespmem:v13+s19+$0x0] =	vst.idx.msk $0xffff, v8;
	v8 =	vld [tilespmem:s2+$0xFFFFFF10];
	v13 =	vor.u32 s0, v6  }
0x1cb: {  	s12 =	sadd.s32 $0xA, s6;
	[tilespmem:v14+s19+$0x0] =	vst.idx.msk $0xffff, v11;
	v11 =	vld [tilespmem:s2+$0xFFFFFF30];
	v14 =	vor.u32 s10, v6  }
0x1cc: {  	s13 =	sadd.s32 $0xB, s6;
	v19 =	vor.u32 s12, v6;
	v18 =	vld [tilespmem:s2+$0xFFFFFF50];
	[tilespmem:v17+s19+$0x0] =	vst.idx.msk $0xffff, v12  }
0x1cd: {  	s14 =	sadd.s32 $0xC, s6;
	v12 =	vor.u32 s13, v6;
	[tilespmem:v15+s19+$0x0] =	vst.idx.msk $0xffff, v10;
	v10 =	vld [tilespmem:s2+$0xFFFFFF70]  }
0x1ce: {  	s16 =	sadd.s32 $0xD, s6;
	v15 =	vor.u32 s14, v6;
	[tilespmem:v16+s19+$0x0] =	vst.idx.msk $0xffff, v9;
	v9 =	vld [tilespmem:s2+$0xFFFFFF90]  }
0x1cf: {  	s17 =	sadd.s32 $0xE, s6;
	[tilespmem:v13+s19+$0x0] =	vst.idx.msk $0xffff, v8;
	v8 =	vld [tilespmem:s2+$0xFFFFFFB0];
	v13 =	vor.u32 s16, v6  }
0x1d0: {  	[tilespmem:v14+s19+$0x0] =	vst.idx.msk $0xffff, v11;
	v11 =	vld [tilespmem:s2+$0xFFFFFFD0];
	v14 =	vor.u32 s17, v6  }
0x1d1: {  	v17 =	vor.u32 s6, v6;
	v16 =	vld [tilespmem:s2+$0xFFFFFE10];
	[tilespmem:v19+s19+$0x0] =	vst.idx.msk $0xffff, v18  }
0x1d2: {  	v19 =	vor.u32 s5, v7;
	v18 =	vld [tilespmem:s2+$0xFFFFFE40];
	[tilespmem:v12+s19+$0x0] =	vst.idx.msk $0xffff, v10  }
0x1d3: {  	v12 =	vor.u32 s8, v7;
	v10 =	vld [tilespmem:s2+$0xFFFFFE60];
	[tilespmem:v15+s19+$0x0] =	vst.idx.msk $0xffff, v9  }
0x1d4: {  	v15 =	vor.u32 s9, v7;
	v9 =	vld [tilespmem:s2+$0xFFFFFE80];
	[tilespmem:v13+s19+$0x0] =	vst.idx.msk $0xffff, v8  }
0x1d5: {  	v13 =	vor.u32 s3, v7;
	v8 =	vld [tilespmem:s2+$0xFFFFFEA0];
	[tilespmem:v14+s19+$0x0] =	vst.idx.msk $0xffff, v11  }
0x1d6: {  	v14 =	vor.u32 s4, v7;
	[tilespmem:v17+s19+$0x0] =	vst.idx.msk $0xffff, v16;
	v11 =	vld [tilespmem:s2+$0xFFFFFEC0]  }
0x1d7: {  	v17 =	vor.u32 s1, v7;
	[tilespmem:v19+s19+$0x0] =	vst.idx.msk $0xffff, v18;
	v16 =	vld [tilespmem:s2+$0xFFFFFEE0]  }
0x1d8: {  	v18 =	vor.u32 s7, v7;
	[tilespmem:v12+s19+$0x0] =	vst.idx.msk $0xffff, v10;
	v10 =	vld [tilespmem:s2+$0xFFFFFF00]  }
0x1d9: {  	v19 =	vor.u32 s0, v7;
	[tilespmem:v15+s19+$0x0] =	vst.idx.msk $0xffff, v9;
	v9 =	vld [tilespmem:s2+$0xFFFFFF20]  }
0x1da: {  	[tilespmem:v13+s19+$0x0] =	vst.idx.msk $0xffff, v8;
	v8 =	vld [tilespmem:s2+$0xFFFFFF40];
	v13 =	vor.u32 s10, v7  }
0x1db: {  	v21 =	vor.u32 s12, v7;
	[tilespmem:v14+s19+$0x0] =	vst.idx.msk $0xffff, v11;
	v20 =	vld [tilespmem:s2+$0xFFFFFF60]  }
.Ltmp9:
0x1dc: {  	[tilespmem:v17+s19+$0x0] =	vst.idx.msk $0xffff, v16;
	v12 =	vld [tilespmem:s2+$0xFFFFFF80];
	v17 =	vor.u32 s13, v7;
	(pc) =	sbr.rel @p2 .LBB2_16-.Ltmp9, $4  }
0x1dd: {  	v15 =	vor.u32 s14, v7;
	[tilespmem:v18+s19+$0x0] =	vst.idx.msk $0xffff, v10;
	v10 =	vld [tilespmem:s2+$0xFFFFFFA0]  }
0x1de: {  	v16 =	vor.u32 s16, v7;
	[tilespmem:v19+s19+$0x0] =	vst.idx.msk $0xffff, v9;
	v9 =	vld [tilespmem:s2+$0xFFFFFFC0]  }
0x1df: {  	[tilespmem:v13+s19+$0x0] =	vst.idx.msk $0xffff, v8;
	v8 =	vld [tilespmem:s2+$0xFFFFFFE0];
	v13 =	vor.u32 s17, v7  }
0x1e0: {  	s11 =	sadd.s32 $0x10, s11;
	s7 =	sadd.s32 $0xF, s15;
	v14 =	vor.u32 s6, v7;
	v11 =	vld [tilespmem:s2+$0xFFFFFE20];
	[tilespmem:v21+s19+$0x0] =	vst.idx.msk $0xffff, v20;
	s2 =	sadd.s32 $0x200, s2  }
0x1e1: {  	s6 =	smov.u32 s15  }
.LBB2_18:
0x1e2: {  	_ =	sdelay $0x3  }
0x1e3: {  	s0 =	sadd.s32 $0x1, s6;
	v18 =	vld [tilespmem:s2+$0xFFFFFFF0];
	v19 =	vor.u32 s7, v6;
	[tilespmem:v17+s19+$0x0] =	vst.idx.msk @p1 $0xffff, v12  }
0x1e4: {  	v12 =	vld [tilespmem:s2+$0xFFFFFE30];
	s1 =	sadd.s32 $0x2, s6;
	[tilespmem:v15+s19+$0x0] =	vst.idx.msk @p1 $0xffff, v10;
	v17 =	vor.u32 s0, v6  }
0x1e5: {  	v10 =	vld [tilespmem:s2+$0xFFFFFE50];
	s3 =	sadd.s32 $0x3, s6;
	v15 =	vor.u32 s1, v6;
	[tilespmem:v16+s19+$0x0] =	vst.idx.msk @p1 $0xffff, v9  }
0x1e6: {  	s4 =	sadd.s32 $0x4, s6;
	v9 =	vld [tilespmem:s2+$0xFFFFFE70];
	v16 =	vor.u32 s3, v6;
	[tilespmem:v13+s19+$0x0] =	vst.idx.msk @p1 $0xffff, v8  }
0x1e7: {  	s5 =	sadd.s32 $0x5, s6;
	v8 =	vld [tilespmem:s2+$0xFFFFFE90];
	v13 =	vor.u32 s4, v6;
	[tilespmem:v14+s19+$0x0] =	vst.idx.msk @p1 $0xffff, v11  }
0x1e8: {  	s11 =	sadd.s32 $0xA, s6;
	v11 =	vld [tilespmem:s2+$0xFFFFFEB0];
	v14 =	vor.u32 s5, v6;
	[tilespmem:v19+s19+$0x0] =	vst.idx.msk $0xffff, v18  }
0x1e9: {  	v18 =	vld [tilespmem:s2+$0xFFFFFF50];
	v19 =	vor.u32 s11, v6;
	[tilespmem:v17+s19+$0x0] =	vst.idx.msk $0xffff, v12  }
0x1ea: {  	s8 =	sadd.s32 $0x6, s6;
	v12 =	vld [tilespmem:s2+$0x0];
	v17 =	vor.u32 s7, v7;
	[tilespmem:v15+s19+$0x0] =	vst.idx.msk $0xffff, v10  }
0x1eb: {  	s25 =	sadd.s32 $0x7, s6;
	v10 =	vld [tilespmem:s2+$0xFFFFFED0];
	v15 =	vor.u32 s8, v6;
	[tilespmem:v16+s19+$0x0] =	vst.idx.msk $0xffff, v9  }
0x1ec: {  	s9 =	sadd.s32 $0x8, s6;
	v9 =	vld [tilespmem:s2+$0xFFFFFEF0];
	v16 =	vor.u32 s25, v6;
	[tilespmem:v13+s19+$0x0] =	vst.idx.msk $0xffff, v8  }
0x1ed: {  	s10 =	sadd.s32 $0x9, s6;
	v8 =	vld [tilespmem:s2+$0xFFFFFF10];
	v13 =	vor.u32 s9, v6;
	[tilespmem:v14+s19+$0x0] =	vst.idx.msk $0xffff, v11  }
0x1ee: {  	v11 =	vld [tilespmem:s2+$0xFFFFFF30];
	v14 =	vor.u32 s10, v6;
	[tilespmem:v19+s19+$0x0] =	vst.idx.msk $0xffff, v18  }
0x1ef: {  	s12 =	sadd.s32 $0xB, s6;
	v18 =	vld [tilespmem:s2+$0xFFFFFE40];
	v19 =	vor.u32 s0, v7;
	[tilespmem:v17+s19+$0x0] =	vst.idx.msk $0xffff, v12  }
0x1f0: {  	s13 =	sadd.s32 $0xC, s6;
	[tilespmem:v15+s19+$0x0] =	vst.idx.msk $0xffff, v10;
	v10 =	vld [tilespmem:s2+$0xFFFFFF70];
	v12 =	vor.u32 s12, v6  }
0x1f1: {  	[tilespmem:v16+s19+$0x0] =	vst.idx.msk $0xffff, v9;
	v9 =	vld [tilespmem:s2+$0xFFFFFF90];
	v15 =	vor.u32 s13, v6  }
0x1f2: {  	s14 =	sadd.s32 $0xD, s6;
	v16 =	vld [tilespmem:s2+$0xFFFFFE10];
	v17 =	vor.u32 s6, v6;
	[tilespmem:v13+s19+$0x0] =	vst.idx.msk $0xffff, v8  }
0x1f3: {  	s15 =	sadd.s32 $0xE, s6;
	v8 =	vld [tilespmem:s2+$0xFFFFFFB0];
	v13 =	vor.u32 s14, v6;
	[tilespmem:v14+s19+$0x0] =	vst.idx.msk $0xffff, v11  }
0x1f4: {  	v11 =	vld [tilespmem:s2+$0xFFFFFFD0];
	v14 =	vor.u32 s15, v6;
	[tilespmem:v19+s19+$0x0] =	vst.idx.msk $0xffff, v18  }
0x1f5: {  	[tilespmem:v12+s19+$0x0] =	vst.idx.msk $0xffff, v10;
	v10 =	vld [tilespmem:s2+$0xFFFFFE60];
	v12 =	vor.u32 s1, v7  }
0x1f6: {  	[tilespmem:v15+s19+$0x0] =	vst.idx.msk $0xffff, v9;
	v9 =	vld [tilespmem:s2+$0xFFFFFE80];
	v15 =	vor.u32 s3, v7  }
0x1f7: {  	[tilespmem:v17+s19+$0x0] =	vst.idx.msk $0xffff, v16;
	v16 =	vld [tilespmem:s2+$0xFFFFFEE0];
	v17 =	vor.u32 s8, v7  }
0x1f8: {  	[tilespmem:v13+s19+$0x0] =	vst.idx.msk $0xffff, v8;
	v8 =	vld [tilespmem:s2+$0xFFFFFEA0];
	v13 =	vor.u32 s4, v7  }
0x1f9: {  	[tilespmem:v14+s19+$0x0] =	vst.idx.msk $0xffff, v11;
	v11 =	vld [tilespmem:s2+$0xFFFFFEC0];
	v14 =	vor.u32 s5, v7  }
0x1fa: {  	[tilespmem:v12+s19+$0x0] =	vst.idx.msk $0xffff, v10;
	v10 =	vld [tilespmem:s2+$0xFFFFFF00];
	v12 =	vor.u32 s25, v7  }
0x1fb: {  	[tilespmem:v15+s19+$0x0] =	vst.idx.msk $0xffff, v9;
	v9 =	vld [tilespmem:s2+$0xFFFFFF20];
	v15 =	vor.u32 s9, v7  }
0x1fc: {  	[tilespmem:v17+s19+$0x0] =	vst.idx.msk $0xffff, v16;
	v16 =	vld [tilespmem:s2+$0xFFFFFF80];
	v17 =	vor.u32 s12, v7  }
0x1fd: {  	[tilespmem:v13+s19+$0x0] =	vst.idx.msk $0xffff, v8;
	v8 =	vld [tilespmem:s2+$0xFFFFFF40];
	v13 =	vor.u32 s10, v7  }
0x1fe: {  	[tilespmem:v14+s19+$0x0] =	vst.idx.msk $0xffff, v11;
	v11 =	vld [tilespmem:s2+$0xFFFFFF60];
	v14 =	vor.u32 s11, v7  }
0x1ff: {  	v19 =	vor.u32 s6, v7;
	v18 =	vld [tilespmem:s2+$0xFFFFFE20];
	[tilespmem:v12+s19+$0x0] =	vst.idx.msk $0xffff, v10  }
0x200: {  	v10 =	vld [tilespmem:s2+$0xFFFFFFA0];
	v12 =	vor.u32 s13, v7;
	[tilespmem:v15+s19+$0x0] =	vst.idx.msk $0xffff, v9  }
0x201: {  	v9 =	vld [tilespmem:s2+$0xFFFFFFC0];
	v15 =	vor.u32 s14, v7;
	[tilespmem:v17+s19+$0x0] =	vst.idx.msk $0xffff, v16  }
0x202: {  	[tilespmem:v13+s19+$0x0] =	vst.idx.msk $0xffff, v8;
	v8 =	vld [tilespmem:s2+$0xFFFFFFE0];
	v13 =	vor.u32 s15, v7  }
0x203: {  	[tilespmem:v14+s19+$0x0] =	vst.idx.msk $0xffff, v11  }
0x204: {  	s26 =	rddreg [dreg:$0x4];
	[tilespmem:v19+s19+$0x0] =	vst.idx.msk $0xffff, v18  }
0x205: {  	s0 =	sadd.s32 s26, s20;
	[tilespmem:v12+s19+$0x0] =	vst.idx.msk $0xffff, v10  }
0x206: {  	s29 =	sshll.u32 s0, $0xB;
	s30 =	sshll.u32 s0, $0x9;
	[tilespmem:v15+s19+$0x0] =	vst.idx.msk $0xffff, v9  }
0x207: {  	s3 =	rddreg [dreg:$0x1];
	s1 =	sand.u32 $0xFFF0000, s29;
	s2 =	sand.u32 $0x3C00, s30;
	[tilespmem:v13+s19+$0x0] =	vst.idx.msk $0xffff, v8  }
0x208: {  	s1 =	sor.u32 s2, s1;
	s4 =	rddreg [dreg:$0x7]  }
0x209: {  	s6 =	rddreg [dreg:$0x8];
	s2 =	sadd.s32 s3, s1  }
0x20a: {  	[hbm4b:s2+s18] =	stream.linear.scatter [tilespmem:s19], [sflag:$0x5], $0x1000, $0x38;
	[tilespmem:$0x10400] =	vst v63  }
0x20b: {  	s5 =	simm.s32 $0x9400;
	s8 =	rddreg [dreg:$0x9];
	s2 =	sadd.s32 s1, s4  }
0x20c: {  	[hbm4b:s2+s18] =	stream.linear.scatter [tilespmem:s5], [sflag:$0x5], $0x1000, $0x38;
	[tilespmem:$0x10400] =	vst v63  }
0x20d: {  	s7 =	simm.s32 $0xA400;
	s10 =	rddreg [dreg:$0xd];
	s2 =	sadd.s32 s1, s6  }
0x20e: {  	[hbm4b:s2+s18] =	stream.linear.scatter [tilespmem:s7], [sflag:$0x5], $0x1000, $0x38;
	[tilespmem:$0x10400] =	vst v63  }
0x20f: {  	s9 =	simm.s32 $0xB400;
	p1 =	seq.s32 s10, $0x18;
	s1 =	sadd.s32 s1, s8  }
0x210: {  	[hbm4b:s1+s18] =	stream.linear.scatter [tilespmem:s9], [sflag:$0x5], $0x1000, $0x38;
	[tilespmem:$0x10400] =	vst v63  }
0x211: {  	s0 =	sshll.u32 @!p1 s0, $0x6;
	s1 =	rddreg [dreg:$0xb]  }
0x212: {  	s12 =	simm.s32 $0x4;
	s0 =	sadd.s32 @!p1 s1, s0;
	s1 =	simm.s32 @!p1 $0x0  }
0x213: {  	[tilespmem:s1], [sflag:$0x1] =	stream.linear.gather @!p1 [hbm4b:s0+s1], $0x200, $0x38;
	[tilespmem:$0x10400] =	vst v63  }
0x214: {  	s11 =	sor.u32 $0x1, s20;
	_ =	swait.ge [sflag:s12], $0x4000  }
0x215: {  	p2 =	sgt.u32 s11, $0x30;
	[sflag:s12] =	ssyncset.done $0x0  }
0x216: {  	s0 =	simm.s32 @!p2 $0x1;
	[dreg:$0xe] =	wrdreg s11;
	[sflag:s12] =	ssyncadd.s32 $0xFFFFC000  }
0x217: {  	_ =	swait.ge @!p2 [sflag:s0], $0x200  }
0x218: {  	s2 =	simm.s32 @!p2 $0x400;
	s1 =	simm.s32 @!p2 $0x0;
	[sflag:s0] =	ssyncset.done @!p2 $0x0  }
0x219: {  	s3 =	rddreg [dreg:$0x3];
	[sflag:s0] =	ssyncadd.s32 @!p2 $0xFFFFFE00;
	s0 =	simm.s32 @!p2 $0x200  }
0x21a: {  	[tilespmem:s2], [sflag:$0x3] =	stream.indirect.gather @!p2 [hbm4b:s3+s0], $0x20, s1, s0, $0xb8;
	[tilespmem:$0x10400] =	vst v63  }
0x21b: {  	s0 =	simm.s32 @!p0 $0x6  }
0x21c: {  	_ =	swait.ge @!p0 [sflag:s0], $0x1000  }
0x21d: {  	[sflag:s0] =	ssyncset.done @!p0 $0x0  }
0x21e: {  	[sflag:s0] =	ssyncadd.s32 @!p0 $0xFFFFF000  }
0x21f: {  	_ =	swait.ge @!p0 [sflag:s0], $0x1000  }
0x220: {  	[sflag:s0] =	ssyncset.done @!p0 $0x0  }
0x221: {  	[sflag:s0] =	ssyncadd.s32 @!p0 $0xFFFFF000  }
0x222: {  	_ =	swait.ge @!p0 [sflag:s0], $0x1000  }
0x223: {  	[sflag:s0] =	ssyncset.done @!p0 $0x0  }
0x224: {  	[sflag:s0] =	ssyncadd.s32 @!p0 $0xFFFFF000  }
0x225: {  	_ =	swait.ge @!p0 [sflag:s0], $0x1000  }
0x226: {  	[sflag:s0] =	ssyncset.done @!p0 $0x0  }
0x227: {  	s13 =	simm.s32 $0x45F0;
	s14 =	simm.s32 $0xF;
	[sflag:s0] =	ssyncadd.s32 @!p0 $0xFFFFF000  }
0x228: {  	s15 =	simm.s32 $0x1;
	v9 =	vor.u32 s14, v0;
	v8 =	vld [tilespmem:s13+$0xFFFFFFF0]  }
0x229: {  	s16 =	simm.s32 $0x2;
	v11 =	vor.u32 s15, v0;
	v10 =	vld [tilespmem:s13+$0xFFFFFE30]  }
0x22a: {  	s17 =	simm.s32 $0x3;
	v13 =	vor.u32 s16, v0;
	v12 =	vld [tilespmem:s13+$0xFFFFFE50]  }
0x22b: {  	s23 =	simm.s32 $0x4;
	v15 =	vor.u32 s17, v0;
	v14 =	vld [tilespmem:s13+$0xFFFFFE70]  }
0x22c: {  	v17 =	vor.u32 s23, v0;
	s29 =	simm.s32 $0x5;
	v16 =	vld [tilespmem:s13+$0xFFFFFE90]  }
0x22d: {  	s30 =	simm.s32 $0x6;
	v19 =	vor.u32 s29, v0;
	v18 =	vld [tilespmem:s13+$0xFFFFFEB0];
	[tilespmem:v9+s24+$0x0] =	vst.idx.msk $0xffff, v8  }
0x22e: {  	s20 =	simm.s32 $0x7;
	[tilespmem:v11+s24+$0x0] =	vst.idx.msk $0xffff, v10;
	v10 =	vld [tilespmem:s13+$0xFFFFFED0];
	v11 =	vor.u32 s30, v0  }
0x22f: {  	s21 =	simm.s32 $0x8;
	[tilespmem:v13+s24+$0x0] =	vst.idx.msk $0xffff, v12;
	v12 =	vld [tilespmem:s13+$0xFFFFFEF0];
	v13 =	vor.u32 s20, v0  }
0x230: {  	[tilespmem:v15+s24+$0x0] =	vst.idx.msk $0xffff, v14;
	v14 =	vld [tilespmem:s13+$0xFFFFFF10];
	v15 =	vor.u32 s21, v0  }
0x231: {  	s26 =	simm.s32 $0x9;
	v9 =	vor.u32 s14, v1;
	[tilespmem:v17+s24+$0x0] =	vst.idx.msk $0xffff, v16;
	v8 =	vld [tilespmem:s13+$0x0]  }
0x232: {  	s28 =	simm.s32 $0xA;
	[tilespmem:v19+s24+$0x0] =	vst.idx.msk $0xffff, v18;
	v16 =	vld [tilespmem:s13+$0xFFFFFF30];
	v17 =	vor.u32 s26, v0  }
0x233: {  	s22 =	simm.s32 $0xC;
	v18 =	vld [tilespmem:s13+$0xFFFFFF50];
	v19 =	vor.u32 s28, v0;
	[tilespmem:v11+s24+$0x0] =	vst.idx.msk $0xffff, v10  }
0x234: {  	s2 =	simm.s32 $0xD;
	[tilespmem:v13+s24+$0x0] =	vst.idx.msk $0xffff, v12;
	v10 =	vld [tilespmem:s13+$0xFFFFFF90];
	v11 =	vor.u32 s22, v0  }
0x235: {  	s18 =	simm.s32 $0xB;
	[tilespmem:v15+s24+$0x0] =	vst.idx.msk $0xffff, v14;
	v12 =	vld [tilespmem:s13+$0xFFFFFFB0];
	v13 =	vor.u32 s2, v0  }
0x236: {  	s31 =	simm.s32 $0xE;
	[tilespmem:v9+s24+$0x0] =	vst.idx.msk $0xffff, v8;
	v8 =	vld [tilespmem:s13+$0xFFFFFF70];
	v9 =	vor.u32 s18, v0  }
0x237: {  	s25 =	simm.s32 $0x0;
	[tilespmem:v17+s24+$0x0] =	vst.idx.msk $0xffff, v16;
	v14 =	vld [tilespmem:s13+$0xFFFFFFD0];
	v15 =	vor.u32 s31, v0  }
0x238: {  	v16 =	vld [tilespmem:s13+$0xFFFFFE10];
	v17 =	vor.u32 s25, v0;
	[tilespmem:v19+s24+$0x0] =	vst.idx.msk $0xffff, v18  }
0x239: {  	v18 =	vld [tilespmem:s13+$0xFFFFFE40];
	v19 =	vor.u32 s15, v1;
	[tilespmem:v11+s24+$0x0] =	vst.idx.msk $0xffff, v10  }
0x23a: {  	v10 =	vld [tilespmem:s13+$0xFFFFFE80];
	v11 =	vor.u32 s17, v1;
	[tilespmem:v13+s24+$0x0] =	vst.idx.msk $0xffff, v12  }
0x23b: {  	[tilespmem:v9+s24+$0x0] =	vst.idx.msk $0xffff, v8;
	v8 =	vld [tilespmem:s13+$0xFFFFFE60];
	v9 =	vor.u32 s16, v1  }
0x23c: {  	v12 =	vld [tilespmem:s13+$0xFFFFFEA0];
	v13 =	vor.u32 s23, v1;
	[tilespmem:v15+s24+$0x0] =	vst.idx.msk $0xffff, v14  }
0x23d: {  	[tilespmem:v17+s24+$0x0] =	vst.idx.msk $0xffff, v16;
	v14 =	vld [tilespmem:s13+$0xFFFFFEC0];
	v15 =	vor.u32 s29, v1  }
0x23e: {  	[tilespmem:v19+s24+$0x0] =	vst.idx.msk $0xffff, v18;
	v16 =	vld [tilespmem:s13+$0xFFFFFEE0];
	v17 =	vor.u32 s30, v1  }
0x23f: {  	v20 =	vor.u32 s28, v1;
	v19 =	vld [tilespmem:s13+$0xFFFFFF60];
	[tilespmem:v11+s24+$0x0] =	vst.idx.msk $0xffff, v10  }
0x240: {  	[tilespmem:v9+s24+$0x0] =	vst.idx.msk $0xffff, v8;
	v8 =	vld [tilespmem:s13+$0xFFFFFF00];
	v9 =	vor.u32 s20, v1  }
0x241: {  	v18 =	vor.u32 s26, v1;
	[tilespmem:v13+s24+$0x0] =	vst.idx.msk $0xffff, v12;
	v13 =	vld [tilespmem:s13+$0xFFFFFF40]  }
0x242: {  	v10 =	vld [tilespmem:s13+$0xFFFFFF20];
	v11 =	vor.u32 s21, v1;
	[tilespmem:v15+s24+$0x0] =	vst.idx.msk $0xffff, v14  }
0x243: {  	[tilespmem:v17+s24+$0x0] =	vst.idx.msk $0xffff, v16;
	v15 =	vld [tilespmem:s13+$0xFFFFFF80];
	v17 =	vor.u32 s18, v1  }
0x244: {  	v12 =	vld [tilespmem:s13+$0xFFFFFFA0];
	v16 =	vor.u32 s22, v1;
	[tilespmem:v20+s24+$0x0] =	vst.idx.msk $0xffff, v19  }
0x245: {  	v14 =	vor.u32 s2, v1;
	[tilespmem:v9+s24+$0x0] =	vst.idx.msk $0xffff, v8;
	v8 =	vld [tilespmem:s13+$0xFFFFFFC0]  }
0x246: {  	s6 =	simm.s32 $0x10;
	s9 =	simm.s32 $0x1F;
	[tilespmem:v18+s24+$0x0] =	vst.idx.msk $0xffff, v13;
	v13 =	vor.u32 s31, v1;
	v9 =	vld [tilespmem:s13+$0xFFFFFFE0]  }
0x247: {  	s23 =	simm.s32 $0x20;
	s17 =	simm.s32 $0x10;
	s16 =	simm.s32 $0x47F0;
	[tilespmem:v11+s24+$0x0] =	vst.idx.msk $0xffff, v10;
	v10 =	vld [tilespmem:s13+$0xFFFFFE20];
	v11 =	vor.u32 s25, v1  }
.LBB2_19:
0x248: {  	p0 =	slt.u32 s23, $0x70;
	s5 =	sadd.s32 $0x1, s17;
	v18 =	vld [tilespmem:s16+$0xFFFFFFF0];
	v19 =	vor.u32 s9, v0;
	[tilespmem:v17+s24+$0x0] =	vst.idx.msk $0xffff, v15;
	s12 =	smov.u32 s17  }
0x249: {  	s17 =	smov.u32 s23;
	v15 =	vld [tilespmem:s16+$0xFFFFFE30];
	v17 =	vor.u32 s5, v0;
	s8 =	sadd.s32 $0x2, s12;
	[tilespmem:v16+s24+$0x0] =	vst.idx.msk $0xffff, v12  }
0x24a: {  	s10 =	sadd.s32 $0x3, s12;
	v12 =	vld [tilespmem:s16+$0xFFFFFE50];
	v16 =	vor.u32 s8, v0;
	[tilespmem:v14+s24+$0x0] =	vst.idx.msk $0xffff, v8  }
0x24b: {  	s3 =	sadd.s32 $0x4, s12;
	v14 =	vor.u32 s10, v0;
	v8 =	vld [tilespmem:s16+$0xFFFFFE70];
	[tilespmem:v13+s24+$0x0] =	vst.idx.msk $0xffff, v9  }
0x24c: {  	s4 =	sadd.s32 $0x5, s12;
	v13 =	vor.u32 s3, v0;
	v9 =	vld [tilespmem:s16+$0xFFFFFE90];
	[tilespmem:v11+s24+$0x0] =	vst.idx.msk $0xffff, v10  }
0x24d: {  	v11 =	vor.u32 s4, v0;
	v10 =	vld [tilespmem:s16+$0xFFFFFEB0];
	[tilespmem:v19+s24+$0x0] =	vst.idx.msk $0xffff, v18  }
0x24e: {  	s1 =	sadd.s32 $0x6, s12;
	[tilespmem:v17+s24+$0x0] =	vst.idx.msk $0xffff, v15;
	v15 =	vld [tilespmem:s16+$0x0];
	v17 =	vor.u32 s9, v1  }
0x24f: {  	s9 =	sadd.s32 $0x7, s12;
	[tilespmem:v16+s24+$0x0] =	vst.idx.msk $0xffff, v12;
	v12 =	vld [tilespmem:s16+$0xFFFFFED0];
	v16 =	vor.u32 s1, v0  }
0x250: {  	s0 =	sadd.s32 $0x8, s12;
	[tilespmem:v14+s24+$0x0] =	vst.idx.msk $0xffff, v8;
	v8 =	vld [tilespmem:s16+$0xFFFFFEF0];
	v14 =	vor.u32 s9, v0  }
0x251: {  	s7 =	sadd.s32 $0x9, s12;
	[tilespmem:v13+s24+$0x0] =	vst.idx.msk $0xffff, v9;
	v9 =	vld [tilespmem:s16+$0xFFFFFF10];
	v13 =	vor.u32 s0, v0  }
0x252: {  	s11 =	sadd.s32 $0xA, s12;
	[tilespmem:v11+s24+$0x0] =	vst.idx.msk $0xffff, v10;
	v10 =	vld [tilespmem:s16+$0xFFFFFF30];
	v11 =	vor.u32 s7, v0  }
0x253: {  	s13 =	sadd.s32 $0xB, s12;
	v19 =	vor.u32 s11, v0;
	v18 =	vld [tilespmem:s16+$0xFFFFFF50];
	[tilespmem:v17+s24+$0x0] =	vst.idx.msk $0xffff, v15  }
0x254: {  	s15 =	sadd.s32 $0xC, s12;
	v15 =	vor.u32 s13, v0;
	[tilespmem:v16+s24+$0x0] =	vst.idx.msk $0xffff, v12;
	v12 =	vld [tilespmem:s16+$0xFFFFFF70]  }
0x255: {  	s29 =	sadd.s32 $0xD, s12;
	[tilespmem:v14+s24+$0x0] =	vst.idx.msk $0xffff, v8;
	v8 =	vld [tilespmem:s16+$0xFFFFFF90];
	v14 =	vor.u32 s15, v0  }
0x256: {  	s30 =	sadd.s32 $0xE, s12;
	[tilespmem:v13+s24+$0x0] =	vst.idx.msk $0xffff, v9;
	v9 =	vld [tilespmem:s16+$0xFFFFFFB0];
	v13 =	vor.u32 s29, v0  }
0x257: {  	[tilespmem:v11+s24+$0x0] =	vst.idx.msk $0xffff, v10;
	v10 =	vld [tilespmem:s16+$0xFFFFFFD0];
	v11 =	vor.u32 s30, v0  }
0x258: {  	v17 =	vor.u32 s12, v0;
	v16 =	vld [tilespmem:s16+$0xFFFFFE10];
	[tilespmem:v19+s24+$0x0] =	vst.idx.msk $0xffff, v18  }
0x259: {  	v19 =	vor.u32 s5, v1;
	v18 =	vld [tilespmem:s16+$0xFFFFFE40];
	[tilespmem:v15+s24+$0x0] =	vst.idx.msk $0xffff, v12  }
0x25a: {  	v15 =	vor.u32 s8, v1;
	v12 =	vld [tilespmem:s16+$0xFFFFFE60];
	[tilespmem:v14+s24+$0x0] =	vst.idx.msk $0xffff, v8  }
0x25b: {  	v14 =	vor.u32 s10, v1;
	v8 =	vld [tilespmem:s16+$0xFFFFFE80];
	[tilespmem:v13+s24+$0x0] =	vst.idx.msk $0xffff, v9  }
0x25c: {  	v13 =	vor.u32 s3, v1;
	v9 =	vld [tilespmem:s16+$0xFFFFFEA0];
	[tilespmem:v11+s24+$0x0] =	vst.idx.msk $0xffff, v10  }
0x25d: {  	v11 =	vor.u32 s4, v1;
	[tilespmem:v17+s24+$0x0] =	vst.idx.msk $0xffff, v16;
	v10 =	vld [tilespmem:s16+$0xFFFFFEC0]  }
0x25e: {  	v17 =	vor.u32 s1, v1;
	[tilespmem:v19+s24+$0x0] =	vst.idx.msk $0xffff, v18;
	v16 =	vld [tilespmem:s16+$0xFFFFFEE0]  }
0x25f: {  	v18 =	vor.u32 s9, v1;
	[tilespmem:v15+s24+$0x0] =	vst.idx.msk $0xffff, v12;
	v12 =	vld [tilespmem:s16+$0xFFFFFF00]  }
0x260: {  	[tilespmem:v14+s24+$0x0] =	vst.idx.msk $0xffff, v8;
	v8 =	vld [tilespmem:s16+$0xFFFFFF20];
	v14 =	vor.u32 s0, v1  }
0x261: {  	[tilespmem:v13+s24+$0x0] =	vst.idx.msk $0xffff, v9;
	v9 =	vld [tilespmem:s16+$0xFFFFFF40];
	v13 =	vor.u32 s7, v1  }
0x262: {  	v20 =	vor.u32 s11, v1;
	[tilespmem:v11+s24+$0x0] =	vst.idx.msk $0xffff, v10;
	v19 =	vld [tilespmem:s16+$0xFFFFFF60]  }
.Ltmp10:
0x263: {  	[tilespmem:v17+s24+$0x0] =	vst.idx.msk $0xffff, v16;
	v15 =	vld [tilespmem:s16+$0xFFFFFF80];
	v17 =	vor.u32 s13, v1;
	(pc) =	sbr.rel @p0 .LBB2_19-.Ltmp10, $4  }
0x264: {  	v16 =	vor.u32 s15, v1;
	[tilespmem:v18+s24+$0x0] =	vst.idx.msk $0xffff, v12;
	v12 =	vld [tilespmem:s16+$0xFFFFFFA0]  }
0x265: {  	[tilespmem:v14+s24+$0x0] =	vst.idx.msk $0xffff, v8;
	v8 =	vld [tilespmem:s16+$0xFFFFFFC0];
	v14 =	vor.u32 s29, v1  }
0x266: {  	[tilespmem:v13+s24+$0x0] =	vst.idx.msk $0xffff, v9;
	v9 =	vld [tilespmem:s16+$0xFFFFFFE0];
	v13 =	vor.u32 s30, v1  }
0x267: {  	s23 =	sadd.s32 $0x10, s23;
	s9 =	sadd.s32 $0xF, s17;
	v11 =	vor.u32 s12, v1;
	v10 =	vld [tilespmem:s16+$0xFFFFFE20];
	[tilespmem:v20+s24+$0x0] =	vst.idx.msk $0xffff, v19;
	s16 =	sadd.s32 $0x200, s16  }
0x268: {  	_ =	sdelay $0x3  }
0x269: {  	s0 =	sadd.s32 $0x1, s17;
	v18 =	vld [tilespmem:s16+$0xFFFFFFF0];
	v19 =	vor.u32 s9, v0;
	[tilespmem:v17+s24+$0x0] =	vst.idx.msk $0xffff, v15  }
0x26a: {  	v15 =	vld [tilespmem:s16+$0xFFFFFE30];
	s1 =	sadd.s32 $0x2, s17;
	v17 =	vor.u32 s0, v0;
	[tilespmem:v16+s24+$0x0] =	vst.idx.msk $0xffff, v12  }
0x26b: {  	s3 =	sadd.s32 $0x3, s17;
	v12 =	vld [tilespmem:s16+$0xFFFFFE50];
	v16 =	vor.u32 s1, v0;
	[tilespmem:v14+s24+$0x0] =	vst.idx.msk $0xffff, v8  }
0x26c: {  	s4 =	sadd.s32 $0x4, s17;
	v8 =	vld [tilespmem:s16+$0xFFFFFE70];
	v14 =	vor.u32 s3, v0;
	[tilespmem:v13+s24+$0x0] =	vst.idx.msk $0xffff, v9  }
0x26d: {  	s5 =	sadd.s32 $0x5, s17;
	v9 =	vld [tilespmem:s16+$0xFFFFFE90];
	v13 =	vor.u32 s4, v0;
	[tilespmem:v11+s24+$0x0] =	vst.idx.msk $0xffff, v10  }
0x26e: {  	s11 =	sadd.s32 $0xA, s17;
	v10 =	vld [tilespmem:s16+$0xFFFFFEB0];
	v11 =	vor.u32 s5, v0;
	[tilespmem:v19+s24+$0x0] =	vst.idx.msk $0xffff, v18  }
0x26f: {  	v18 =	vld [tilespmem:s16+$0xFFFFFF50];
	v19 =	vor.u32 s11, v0;
	[tilespmem:v17+s24+$0x0] =	vst.idx.msk $0xffff, v15  }
0x270: {  	s7 =	sadd.s32 $0x6, s17;
	v15 =	vld [tilespmem:s16+$0x0];
	v17 =	vor.u32 s9, v1;
	[tilespmem:v16+s24+$0x0] =	vst.idx.msk $0xffff, v12  }
0x271: {  	s8 =	sadd.s32 $0x7, s17;
	v12 =	vld [tilespmem:s16+$0xFFFFFED0];
	v16 =	vor.u32 s7, v0;
	[tilespmem:v14+s24+$0x0] =	vst.idx.msk $0xffff, v8  }
0x272: {  	s30 =	sadd.s32 $0x8, s17;
	v8 =	vld [tilespmem:s16+$0xFFFFFEF0];
	v14 =	vor.u32 s8, v0;
	[tilespmem:v13+s24+$0x0] =	vst.idx.msk $0xffff, v9  }
0x273: {  	s10 =	sadd.s32 $0x9, s17;
	v9 =	vld [tilespmem:s16+$0xFFFFFF10];
	v13 =	vor.u32 s30, v0;
	[tilespmem:v11+s24+$0x0] =	vst.idx.msk $0xffff, v10  }
0x274: {  	v10 =	vld [tilespmem:s16+$0xFFFFFF30];
	v11 =	vor.u32 s10, v0;
	[tilespmem:v19+s24+$0x0] =	vst.idx.msk $0xffff, v18  }
0x275: {  	s12 =	sadd.s32 $0xB, s17;
	v18 =	vor.u32 s0, v1;
	v19 =	vld [tilespmem:s16+$0xFFFFFE40];
	[tilespmem:v17+s24+$0x0] =	vst.idx.msk $0xffff, v15  }
0x276: {  	s13 =	sadd.s32 $0xC, s17;
	[tilespmem:v16+s24+$0x0] =	vst.idx.msk $0xffff, v12;
	v12 =	vld [tilespmem:s16+$0xFFFFFF70];
	v15 =	vor.u32 s12, v0  }
0x277: {  	s15 =	sadd.s32 $0xD, s17;
	[tilespmem:v14+s24+$0x0] =	vst.idx.msk $0xffff, v8;
	v8 =	vld [tilespmem:s16+$0xFFFFFF90];
	v14 =	vor.u32 s13, v0  }
0x278: {  	s23 =	sadd.s32 $0xE, s17;
	[tilespmem:v13+s24+$0x0] =	vst.idx.msk $0xffff, v9;
	v9 =	vld [tilespmem:s16+$0xFFFFFFB0];
	v13 =	vor.u32 s15, v0  }
0x279: {  	[tilespmem:v11+s24+$0x0] =	vst.idx.msk $0xffff, v10;
	v10 =	vld [tilespmem:s16+$0xFFFFFFD0];
	v11 =	vor.u32 s23, v0  }
0x27a: {  	v16 =	vld [tilespmem:s16+$0xFFFFFE10];
	v17 =	vor.u32 s17, v0;
	[tilespmem:v18+s24+$0x0] =	vst.idx.msk $0xffff, v19  }
0x27b: {  	[tilespmem:v15+s24+$0x0] =	vst.idx.msk $0xffff, v12;
	v12 =	vor.u32 s1, v1;
	v15 =	vld [tilespmem:s16+$0xFFFFFE60]  }
0x27c: {  	[tilespmem:v14+s24+$0x0] =	vst.idx.msk $0xffff, v8;
	v8 =	vor.u32 s3, v1;
	v14 =	vld [tilespmem:s16+$0xFFFFFE80]  }
0x27d: {  	[tilespmem:v13+s24+$0x0] =	vst.idx.msk $0xffff, v9;
	v9 =	vor.u32 s4, v1;
	v13 =	vld [tilespmem:s16+$0xFFFFFEA0]  }
0x27e: {  	[tilespmem:v11+s24+$0x0] =	vst.idx.msk $0xffff, v10;
	v10 =	vor.u32 s5, v1;
	v11 =	vld [tilespmem:s16+$0xFFFFFEC0]  }
0x27f: {  	[tilespmem:v17+s24+$0x0] =	vst.idx.msk $0xffff, v16;
	v16 =	vor.u32 s7, v1;
	v17 =	vld [tilespmem:s16+$0xFFFFFEE0]  }
0x280: {  	v18 =	vor.u32 s8, v1;
	[tilespmem:v12+s24+$0x0] =	vst.idx.msk $0xffff, v15;
	v12 =	vld [tilespmem:s16+$0xFFFFFF00]  }
0x281: {  	v15 =	vor.u32 s30, v1;
	[tilespmem:v8+s24+$0x0] =	vst.idx.msk $0xffff, v14;
	v8 =	vld [tilespmem:s16+$0xFFFFFF20]  }
0x282: {  	v14 =	vor.u32 s10, v1;
	[tilespmem:v9+s24+$0x0] =	vst.idx.msk $0xffff, v13;
	v9 =	vld [tilespmem:s16+$0xFFFFFF40]  }
0x283: {  	v13 =	vor.u32 s11, v1;
	[tilespmem:v10+s24+$0x0] =	vst.idx.msk $0xffff, v11;
	v10 =	vld [tilespmem:s16+$0xFFFFFF60]  }
0x284: {  	[tilespmem:v16+s24+$0x0] =	vst.idx.msk $0xffff, v17;
	v16 =	vld [tilespmem:s16+$0xFFFFFF80];
	v11 =	vor.u32 s12, v1  }
0x285: {  	v17 =	vor.u32 s13, v1;
	[tilespmem:v18+s24+$0x0] =	vst.idx.msk $0xffff, v12;
	v12 =	vld [tilespmem:s16+$0xFFFFFFA0]  }
0x286: {  	v18 =	vor.u32 s15, v1;
	[tilespmem:v15+s24+$0x0] =	vst.idx.msk $0xffff, v8;
	v8 =	vld [tilespmem:s16+$0xFFFFFFC0]  }
0x287: {  	v15 =	vor.u32 s23, v1;
	[tilespmem:v14+s24+$0x0] =	vst.idx.msk $0xffff, v9;
	v9 =	vld [tilespmem:s16+$0xFFFFFFE0]  }
0x288: {  	v19 =	vor.u32 s17, v1;
	v14 =	vld [tilespmem:s16+$0xFFFFFE20];
	[tilespmem:v13+s24+$0x0] =	vst.idx.msk $0xffff, v10  }
0x289: {  	[tilespmem:v11+s24+$0x0] =	vst.idx.msk $0xffff, v16  }
0x28a: {  	[tilespmem:v17+s24+$0x0] =	vst.idx.msk $0xffff, v12  }
0x28b: {  	[tilespmem:v18+s24+$0x0] =	vst.idx.msk $0xffff, v8  }
0x28c: {  	[tilespmem:v15+s24+$0x0] =	vst.idx.msk $0xffff, v9  }
0x28d: {  	s13 =	simm.s32 $0x5400;
	[tilespmem:v19+s24+$0x0] =	vst.idx.msk $0xffff, v14  }
0x28e: {  	s15 =	simm.s32 $0x1;
	v9 =	vor.u32 s14, v2;
	v8 =	vld [tilespmem:s13+$0x1E0]  }
0x28f: {  	s16 =	simm.s32 $0x2;
	v11 =	vor.u32 s15, v2;
	v10 =	vld [tilespmem:s13+$0x20]  }
0x290: {  	s17 =	simm.s32 $0x3;
	v13 =	vor.u32 s16, v2;
	v12 =	vld [tilespmem:s13+$0x40]  }
0x291: {  	s23 =	simm.s32 $0x4;
	v15 =	vor.u32 s17, v2;
	v14 =	vld [tilespmem:s13+$0x60]  }
0x292: {  	s29 =	simm.s32 $0x5;
	v17 =	vor.u32 s23, v2;
	v16 =	vld [tilespmem:s13+$0x80]  }
0x293: {  	s30 =	simm.s32 $0x6;
	v19 =	vor.u32 s29, v2;
	v18 =	vld [tilespmem:s13+$0xA0];
	[tilespmem:v9+s24+$0x0] =	vst.idx.msk $0xffff, v8  }
0x294: {  	[tilespmem:v11+s24+$0x0] =	vst.idx.msk $0xffff, v10;
	v10 =	vld [tilespmem:s13+$0xC0];
	v11 =	vor.u32 s30, v2  }
0x295: {  	[tilespmem:v13+s24+$0x0] =	vst.idx.msk $0xffff, v12;
	v12 =	vld [tilespmem:s13+$0xE0];
	v13 =	vor.u32 s20, v2  }
0x296: {  	[tilespmem:v15+s24+$0x0] =	vst.idx.msk $0xffff, v14;
	v14 =	vld [tilespmem:s13+$0x100];
	v15 =	vor.u32 s21, v2  }
0x297: {  	v8 =	vor.u32 s14, v3;
	[tilespmem:v17+s24+$0x0] =	vst.idx.msk $0xffff, v16;
	v9 =	vld [tilespmem:s13+$0x1F0]  }
0x298: {  	[tilespmem:v19+s24+$0x0] =	vst.idx.msk $0xffff, v18;
	v16 =	vld [tilespmem:s13+$0x120];
	v17 =	vor.u32 s26, v2  }
0x299: {  	v18 =	vld [tilespmem:s13+$0x140];
	v19 =	vor.u32 s28, v2;
	[tilespmem:v11+s24+$0x0] =	vst.idx.msk $0xffff, v10  }
0x29a: {  	[tilespmem:v13+s24+$0x0] =	vst.idx.msk $0xffff, v12;
	v10 =	vld [tilespmem:s13+$0x180];
	v11 =	vor.u32 s22, v2  }
0x29b: {  	[tilespmem:v15+s24+$0x0] =	vst.idx.msk $0xffff, v14;
	v12 =	vld [tilespmem:s13+$0x1A0];
	v13 =	vor.u32 s2, v2  }
0x29c: {  	[tilespmem:v8+s24+$0x0] =	vst.idx.msk $0xffff, v9;
	v8 =	vld [tilespmem:s13+$0x160];
	v9 =	vor.u32 s18, v2  }
0x29d: {  	[tilespmem:v17+s24+$0x0] =	vst.idx.msk $0xffff, v16;
	v14 =	vld [tilespmem:s13+$0x1C0];
	v15 =	vor.u32 s31, v2  }
0x29e: {  	v16 =	vld [tilespmem:s13+$0x0];
	v17 =	vor.u32 s25, v2;
	[tilespmem:v19+s24+$0x0] =	vst.idx.msk $0xffff, v18  }
0x29f: {  	v18 =	vor.u32 s15, v3;
	v19 =	vld [tilespmem:s13+$0x30];
	[tilespmem:v11+s24+$0x0] =	vst.idx.msk $0xffff, v10  }
0x2a0: {  	v10 =	vor.u32 s17, v3;
	v11 =	vld [tilespmem:s13+$0x70];
	[tilespmem:v13+s24+$0x0] =	vst.idx.msk $0xffff, v12  }
0x2a1: {  	[tilespmem:v9+s24+$0x0] =	vst.idx.msk $0xffff, v8;
	v8 =	vor.u32 s16, v3;
	v9 =	vld [tilespmem:s13+$0x50]  }
0x2a2: {  	v12 =	vor.u32 s23, v3;
	v13 =	vld [tilespmem:s13+$0x90];
	[tilespmem:v15+s24+$0x0] =	vst.idx.msk $0xffff, v14  }
0x2a3: {  	v14 =	vor.u32 s29, v3;
	[tilespmem:v17+s24+$0x0] =	vst.idx.msk $0xffff, v16;
	v15 =	vld [tilespmem:s13+$0xB0]  }
0x2a4: {  	v16 =	vor.u32 s30, v3;
	[tilespmem:v18+s24+$0x0] =	vst.idx.msk $0xffff, v19;
	v17 =	vld [tilespmem:s13+$0xD0]  }
0x2a5: {  	v20 =	vld [tilespmem:s13+$0x150];
	v19 =	vor.u32 s28, v3;
	[tilespmem:v10+s24+$0x0] =	vst.idx.msk $0xffff, v11  }
0x2a6: {  	v10 =	vld [tilespmem:s13+$0x110];
	[tilespmem:v8+s24+$0x0] =	vst.idx.msk $0xffff, v9;
	v9 =	vor.u32 s21, v3  }
0x2a7: {  	v11 =	vor.u32 s26, v3;
	[tilespmem:v12+s24+$0x0] =	vst.idx.msk $0xffff, v13;
	v12 =	vld [tilespmem:s13+$0x130]  }
0x2a8: {  	v18 =	vor.u32 s20, v3;
	[tilespmem:v14+s24+$0x0] =	vst.idx.msk $0xffff, v15;
	v8 =	vld [tilespmem:s13+$0xF0]  }
0x2a9: {  	[tilespmem:v16+s24+$0x0] =	vst.idx.msk $0xffff, v17;
	v15 =	vld [tilespmem:s13+$0x170];
	v17 =	vor.u32 s18, v3  }
0x2aa: {  	v13 =	vld [tilespmem:s13+$0x190];
	v16 =	vor.u32 s22, v3;
	[tilespmem:v19+s24+$0x0] =	vst.idx.msk $0xffff, v20  }
0x2ab: {  	v14 =	vor.u32 s2, v3;
	[tilespmem:v9+s24+$0x0] =	vst.idx.msk $0xffff, v10;
	v10 =	vld [tilespmem:s13+$0x1B0]  }
0x2ac: {  	[tilespmem:v11+s24+$0x0] =	vst.idx.msk $0xffff, v12;
	v11 =	vor.u32 s31, v3;
	v9 =	vld [tilespmem:s13+$0x1D0]  }
0x2ad: {  	s7 =	simm.s32 $0x20;
	s10 =	simm.s32 $0x1F;
	s2 =	simm.s32 $0x5600;
	v12 =	vor.u32 s25, v3;
	[tilespmem:v18+s24+$0x0] =	vst.idx.msk $0xffff, v8;
	v8 =	vld [tilespmem:s13+$0x10]  }
.LBB2_21:
0x2ae: {  	p0 =	slt.u32 s7, $0x70;
	s5 =	sadd.s32 $0x1, s6;
	v18 =	vld [tilespmem:s2+$0x1E0];
	v19 =	vor.u32 s10, v2;
	[tilespmem:v17+s24+$0x0] =	vst.idx.msk $0xffff, v15;
	s11 =	smov.u32 s6  }
0x2af: {  	s6 =	smov.u32 s7;
	v15 =	vld [tilespmem:s2+$0x20];
	v17 =	vor.u32 s5, v2;
	s8 =	sadd.s32 $0x2, s11;
	[tilespmem:v16+s24+$0x0] =	vst.idx.msk $0xffff, v13  }
0x2b0: {  	s9 =	sadd.s32 $0x3, s11;
	v13 =	vld [tilespmem:s2+$0x40];
	v16 =	vor.u32 s8, v2;
	[tilespmem:v14+s24+$0x0] =	vst.idx.msk $0xffff, v10  }
0x2b1: {  	s3 =	sadd.s32 $0x4, s11;
	v14 =	vor.u32 s9, v2;
	v10 =	vld [tilespmem:s2+$0x60];
	[tilespmem:v11+s24+$0x0] =	vst.idx.msk $0xffff, v9  }
0x2b2: {  	s4 =	sadd.s32 $0x5, s11;
	v11 =	vor.u32 s3, v2;
	v9 =	vld [tilespmem:s2+$0x80];
	[tilespmem:v12+s24+$0x0] =	vst.idx.msk $0xffff, v8  }
0x2b3: {  	v12 =	vor.u32 s4, v2;
	v8 =	vld [tilespmem:s2+$0xA0];
	[tilespmem:v19+s24+$0x0] =	vst.idx.msk $0xffff, v18  }
0x2b4: {  	s1 =	sadd.s32 $0x6, s11;
	[tilespmem:v17+s24+$0x0] =	vst.idx.msk $0xffff, v15;
	v15 =	vld [tilespmem:s2+$0x1F0];
	v17 =	vor.u32 s10, v3  }
0x2b5: {  	s10 =	sadd.s32 $0x7, s11;
	[tilespmem:v16+s24+$0x0] =	vst.idx.msk $0xffff, v13;
	v13 =	vld [tilespmem:s2+$0xC0];
	v16 =	vor.u32 s1, v2  }
0x2b6: {  	s0 =	sadd.s32 $0x8, s11;
	[tilespmem:v14+s24+$0x0] =	vst.idx.msk $0xffff, v10;
	v10 =	vld [tilespmem:s2+$0xE0];
	v14 =	vor.u32 s10, v2  }
0x2b7: {  	s12 =	sadd.s32 $0x9, s11;
	[tilespmem:v11+s24+$0x0] =	vst.idx.msk $0xffff, v9;
	v9 =	vld [tilespmem:s2+$0x100];
	v11 =	vor.u32 s0, v2  }
0x2b8: {  	s13 =	sadd.s32 $0xA, s11;
	[tilespmem:v12+s24+$0x0] =	vst.idx.msk $0xffff, v8;
	v8 =	vld [tilespmem:s2+$0x120];
	v12 =	vor.u32 s12, v2  }
0x2b9: {  	s14 =	sadd.s32 $0xB, s11;
	v19 =	vor.u32 s13, v2;
	v18 =	vld [tilespmem:s2+$0x140];
	[tilespmem:v17+s24+$0x0] =	vst.idx.msk $0xffff, v15  }
0x2ba: {  	s15 =	sadd.s32 $0xC, s11;
	v15 =	vor.u32 s14, v2;
	[tilespmem:v16+s24+$0x0] =	vst.idx.msk $0xffff, v13;
	v13 =	vld [tilespmem:s2+$0x160]  }
0x2bb: {  	s16 =	sadd.s32 $0xD, s11;
	[tilespmem:v14+s24+$0x0] =	vst.idx.msk $0xffff, v10;
	v10 =	vld [tilespmem:s2+$0x180];
	v14 =	vor.u32 s15, v2  }
0x2bc: {  	s17 =	sadd.s32 $0xE, s11;
	[tilespmem:v11+s24+$0x0] =	vst.idx.msk $0xffff, v9;
	v9 =	vld [tilespmem:s2+$0x1A0];
	v11 =	vor.u32 s16, v2  }
0x2bd: {  	[tilespmem:v12+s24+$0x0] =	vst.idx.msk $0xffff, v8;
	v8 =	vld [tilespmem:s2+$0x1C0];
	v12 =	vor.u32 s17, v2  }
0x2be: {  	v17 =	vor.u32 s11, v2;
	v16 =	vld [tilespmem:s2+$0x0];
	[tilespmem:v19+s24+$0x0] =	vst.idx.msk $0xffff, v18  }
0x2bf: {  	v19 =	vor.u32 s5, v3;
	v18 =	vld [tilespmem:s2+$0x30];
	[tilespmem:v15+s24+$0x0] =	vst.idx.msk $0xffff, v13  }
0x2c0: {  	v15 =	vor.u32 s8, v3;
	v13 =	vld [tilespmem:s2+$0x50];
	[tilespmem:v14+s24+$0x0] =	vst.idx.msk $0xffff, v10  }
0x2c1: {  	v14 =	vor.u32 s9, v3;
	v10 =	vld [tilespmem:s2+$0x70];
	[tilespmem:v11+s24+$0x0] =	vst.idx.msk $0xffff, v9  }
0x2c2: {  	v11 =	vor.u32 s3, v3;
	v9 =	vld [tilespmem:s2+$0x90];
	[tilespmem:v12+s24+$0x0] =	vst.idx.msk $0xffff, v8  }
0x2c3: {  	v12 =	vor.u32 s4, v3;
	[tilespmem:v17+s24+$0x0] =	vst.idx.msk $0xffff, v16;
	v8 =	vld [tilespmem:s2+$0xB0]  }
0x2c4: {  	v17 =	vor.u32 s1, v3;
	[tilespmem:v19+s24+$0x0] =	vst.idx.msk $0xffff, v18;
	v16 =	vld [tilespmem:s2+$0xD0]  }
0x2c5: {  	v18 =	vor.u32 s10, v3;
	[tilespmem:v15+s24+$0x0] =	vst.idx.msk $0xffff, v13;
	v13 =	vld [tilespmem:s2+$0xF0]  }
0x2c6: {  	[tilespmem:v14+s24+$0x0] =	vst.idx.msk $0xffff, v10;
	v10 =	vld [tilespmem:s2+$0x110];
	v14 =	vor.u32 s0, v3  }
0x2c7: {  	[tilespmem:v11+s24+$0x0] =	vst.idx.msk $0xffff, v9;
	v9 =	vld [tilespmem:s2+$0x130];
	v11 =	vor.u32 s12, v3  }
0x2c8: {  	v20 =	vor.u32 s13, v3;
	[tilespmem:v12+s24+$0x0] =	vst.idx.msk $0xffff, v8;
	v19 =	vld [tilespmem:s2+$0x150]  }
.Ltmp11:
0x2c9: {  	[tilespmem:v17+s24+$0x0] =	vst.idx.msk $0xffff, v16;
	v15 =	vld [tilespmem:s2+$0x170];
	v17 =	vor.u32 s14, v3;
	(pc) =	sbr.rel @p0 .LBB2_21-.Ltmp11, $4  }
0x2ca: {  	v16 =	vor.u32 s15, v3;
	[tilespmem:v18+s24+$0x0] =	vst.idx.msk $0xffff, v13;
	v13 =	vld [tilespmem:s2+$0x190]  }
0x2cb: {  	[tilespmem:v14+s24+$0x0] =	vst.idx.msk $0xffff, v10;
	v10 =	vld [tilespmem:s2+$0x1B0];
	v14 =	vor.u32 s16, v3  }
0x2cc: {  	[tilespmem:v11+s24+$0x0] =	vst.idx.msk $0xffff, v9;
	v9 =	vld [tilespmem:s2+$0x1D0];
	v11 =	vor.u32 s17, v3  }
0x2cd: {  	s7 =	sadd.s32 $0x10, s7;
	s10 =	sadd.s32 $0xF, s6;
	v12 =	vor.u32 s11, v3;
	v8 =	vld [tilespmem:s2+$0x10];
	[tilespmem:v20+s24+$0x0] =	vst.idx.msk $0xffff, v19;
	s2 =	sadd.s32 $0x200, s2  }
0x2ce: {  	_ =	sdelay $0x3  }
0x2cf: {  	v18 =	vld [tilespmem:s2+$0x1E0];
	v19 =	vor.u32 s10, v2;
	[tilespmem:v17+s24+$0x0] =	vst.idx.msk $0xffff, v15  }
0x2d0: {  	s0 =	sadd.s32 $0x1, s6;
	v34 =	vld [tilespmem:s2+$0x0];
	v35 =	vor.u32 s6, v2;
	[tilespmem:v16+s24+$0x0] =	vst.idx.msk $0xffff, v13  }
0x2d1: {  	v50 =	vld [tilespmem:s2+$0x20];
	s1 =	sadd.s32 $0x2, s6;
	v51 =	vor.u32 s0, v2;
	[tilespmem:v14+s24+$0x0] =	vst.idx.msk $0xffff, v10  }
0x2d2: {  	v52 =	vld [tilespmem:s2+$0x40];
	s3 =	sadd.s32 $0x3, s6;
	v53 =	vor.u32 s1, v2;
	[tilespmem:v11+s24+$0x0] =	vst.idx.msk $0xffff, v9  }
0x2d3: {  	v54 =	vld [tilespmem:s2+$0x60];
	s4 =	sadd.s32 $0x4, s6;
	v55 =	vor.u32 s3, v2;
	[tilespmem:v12+s24+$0x0] =	vst.idx.msk $0xffff, v8  }
0x2d4: {  	v56 =	vld [tilespmem:s2+$0x80];
	s7 =	sadd.s32 $0x6, s6;
	v57 =	vor.u32 s4, v2;
	[tilespmem:v19+s24+$0x0] =	vst.idx.msk $0xffff, v18  }
0x2d5: {  	v61 =	vld [tilespmem:s2+$0xC0];
	s8 =	sadd.s32 $0x7, s6;
	v62 =	vor.u32 s7, v2;
	[tilespmem:v35+s24+$0x0] =	vst.idx.msk $0xffff, v34  }
0x2d6: {  	v63 =	vld [tilespmem:s2+$0xE0];
	s9 =	sadd.s32 $0x8, s6;
	v21 =	vor.u32 s8, v2;
	[tilespmem:v51+s24+$0x0] =	vst.idx.msk $0xffff, v50  }
0x2d7: {  	v22 =	vld [tilespmem:s2+$0x100];
	s11 =	sadd.s32 $0xA, s6;
	v23 =	vor.u32 s9, v2;
	[tilespmem:v53+s24+$0x0] =	vst.idx.msk $0xffff, v52  }
0x2d8: {  	v25 =	vld [tilespmem:s2+$0x140];
	s12 =	sadd.s32 $0xB, s6;
	v26 =	vor.u32 s11, v2;
	[tilespmem:v55+s24+$0x0] =	vst.idx.msk $0xffff, v54  }
0x2d9: {  	s5 =	sadd.s32 $0x5, s6;
	v27 =	vld [tilespmem:s2+$0x160];
	v28 =	vor.u32 s12, v2;
	[tilespmem:v57+s24+$0x0] =	vst.idx.msk $0xffff, v56  }
0x2da: {  	s13 =	sadd.s32 $0xC, s6;
	v58 =	vor.u32 s5, v2;
	v8 =	vld [tilespmem:s2+$0xA0];
	[tilespmem:v62+s24+$0x0] =	vst.idx.msk $0xffff, v61  }
0x2db: {  	v29 =	vld [tilespmem:s2+$0x180];
	s14 =	sadd.s32 $0xD, s6;
	v30 =	vor.u32 s13, v2;
	[tilespmem:v21+s24+$0x0] =	vst.idx.msk $0xffff, v63  }
0x2dc: {  	v31 =	vld [tilespmem:s2+$0x1A0];
	v32 =	vor.u32 s14, v2;
	[tilespmem:v23+s24+$0x0] =	vst.idx.msk $0xffff, v22  }
0x2dd: {  	v60 =	vor.u32 s10, v3;
	v59 =	vld [tilespmem:s2+$0x1F0];
	[tilespmem:v26+s24+$0x0] =	vst.idx.msk $0xffff, v25  }
0x2de: {  	s31 =	sadd.s32 $0x9, s6;
	[tilespmem:v28+s24+$0x0] =	vst.idx.msk $0xffff, v27;
	v62 =	vld [tilespmem:s2+$0x10];
	v63 =	vor.u32 s6, v3  }
0x2df: {  	v24 =	vor.u32 s31, v2;
	[tilespmem:v58+s24+$0x0] =	vst.idx.msk $0xffff, v8;
	v8 =	vld [tilespmem:s2+$0x120]  }
0x2e0: {  	v37 =	vor.u32 s0, v3;
	[tilespmem:v30+s24+$0x0] =	vst.idx.msk $0xffff, v29;
	v36 =	vld [tilespmem:s2+$0x30]  }
0x2e1: {  	v39 =	vor.u32 s1, v3;
	[tilespmem:v32+s24+$0x0] =	vst.idx.msk $0xffff, v31;
	v38 =	vld [tilespmem:s2+$0x50]  }
0x2e2: {  	v41 =	vor.u32 s3, v3;
	v40 =	vld [tilespmem:s2+$0x70];
	[tilespmem:v60+s24+$0x0] =	vst.idx.msk $0xffff, v59  }
0x2e3: {  	s15 =	sadd.s32 $0xE, s6;
	v43 =	vor.u32 s4, v3;
	v42 =	vld [tilespmem:s2+$0x90];
	[tilespmem:v63+s24+$0x0] =	vst.idx.msk $0xffff, v62  }
0x2e4: {  	v33 =	vor.u32 s15, v2;
	[tilespmem:v24+s24+$0x0] =	vst.idx.msk $0xffff, v8;
	v8 =	vld [tilespmem:s2+$0x1C0]  }
0x2e5: {  	v46 =	vor.u32 s7, v3;
	v45 =	vld [tilespmem:s2+$0xD0];
	[tilespmem:v37+s24+$0x0] =	vst.idx.msk $0xffff, v36  }
0x2e6: {  	v48 =	vor.u32 s8, v3;
	v47 =	vld [tilespmem:s2+$0xF0];
	[tilespmem:v39+s24+$0x0] =	vst.idx.msk $0xffff, v38  }
0x2e7: {  	v50 =	vor.u32 s9, v3;
	v49 =	vld [tilespmem:s2+$0x110];
	[tilespmem:v41+s24+$0x0] =	vst.idx.msk $0xffff, v40  }
0x2e8: {  	v55 =	vor.u32 s12, v3;
	v54 =	vld [tilespmem:s2+$0x170];
	[tilespmem:v43+s24+$0x0] =	vst.idx.msk $0xffff, v42  }
0x2e9: {  	v44 =	vor.u32 s5, v3;
	[tilespmem:v33+s24+$0x0] =	vst.idx.msk $0xffff, v8;
	v8 =	vld [tilespmem:s2+$0xB0]  }
0x2ea: {  	v57 =	vor.u32 s13, v3;
	v56 =	vld [tilespmem:s2+$0x190];
	[tilespmem:v46+s24+$0x0] =	vst.idx.msk $0xffff, v45  }
0x2eb: {  	v58 =	vld [tilespmem:s2+$0x1B0];
	v59 =	vor.u32 s14, v3;
	[tilespmem:v48+s24+$0x0] =	vst.idx.msk $0xffff, v47  }
0x2ec: {  	v52 =	vor.u32 s31, v3;
	[tilespmem:v50+s24+$0x0] =	vst.idx.msk $0xffff, v49;
	v51 =	vld [tilespmem:s2+$0x130]  }
0x2ed: {  	v61 =	vor.u32 s15, v3;
	[tilespmem:v55+s24+$0x0] =	vst.idx.msk $0xffff, v54;
	v60 =	vld [tilespmem:s2+$0x1D0]  }
0x2ee: {  	p2 =	por $0x1, $0x1;
	v53 =	vor.u32 s11, v3;
	[tilespmem:v44+s24+$0x0] =	vst.idx.msk $0xffff, v8;
	v8 =	vld [tilespmem:s2+$0x150]  }
.Ltmp12:
0x2ef: {  	[tilespmem:v57+s24+$0x0] =	vst.idx.msk $0xffff, v56;
	(pc) =	sbr.rel @!p2 .LBB2_23-.Ltmp12, $4  }
0x2f0: {  	[tilespmem:v59+s24+$0x0] =	vst.idx.msk $0xffff, v58  }
0x2f1: {  	[tilespmem:v52+s24+$0x0] =	vst.idx.msk $0xffff, v51  }
0x2f2: {  	p0 =	por $0x0, $0x0;
	s7 =	simm.s32 $0xF;
	[tilespmem:v61+s24+$0x0] =	vst.idx.msk $0xffff, v60  }
0x2f3: {  	s6 =	simm.s32 $0x0;
	s15 =	simm.s32 $0x10;
	s2 =	simm.s32 $0x6400;
	[tilespmem:v53+s24+$0x0] =	vst.idx.msk $0xffff, v8  }
0x2f4: {  	v8 =	vld [tilespmem:s2+$0x1E0];
	v9 =	vor.u32 s7, v4;
	s0 =	simm.s32 $0x1  }
0x2f5: {  	v10 =	vld [tilespmem:s2+$0x20];
	s1 =	simm.s32 $0x2;
	v11 =	vor.u32 s0, v4  }
0x2f6: {  	v12 =	vld [tilespmem:s2+$0x40];
	s3 =	simm.s32 $0x3;
	v13 =	vor.u32 s1, v4  }
0x2f7: {  	v14 =	vld [tilespmem:s2+$0x60];
	s4 =	simm.s32 $0x4;
	v15 =	vor.u32 s3, v4  }
0x2f8: {  	v16 =	vld [tilespmem:s2+$0x80];
	s5 =	simm.s32 $0x5;
	v17 =	vor.u32 s4, v4  }
0x2f9: {  	v18 =	vld [tilespmem:s2+$0xA0];
	[tilespmem:v9+s24+$0x0] =	vst.idx.msk $0xffff, v8;
	v8 =	vor.u32 s5, v4  }
0x2fa: {  	s8 =	simm.s32 $0x6;
	v9 =	vld [tilespmem:s2+$0x1F0];
	[tilespmem:v11+s24+$0x0] =	vst.idx.msk $0xffff, v10;
	v10 =	vor.u32 s7, v5  }
0x2fb: {  	s9 =	simm.s32 $0x7;
	v11 =	vld [tilespmem:s2+$0xC0];
	[tilespmem:v13+s24+$0x0] =	vst.idx.msk $0xffff, v12;
	v12 =	vor.u32 s8, v4  }
0x2fc: {  	s10 =	simm.s32 $0x8;
	v13 =	vld [tilespmem:s2+$0xE0];
	[tilespmem:v15+s24+$0x0] =	vst.idx.msk $0xffff, v14;
	v14 =	vor.u32 s9, v4  }
0x2fd: {  	s11 =	simm.s32 $0x9;
	v15 =	vld [tilespmem:s2+$0x100];
	[tilespmem:v17+s24+$0x0] =	vst.idx.msk $0xffff, v16;
	v16 =	vor.u32 s10, v4  }
0x2fe: {  	s12 =	simm.s32 $0xA;
	v17 =	vld [tilespmem:s2+$0x120];
	[tilespmem:v8+s24+$0x0] =	vst.idx.msk $0xffff, v18;
	v8 =	vor.u32 s11, v4  }
0x2ff: {  	s13 =	simm.s32 $0xB;
	v19 =	vor.u32 s12, v4;
	v18 =	vld [tilespmem:s2+$0x140];
	[tilespmem:v10+s24+$0x0] =	vst.idx.msk $0xffff, v9  }
0x300: {  	s14 =	simm.s32 $0xC;
	v9 =	vld [tilespmem:s2+$0x160];
	[tilespmem:v12+s24+$0x0] =	vst.idx.msk $0xffff, v11;
	v10 =	vor.u32 s13, v4  }
0x301: {  	s16 =	simm.s32 $0xD;
	v11 =	vld [tilespmem:s2+$0x180];
	[tilespmem:v14+s24+$0x0] =	vst.idx.msk $0xffff, v13;
	v12 =	vor.u32 s14, v4  }
0x302: {  	s17 =	simm.s32 $0xE;
	v13 =	vld [tilespmem:s2+$0x1A0];
	[tilespmem:v16+s24+$0x0] =	vst.idx.msk $0xffff, v15;
	v14 =	vor.u32 s16, v4  }
0x303: {  	v15 =	vld [tilespmem:s2+$0x1C0];
	[tilespmem:v8+s24+$0x0] =	vst.idx.msk $0xffff, v17;
	v8 =	vor.u32 s17, v4  }
0x304: {  	v16 =	vld [tilespmem:s2+$0x0];
	v17 =	vor.u32 s6, v4;
	[tilespmem:v19+s24+$0x0] =	vst.idx.msk $0xffff, v18  }
0x305: {  	v18 =	vld [tilespmem:s2+$0x30];
	v19 =	vor.u32 s0, v5;
	[tilespmem:v10+s24+$0x0] =	vst.idx.msk $0xffff, v9  }
0x306: {  	v9 =	vld [tilespmem:s2+$0x50];
	v10 =	vor.u32 s1, v5;
	[tilespmem:v12+s24+$0x0] =	vst.idx.msk $0xffff, v11  }
0x307: {  	v11 =	vld [tilespmem:s2+$0x70];
	v12 =	vor.u32 s3, v5;
	[tilespmem:v14+s24+$0x0] =	vst.idx.msk $0xffff, v13  }
0x308: {  	v13 =	vld [tilespmem:s2+$0x90];
	v14 =	vor.u32 s4, v5;
	[tilespmem:v8+s24+$0x0] =	vst.idx.msk $0xffff, v15  }
0x309: {  	v22 =	vor.u32 s12, v5;
	v21 =	vld [tilespmem:s2+$0x150];
	[tilespmem:v17+s24+$0x0] =	vst.idx.msk $0xffff, v16  }
0x30a: {  	v16 =	vld [tilespmem:s2+$0xD0];
	[tilespmem:v19+s24+$0x0] =	vst.idx.msk $0xffff, v18;
	v17 =	vor.u32 s8, v5  }
0x30b: {  	v8 =	vld [tilespmem:s2+$0xB0];
	v15 =	vor.u32 s5, v5;
	[tilespmem:v10+s24+$0x0] =	vst.idx.msk $0xffff, v9  }
0x30c: {  	v18 =	vld [tilespmem:s2+$0xF0];
	v9 =	vor.u32 s9, v5;
	[tilespmem:v12+s24+$0x0] =	vst.idx.msk $0xffff, v11  }
0x30d: {  	v19 =	vld [tilespmem:s2+$0x110];
	v12 =	vor.u32 s10, v5;
	[tilespmem:v14+s24+$0x0] =	vst.idx.msk $0xffff, v13  }
0x30e: {  	p4 =	por $0x1, $0x1;
	v20 =	vld [tilespmem:s2+$0x130];
	v13 =	vor.u32 s11, v5;
	[tilespmem:v22+s24+$0x0] =	vst.idx.msk $0xffff, v21  }
.Ltmp13:
0x30f: {  	v11 =	vld [tilespmem:s2+$0x170];
	[tilespmem:v17+s24+$0x0] =	vst.idx.msk $0xffff, v16;
	v17 =	vor.u32 s13, v5;
	(pc) =	sbr.rel @!p4 .LBB2_25-.Ltmp13, $4  }
0x310: {  	v10 =	vld [tilespmem:s2+$0x190];
	[tilespmem:v15+s24+$0x0] =	vst.idx.msk $0xffff, v8;
	v15 =	vor.u32 s14, v5  }
0x311: {  	v16 =	vor.u32 s16, v5;
	[tilespmem:v9+s24+$0x0] =	vst.idx.msk $0xffff, v18;
	v9 =	vld [tilespmem:s2+$0x1B0]  }
0x312: {  	p3 =	por $0x1, $0x1;
	v14 =	vor.u32 s17, v5;
	s11 =	simm.s32 $0x10;
	v8 =	vld [tilespmem:s2+$0x1D0];
	[tilespmem:v12+s24+$0x0] =	vst.idx.msk $0xffff, v19  }
0x313: {  	s14 =	simm.s32 $0x1F;
	s13 =	simm.s32 $0x20;
	[tilespmem:v13+s24+$0x0] =	vst.idx.msk $0xffff, v20;
	v12 =	vld [tilespmem:s2+$0x10];
	v13 =	vor.u32 s6, v5;
	s2 =	simm.s32 $0x6600  }
.LBB2_26:
0x314: {  	p4 =	slt.u32 s13, $0x70;
	s5 =	sadd.s32 $0x1, s11;
	v18 =	vld [tilespmem:s2+$0x1E0];
	v19 =	vor.u32 s14, v4;
	[tilespmem:v17+s24+$0x0] =	vst.idx.msk $0xffff, v11;
	s12 =	smov.u32 s11  }
0x315: {  	s11 =	smov.u32 s13;
	v11 =	vld [tilespmem:s2+$0x20];
	v17 =	vor.u32 s5, v4;
	s8 =	sadd.s32 $0x2, s12;
	[tilespmem:v15+s24+$0x0] =	vst.idx.msk $0xffff, v10  }
0x316: {  	s9 =	sadd.s32 $0x3, s12;
	v10 =	vld [tilespmem:s2+$0x40];
	v15 =	vor.u32 s8, v4;
	[tilespmem:v16+s24+$0x0] =	vst.idx.msk $0xffff, v9  }
0x317: {  	s3 =	sadd.s32 $0x4, s12;
	v16 =	vor.u32 s9, v4;
	v9 =	vld [tilespmem:s2+$0x60];
	[tilespmem:v14+s24+$0x0] =	vst.idx.msk $0xffff, v8  }
0x318: {  	s4 =	sadd.s32 $0x5, s12;
	v14 =	vor.u32 s3, v4;
	v8 =	vld [tilespmem:s2+$0x80];
	[tilespmem:v13+s24+$0x0] =	vst.idx.msk $0xffff, v12  }
0x319: {  	v13 =	vor.u32 s4, v4;
	v12 =	vld [tilespmem:s2+$0xA0];
	[tilespmem:v19+s24+$0x0] =	vst.idx.msk $0xffff, v18  }
0x31a: {  	s1 =	sadd.s32 $0x6, s12;
	[tilespmem:v17+s24+$0x0] =	vst.idx.msk $0xffff, v11;
	v11 =	vld [tilespmem:s2+$0x1F0];
	v17 =	vor.u32 s14, v5  }
0x31b: {  	s10 =	sadd.s32 $0x7, s12;
	[tilespmem:v15+s24+$0x0] =	vst.idx.msk $0xffff, v10;
	v10 =	vld [tilespmem:s2+$0xC0];
	v15 =	vor.u32 s1, v4  }
0x31c: {  	s0 =	sadd.s32 $0x8, s12;
	[tilespmem:v16+s24+$0x0] =	vst.idx.msk $0xffff, v9;
	v9 =	vld [tilespmem:s2+$0xE0];
	v16 =	vor.u32 s10, v4  }
0x31d: {  	s14 =	sadd.s32 $0x9, s12;
	[tilespmem:v14+s24+$0x0] =	vst.idx.msk $0xffff, v8;
	v8 =	vld [tilespmem:s2+$0x100];
	v14 =	vor.u32 s0, v4  }
0x31e: {  	s16 =	sadd.s32 $0xA, s12;
	[tilespmem:v13+s24+$0x0] =	vst.idx.msk $0xffff, v12;
	v12 =	vld [tilespmem:s2+$0x120];
	v13 =	vor.u32 s14, v4  }
0x31f: {  	s17 =	sadd.s32 $0xB, s12;
	v19 =	vor.u32 s16, v4;
	v18 =	vld [tilespmem:s2+$0x140];
	[tilespmem:v17+s24+$0x0] =	vst.idx.msk $0xffff, v11  }
0x320: {  	s18 =	sadd.s32 $0xC, s12;
	v11 =	vor.u32 s17, v4;
	[tilespmem:v15+s24+$0x0] =	vst.idx.msk $0xffff, v10;
	v10 =	vld [tilespmem:s2+$0x160]  }
0x321: {  	s20 =	sadd.s32 $0xD, s12;
	v15 =	vor.u32 s18, v4;
	[tilespmem:v16+s24+$0x0] =	vst.idx.msk $0xffff, v9;
	v9 =	vld [tilespmem:s2+$0x180]  }
0x322: {  	s21 =	sadd.s32 $0xE, s12;
	[tilespmem:v14+s24+$0x0] =	vst.idx.msk $0xffff, v8;
	v8 =	vld [tilespmem:s2+$0x1A0];
	v14 =	vor.u32 s20, v4  }
0x323: {  	[tilespmem:v13+s24+$0x0] =	vst.idx.msk $0xffff, v12;
	v12 =	vld [tilespmem:s2+$0x1C0];
	v13 =	vor.u32 s21, v4  }
0x324: {  	v17 =	vor.u32 s12, v4;
	v16 =	vld [tilespmem:s2+$0x0];
	[tilespmem:v19+s24+$0x0] =	vst.idx.msk $0xffff, v18  }
0x325: {  	v19 =	vor.u32 s5, v5;
	v18 =	vld [tilespmem:s2+$0x30];
	[tilespmem:v11+s24+$0x0] =	vst.idx.msk $0xffff, v10  }
0x326: {  	v11 =	vor.u32 s8, v5;
	v10 =	vld [tilespmem:s2+$0x50];
	[tilespmem:v15+s24+$0x0] =	vst.idx.msk $0xffff, v9  }
0x327: {  	v15 =	vor.u32 s9, v5;
	v9 =	vld [tilespmem:s2+$0x70];
	[tilespmem:v14+s24+$0x0] =	vst.idx.msk $0xffff, v8  }
0x328: {  	v14 =	vor.u32 s3, v5;
	v8 =	vld [tilespmem:s2+$0x90];
	[tilespmem:v13+s24+$0x0] =	vst.idx.msk $0xffff, v12  }
0x329: {  	v13 =	vor.u32 s4, v5;
	[tilespmem:v17+s24+$0x0] =	vst.idx.msk $0xffff, v16;
	v12 =	vld [tilespmem:s2+$0xB0]  }
0x32a: {  	v17 =	vor.u32 s1, v5;
	[tilespmem:v19+s24+$0x0] =	vst.idx.msk $0xffff, v18;
	v16 =	vld [tilespmem:s2+$0xD0]  }
0x32b: {  	v18 =	vor.u32 s10, v5;
	[tilespmem:v11+s24+$0x0] =	vst.idx.msk $0xffff, v10;
	v10 =	vld [tilespmem:s2+$0xF0]  }
0x32c: {  	v19 =	vor.u32 s0, v5;
	[tilespmem:v15+s24+$0x0] =	vst.idx.msk $0xffff, v9;
	v9 =	vld [tilespmem:s2+$0x110]  }
0x32d: {  	[tilespmem:v14+s24+$0x0] =	vst.idx.msk $0xffff, v8;
	v8 =	vld [tilespmem:s2+$0x130];
	v14 =	vor.u32 s14, v5  }
0x32e: {  	v21 =	vor.u32 s16, v5;
	[tilespmem:v13+s24+$0x0] =	vst.idx.msk $0xffff, v12;
	v20 =	vld [tilespmem:s2+$0x150]  }
.Ltmp14:
0x32f: {  	[tilespmem:v17+s24+$0x0] =	vst.idx.msk $0xffff, v16;
	v11 =	vld [tilespmem:s2+$0x170];
	v17 =	vor.u32 s17, v5;
	(pc) =	sbr.rel @p4 .LBB2_26-.Ltmp14, $4  }
0x330: {  	v15 =	vor.u32 s18, v5;
	[tilespmem:v18+s24+$0x0] =	vst.idx.msk $0xffff, v10;
	v10 =	vld [tilespmem:s2+$0x190]  }
0x331: {  	v16 =	vor.u32 s20, v5;
	[tilespmem:v19+s24+$0x0] =	vst.idx.msk $0xffff, v9;
	v9 =	vld [tilespmem:s2+$0x1B0]  }
0x332: {  	[tilespmem:v14+s24+$0x0] =	vst.idx.msk $0xffff, v8;
	v8 =	vld [tilespmem:s2+$0x1D0];
	v14 =	vor.u32 s21, v5  }
0x333: {  	s13 =	sadd.s32 $0x10, s13;
	s14 =	sadd.s32 $0xF, s11;
	v13 =	vor.u32 s12, v5;
	v12 =	vld [tilespmem:s2+$0x10];
	[tilespmem:v21+s24+$0x0] =	vst.idx.msk $0xffff, v20;
	s2 =	sadd.s32 $0x200, s2  }
0x334: {  	s20 =	rddreg [dreg:$0xe]  }
.LBB2_28:
0x335: {  	_ =	sdelay $0x3  }
0x336: {  	v18 =	vld [tilespmem:s2+$0x1E0];
	v19 =	vor.u32 s14, v4;
	[tilespmem:v17+s24+$0x0] =	vst.idx.msk @p3 $0xffff, v11  }
0x337: {  	s0 =	sadd.s32 $0x1, s11;
	[tilespmem:v15+s24+$0x0] =	vst.idx.msk @p3 $0xffff, v10;
	v35 =	vld [tilespmem:s2+$0x0];
	v36 =	vor.u32 s11, v4  }
0x338: {  	v51 =	vld [tilespmem:s2+$0x20];
	s1 =	sadd.s32 $0x2, s11;
	v52 =	vor.u32 s0, v4;
	[tilespmem:v16+s24+$0x0] =	vst.idx.msk @p3 $0xffff, v9  }
0x339: {  	v53 =	vld [tilespmem:s2+$0x40];
	s3 =	sadd.s32 $0x3, s11;
	v54 =	vor.u32 s1, v4;
	[tilespmem:v14+s24+$0x0] =	vst.idx.msk @p3 $0xffff, v8  }
0x33a: {  	v55 =	vld [tilespmem:s2+$0x60];
	s5 =	sadd.s32 $0x5, s11;
	v56 =	vor.u32 s3, v4;
	[tilespmem:v13+s24+$0x0] =	vst.idx.msk @p3 $0xffff, v12  }
0x33b: {  	s4 =	sadd.s32 $0x4, s11;
	v58 =	vld [tilespmem:s2+$0xA0];
	v59 =	vor.u32 s5, v4;
	[tilespmem:v19+s24+$0x0] =	vst.idx.msk $0xffff, v18  }
0x33c: {  	s8 =	sadd.s32 $0x6, s11;
	v57 =	vor.u32 s4, v4;
	v8 =	vld [tilespmem:s2+$0x80];
	[tilespmem:v36+s24+$0x0] =	vst.idx.msk $0xffff, v35  }
0x33d: {  	v62 =	vld [tilespmem:s2+$0xC0];
	s9 =	sadd.s32 $0x7, s11;
	v63 =	vor.u32 s8, v4;
	[tilespmem:v52+s24+$0x0] =	vst.idx.msk $0xffff, v51  }
0x33e: {  	v21 =	vld [tilespmem:s2+$0xE0];
	s12 =	sadd.s32 $0x9, s11;
	v22 =	vor.u32 s9, v4;
	[tilespmem:v54+s24+$0x0] =	vst.idx.msk $0xffff, v53  }
0x33f: {  	v24 =	vld [tilespmem:s2+$0x120];
	s13 =	sadd.s32 $0xA, s11;
	v25 =	vor.u32 s12, v4;
	[tilespmem:v56+s24+$0x0] =	vst.idx.msk $0xffff, v55  }
0x340: {  	s10 =	sadd.s32 $0x8, s11;
	v26 =	vld [tilespmem:s2+$0x140];
	v27 =	vor.u32 s13, v4;
	[tilespmem:v59+s24+$0x0] =	vst.idx.msk $0xffff, v58  }
0x341: {  	s31 =	sadd.s32 $0xB, s11;
	v23 =	vor.u32 s10, v4;
	[tilespmem:v57+s24+$0x0] =	vst.idx.msk $0xffff, v8;
	v8 =	vld [tilespmem:s2+$0x100]  }
0x342: {  	v28 =	vld [tilespmem:s2+$0x160];
	s16 =	sadd.s32 $0xC, s11;
	v29 =	vor.u32 s31, v4;
	[tilespmem:v63+s24+$0x0] =	vst.idx.msk $0xffff, v62  }
0x343: {  	v30 =	vld [tilespmem:s2+$0x180];
	s18 =	sadd.s32 $0xE, s11;
	v31 =	vor.u32 s16, v4;
	[tilespmem:v22+s24+$0x0] =	vst.idx.msk $0xffff, v21  }
0x344: {  	v33 =	vld [tilespmem:s2+$0x1C0];
	v34 =	vor.u32 s18, v4;
	[tilespmem:v25+s24+$0x0] =	vst.idx.msk $0xffff, v24  }
0x345: {  	v61 =	vor.u32 s14, v5;
	s17 =	sadd.s32 $0xD, s11;
	v60 =	vld [tilespmem:s2+$0x1F0];
	[tilespmem:v27+s24+$0x0] =	vst.idx.msk $0xffff, v26  }
0x346: {  	v32 =	vor.u32 s17, v4;
	[tilespmem:v23+s24+$0x0] =	vst.idx.msk $0xffff, v8;
	v8 =	vld [tilespmem:s2+$0x1A0]  }
0x347: {  	[tilespmem:v29+s24+$0x0] =	vst.idx.msk $0xffff, v28;
	v62 =	vld [tilespmem:s2+$0x10];
	v63 =	vor.u32 s11, v5  }
0x348: {  	v38 =	vor.u32 s0, v5;
	[tilespmem:v31+s24+$0x0] =	vst.idx.msk $0xffff, v30;
	v37 =	vld [tilespmem:s2+$0x30]  }
0x349: {  	v40 =	vor.u32 s1, v5;
	[tilespmem:v34+s24+$0x0] =	vst.idx.msk $0xffff, v33;
	v39 =	vld [tilespmem:s2+$0x50]  }
0x34a: {  	v42 =	vor.u32 s3, v5;
	v41 =	vld [tilespmem:s2+$0x70];
	[tilespmem:v61+s24+$0x0] =	vst.idx.msk $0xffff, v60  }
0x34b: {  	v43 =	vor.u32 s4, v5;
	[tilespmem:v32+s24+$0x0] =	vst.idx.msk $0xffff, v8;
	v8 =	vld [tilespmem:s2+$0x90]  }
0x34c: {  	v45 =	vor.u32 s5, v5;
	v44 =	vld [tilespmem:s2+$0xB0];
	[tilespmem:v63+s24+$0x0] =	vst.idx.msk $0xffff, v62  }
0x34d: {  	v47 =	vor.u32 s8, v5;
	v46 =	vld [tilespmem:s2+$0xD0];
	[tilespmem:v38+s24+$0x0] =	vst.idx.msk $0xffff, v37  }
0x34e: {  	v49 =	vor.u32 s9, v5;
	v48 =	vld [tilespmem:s2+$0xF0];
	[tilespmem:v40+s24+$0x0] =	vst.idx.msk $0xffff, v39  }
0x34f: {  	v54 =	vor.u32 s13, v5;
	v53 =	vld [tilespmem:s2+$0x150];
	[tilespmem:v42+s24+$0x0] =	vst.idx.msk $0xffff, v41  }
0x350: {  	v52 =	vor.u32 s12, v5;
	[tilespmem:v43+s24+$0x0] =	vst.idx.msk $0xffff, v8;
	v8 =	vld [tilespmem:s2+$0x130]  }
0x351: {  	v56 =	vor.u32 s31, v5;
	v55 =	vld [tilespmem:s2+$0x170];
	[tilespmem:v45+s24+$0x0] =	vst.idx.msk $0xffff, v44  }
0x352: {  	v58 =	vor.u32 s16, v5;
	v57 =	vld [tilespmem:s2+$0x190];
	[tilespmem:v47+s24+$0x0] =	vst.idx.msk $0xffff, v46  }
0x353: {  	v51 =	vor.u32 s10, v5;
	[tilespmem:v49+s24+$0x0] =	vst.idx.msk $0xffff, v48;
	v50 =	vld [tilespmem:s2+$0x110]  }
0x354: {  	v60 =	vor.u32 s17, v5;
	[tilespmem:v54+s24+$0x0] =	vst.idx.msk $0xffff, v53;
	v59 =	vld [tilespmem:s2+$0x1B0]  }
0x355: {  	v61 =	vor.u32 s18, v5;
	[tilespmem:v52+s24+$0x0] =	vst.idx.msk $0xffff, v8;
	v8 =	vld [tilespmem:s2+$0x1D0]  }
.Ltmp15:
0x356: {  	[tilespmem:v56+s24+$0x0] =	vst.idx.msk $0xffff, v55;
	(pc) =	sbr.rel @!p2 .LBB2_29-.Ltmp15, $4  }
0x357: {  	[tilespmem:v58+s24+$0x0] =	vst.idx.msk $0xffff, v57  }
0x358: {  	[tilespmem:v51+s24+$0x0] =	vst.idx.msk $0xffff, v50  }
0x359: {  	[tilespmem:v60+s24+$0x0] =	vst.idx.msk $0xffff, v59  }
0x35a: {  	s2 =	simm.s32 $0x7400;
	[tilespmem:v61+s24+$0x0] =	vst.idx.msk $0xffff, v8  }
0x35b: {  	v8 =	vld [tilespmem:s2+$0x1E0];
	v9 =	vor.u32 s7, v6;
	s0 =	simm.s32 $0x1  }
0x35c: {  	v10 =	vld [tilespmem:s2+$0x20];
	s1 =	simm.s32 $0x2;
	v11 =	vor.u32 s0, v6  }
0x35d: {  	v12 =	vld [tilespmem:s2+$0x40];
	s3 =	simm.s32 $0x3;
	v13 =	vor.u32 s1, v6  }
0x35e: {  	v14 =	vld [tilespmem:s2+$0x60];
	s4 =	simm.s32 $0x4;
	v15 =	vor.u32 s3, v6  }
0x35f: {  	v16 =	vld [tilespmem:s2+$0x80];
	s5 =	simm.s32 $0x5;
	v17 =	vor.u32 s4, v6  }
0x360: {  	v18 =	vld [tilespmem:s2+$0xA0];
	[tilespmem:v9+s24+$0x0] =	vst.idx.msk $0xffff, v8;
	v8 =	vor.u32 s5, v6  }
0x361: {  	s8 =	simm.s32 $0x6;
	v9 =	vld [tilespmem:s2+$0x1F0];
	[tilespmem:v11+s24+$0x0] =	vst.idx.msk $0xffff, v10;
	v10 =	vor.u32 s7, v7  }
0x362: {  	s31 =	simm.s32 $0x7;
	v11 =	vld [tilespmem:s2+$0xC0];
	[tilespmem:v13+s24+$0x0] =	vst.idx.msk $0xffff, v12;
	v12 =	vor.u32 s8, v6  }
0x363: {  	s9 =	simm.s32 $0x8;
	v13 =	vld [tilespmem:s2+$0xE0];
	[tilespmem:v15+s24+$0x0] =	vst.idx.msk $0xffff, v14;
	v14 =	vor.u32 s31, v6  }
0x364: {  	s10 =	simm.s32 $0x9;
	v15 =	vld [tilespmem:s2+$0x100];
	[tilespmem:v17+s24+$0x0] =	vst.idx.msk $0xffff, v16;
	v16 =	vor.u32 s9, v6  }
0x365: {  	s11 =	simm.s32 $0xA;
	v17 =	vld [tilespmem:s2+$0x120];
	[tilespmem:v8+s24+$0x0] =	vst.idx.msk $0xffff, v18;
	v8 =	vor.u32 s10, v6  }
0x366: {  	s12 =	simm.s32 $0xB;
	v19 =	vor.u32 s11, v6;
	v18 =	vld [tilespmem:s2+$0x140];
	[tilespmem:v10+s24+$0x0] =	vst.idx.msk $0xffff, v9  }
0x367: {  	s13 =	simm.s32 $0xC;
	v9 =	vld [tilespmem:s2+$0x160];
	[tilespmem:v12+s24+$0x0] =	vst.idx.msk $0xffff, v11;
	v10 =	vor.u32 s12, v6  }
0x368: {  	s14 =	simm.s32 $0xD;
	v11 =	vld [tilespmem:s2+$0x180];
	[tilespmem:v14+s24+$0x0] =	vst.idx.msk $0xffff, v13;
	v12 =	vor.u32 s13, v6  }
0x369: {  	s16 =	simm.s32 $0xE;
	v13 =	vld [tilespmem:s2+$0x1A0];
	[tilespmem:v16+s24+$0x0] =	vst.idx.msk $0xffff, v15;
	v14 =	vor.u32 s14, v6  }
0x36a: {  	v15 =	vld [tilespmem:s2+$0x1C0];
	[tilespmem:v8+s24+$0x0] =	vst.idx.msk $0xffff, v17;
	v8 =	vor.u32 s16, v6  }
0x36b: {  	v16 =	vld [tilespmem:s2+$0x0];
	v17 =	vor.u32 s6, v6;
	[tilespmem:v19+s24+$0x0] =	vst.idx.msk $0xffff, v18  }
0x36c: {  	v18 =	vld [tilespmem:s2+$0x30];
	v19 =	vor.u32 s0, v7;
	[tilespmem:v10+s24+$0x0] =	vst.idx.msk $0xffff, v9  }
0x36d: {  	v9 =	vld [tilespmem:s2+$0x50];
	v10 =	vor.u32 s1, v7;
	[tilespmem:v12+s24+$0x0] =	vst.idx.msk $0xffff, v11  }
0x36e: {  	v11 =	vld [tilespmem:s2+$0x70];
	v12 =	vor.u32 s3, v7;
	[tilespmem:v14+s24+$0x0] =	vst.idx.msk $0xffff, v13  }
0x36f: {  	v13 =	vld [tilespmem:s2+$0x90];
	v14 =	vor.u32 s4, v7;
	[tilespmem:v8+s24+$0x0] =	vst.idx.msk $0xffff, v15  }
0x370: {  	v22 =	vor.u32 s11, v7;
	v21 =	vld [tilespmem:s2+$0x150];
	[tilespmem:v17+s24+$0x0] =	vst.idx.msk $0xffff, v16  }
0x371: {  	v16 =	vld [tilespmem:s2+$0xD0];
	[tilespmem:v19+s24+$0x0] =	vst.idx.msk $0xffff, v18;
	v17 =	vor.u32 s8, v7  }
0x372: {  	v8 =	vld [tilespmem:s2+$0xB0];
	v15 =	vor.u32 s5, v7;
	[tilespmem:v10+s24+$0x0] =	vst.idx.msk $0xffff, v9  }
0x373: {  	v18 =	vld [tilespmem:s2+$0xF0];
	v9 =	vor.u32 s31, v7;
	[tilespmem:v12+s24+$0x0] =	vst.idx.msk $0xffff, v11  }
0x374: {  	v20 =	vld [tilespmem:s2+$0x130];
	[tilespmem:v14+s24+$0x0] =	vst.idx.msk $0xffff, v13;
	v13 =	vor.u32 s10, v7  }
0x375: {  	p2 =	por $0x1, $0x1;
	v19 =	vld [tilespmem:s2+$0x110];
	v11 =	vor.u32 s9, v7;
	[tilespmem:v22+s24+$0x0] =	vst.idx.msk $0xffff, v21  }
.Ltmp16:
0x376: {  	v12 =	vld [tilespmem:s2+$0x170];
	[tilespmem:v17+s24+$0x0] =	vst.idx.msk $0xffff, v16;
	v17 =	vor.u32 s12, v7;
	(pc) =	sbr.rel @!p2 .LBB2_31-.Ltmp16, $4  }
0x377: {  	v10 =	vld [tilespmem:s2+$0x190];
	[tilespmem:v15+s24+$0x0] =	vst.idx.msk $0xffff, v8;
	v15 =	vor.u32 s13, v7  }
0x378: {  	v16 =	vor.u32 s14, v7;
	[tilespmem:v9+s24+$0x0] =	vst.idx.msk $0xffff, v18;
	v9 =	vld [tilespmem:s2+$0x1B0]  }
0x379: {  	p0 =	por $0x1, $0x1;
	s18 =	simm.s32 $0x0;
	v8 =	vld [tilespmem:s2+$0x1D0];
	[tilespmem:v13+s24+$0x0] =	vst.idx.msk $0xffff, v20;
	v13 =	vor.u32 s16, v7  }
0x37a: {  	s11 =	simm.s32 $0x20;
	s7 =	simm.s32 $0x1F;
	v14 =	vor.u32 s6, v7;
	[tilespmem:v11+s24+$0x0] =	vst.idx.msk $0xffff, v19;
	v11 =	vld [tilespmem:s2+$0x10];
	s2 =	simm.s32 $0x7600  }
.LBB2_32:
0x37b: {  	p2 =	slt.u32 s11, $0x70;
	s5 =	sadd.s32 $0x1, s15;
	v18 =	vld [tilespmem:s2+$0x1E0];
	v19 =	vor.u32 s7, v6;
	[tilespmem:v17+s24+$0x0] =	vst.idx.msk $0xffff, v12;
	s6 =	smov.u32 s15  }
0x37c: {  	s15 =	smov.u32 s11;
	v12 =	vld [tilespmem:s2+$0x20];
	v17 =	vor.u32 s5, v6;
	s8 =	sadd.s32 $0x2, s6;
	[tilespmem:v15+s24+$0x0] =	vst.idx.msk $0xffff, v10  }
0x37d: {  	s9 =	sadd.s32 $0x3, s6;
	v10 =	vld [tilespmem:s2+$0x40];
	v15 =	vor.u32 s8, v6;
	[tilespmem:v16+s24+$0x0] =	vst.idx.msk $0xffff, v9  }
0x37e: {  	s3 =	sadd.s32 $0x4, s6;
	v16 =	vor.u32 s9, v6;
	v9 =	vld [tilespmem:s2+$0x60];
	[tilespmem:v13+s24+$0x0] =	vst.idx.msk $0xffff, v8  }
0x37f: {  	s4 =	sadd.s32 $0x5, s6;
	v13 =	vor.u32 s3, v6;
	v8 =	vld [tilespmem:s2+$0x80];
	[tilespmem:v14+s24+$0x0] =	vst.idx.msk $0xffff, v11  }
0x380: {  	v14 =	vor.u32 s4, v6;
	v11 =	vld [tilespmem:s2+$0xA0];
	[tilespmem:v19+s24+$0x0] =	vst.idx.msk $0xffff, v18  }
0x381: {  	s1 =	sadd.s32 $0x6, s6;
	[tilespmem:v17+s24+$0x0] =	vst.idx.msk $0xffff, v12;
	v12 =	vld [tilespmem:s2+$0x1F0];
	v17 =	vor.u32 s7, v7  }
0x382: {  	s7 =	sadd.s32 $0x7, s6;
	[tilespmem:v15+s24+$0x0] =	vst.idx.msk $0xffff, v10;
	v10 =	vld [tilespmem:s2+$0xC0];
	v15 =	vor.u32 s1, v6  }
0x383: {  	s0 =	sadd.s32 $0x8, s6;
	[tilespmem:v16+s24+$0x0] =	vst.idx.msk $0xffff, v9;
	v9 =	vld [tilespmem:s2+$0xE0];
	v16 =	vor.u32 s7, v6  }
0x384: {  	s10 =	sadd.s32 $0x9, s6;
	[tilespmem:v13+s24+$0x0] =	vst.idx.msk $0xffff, v8;
	v8 =	vld [tilespmem:s2+$0x100];
	v13 =	vor.u32 s0, v6  }
0x385: {  	s12 =	sadd.s32 $0xA, s6;
	[tilespmem:v14+s24+$0x0] =	vst.idx.msk $0xffff, v11;
	v11 =	vld [tilespmem:s2+$0x120];
	v14 =	vor.u32 s10, v6  }
0x386: {  	s13 =	sadd.s32 $0xB, s6;
	v19 =	vor.u32 s12, v6;
	v18 =	vld [tilespmem:s2+$0x140];
	[tilespmem:v17+s24+$0x0] =	vst.idx.msk $0xffff, v12  }
0x387: {  	s14 =	sadd.s32 $0xC, s6;
	v12 =	vor.u32 s13, v6;
	[tilespmem:v15+s24+$0x0] =	vst.idx.msk $0xffff, v10;
	v10 =	vld [tilespmem:s2+$0x160]  }
0x388: {  	s16 =	sadd.s32 $0xD, s6;
	v15 =	vor.u32 s14, v6;
	[tilespmem:v16+s24+$0x0] =	vst.idx.msk $0xffff, v9;
	v9 =	vld [tilespmem:s2+$0x180]  }
0x389: {  	s17 =	sadd.s32 $0xE, s6;
	[tilespmem:v13+s24+$0x0] =	vst.idx.msk $0xffff, v8;
	v8 =	vld [tilespmem:s2+$0x1A0];
	v13 =	vor.u32 s16, v6  }
0x38a: {  	[tilespmem:v14+s24+$0x0] =	vst.idx.msk $0xffff, v11;
	v11 =	vld [tilespmem:s2+$0x1C0];
	v14 =	vor.u32 s17, v6  }
0x38b: {  	v17 =	vor.u32 s6, v6;
	v16 =	vld [tilespmem:s2+$0x0];
	[tilespmem:v19+s24+$0x0] =	vst.idx.msk $0xffff, v18  }
0x38c: {  	v19 =	vor.u32 s5, v7;
	v18 =	vld [tilespmem:s2+$0x30];
	[tilespmem:v12+s24+$0x0] =	vst.idx.msk $0xffff, v10  }
0x38d: {  	v12 =	vor.u32 s8, v7;
	v10 =	vld [tilespmem:s2+$0x50];
	[tilespmem:v15+s24+$0x0] =	vst.idx.msk $0xffff, v9  }
0x38e: {  	v15 =	vor.u32 s9, v7;
	v9 =	vld [tilespmem:s2+$0x70];
	[tilespmem:v13+s24+$0x0] =	vst.idx.msk $0xffff, v8  }
0x38f: {  	v13 =	vor.u32 s3, v7;
	v8 =	vld [tilespmem:s2+$0x90];
	[tilespmem:v14+s24+$0x0] =	vst.idx.msk $0xffff, v11  }
0x390: {  	v14 =	vor.u32 s4, v7;
	[tilespmem:v17+s24+$0x0] =	vst.idx.msk $0xffff, v16;
	v11 =	vld [tilespmem:s2+$0xB0]  }
0x391: {  	v17 =	vor.u32 s1, v7;
	[tilespmem:v19+s24+$0x0] =	vst.idx.msk $0xffff, v18;
	v16 =	vld [tilespmem:s2+$0xD0]  }
0x392: {  	v18 =	vor.u32 s7, v7;
	[tilespmem:v12+s24+$0x0] =	vst.idx.msk $0xffff, v10;
	v10 =	vld [tilespmem:s2+$0xF0]  }
0x393: {  	v19 =	vor.u32 s0, v7;
	[tilespmem:v15+s24+$0x0] =	vst.idx.msk $0xffff, v9;
	v9 =	vld [tilespmem:s2+$0x110]  }
0x394: {  	[tilespmem:v13+s24+$0x0] =	vst.idx.msk $0xffff, v8;
	v8 =	vld [tilespmem:s2+$0x130];
	v13 =	vor.u32 s10, v7  }
0x395: {  	v21 =	vor.u32 s12, v7;
	[tilespmem:v14+s24+$0x0] =	vst.idx.msk $0xffff, v11;
	v20 =	vld [tilespmem:s2+$0x150]  }
.Ltmp17:
0x396: {  	[tilespmem:v17+s24+$0x0] =	vst.idx.msk $0xffff, v16;
	v12 =	vld [tilespmem:s2+$0x170];
	v17 =	vor.u32 s13, v7;
	(pc) =	sbr.rel @p2 .LBB2_32-.Ltmp17, $4  }
0x397: {  	v15 =	vor.u32 s14, v7;
	[tilespmem:v18+s24+$0x0] =	vst.idx.msk $0xffff, v10;
	v10 =	vld [tilespmem:s2+$0x190]  }
0x398: {  	v16 =	vor.u32 s16, v7;
	[tilespmem:v19+s24+$0x0] =	vst.idx.msk $0xffff, v9;
	v9 =	vld [tilespmem:s2+$0x1B0]  }
0x399: {  	[tilespmem:v13+s24+$0x0] =	vst.idx.msk $0xffff, v8;
	v8 =	vld [tilespmem:s2+$0x1D0];
	v13 =	vor.u32 s17, v7  }
0x39a: {  	s11 =	sadd.s32 $0x10, s11;
	s7 =	sadd.s32 $0xF, s15;
	v14 =	vor.u32 s6, v7;
	v11 =	vld [tilespmem:s2+$0x10];
	[tilespmem:v21+s24+$0x0] =	vst.idx.msk $0xffff, v20;
	s2 =	sadd.s32 $0x200, s2  }
0x39b: {  	s6 =	smov.u32 s15  }
.LBB2_34:
0x39c: {  	_ =	sdelay $0x3  }
0x39d: {  	v18 =	vld [tilespmem:s2+$0x1E0];
	v19 =	vor.u32 s7, v6;
	[tilespmem:v17+s24+$0x0] =	vst.idx.msk @p0 $0xffff, v12  }
0x39e: {  	s0 =	sadd.s32 $0x1, s6;
	[tilespmem:v15+s24+$0x0] =	vst.idx.msk @p0 $0xffff, v10;
	v35 =	vld [tilespmem:s2+$0x0];
	v36 =	vor.u32 s6, v6  }
0x39f: {  	v51 =	vld [tilespmem:s2+$0x20];
	s1 =	sadd.s32 $0x2, s6;
	v52 =	vor.u32 s0, v6;
	[tilespmem:v16+s24+$0x0] =	vst.idx.msk @p0 $0xffff, v9  }
0x3a0: {  	v53 =	vld [tilespmem:s2+$0x40];
	s3 =	sadd.s32 $0x3, s6;
	v54 =	vor.u32 s1, v6;
	[tilespmem:v13+s24+$0x0] =	vst.idx.msk @p0 $0xffff, v8  }
0x3a1: {  	v55 =	vld [tilespmem:s2+$0x60];
	s5 =	sadd.s32 $0x5, s6;
	v56 =	vor.u32 s3, v6;
	[tilespmem:v14+s24+$0x0] =	vst.idx.msk @p0 $0xffff, v11  }
0x3a2: {  	v58 =	vld [tilespmem:s2+$0xA0];
	s8 =	sadd.s32 $0x6, s6;
	v59 =	vor.u32 s5, v6;
	[tilespmem:v19+s24+$0x0] =	vst.idx.msk $0xffff, v18  }
0x3a3: {  	s4 =	sadd.s32 $0x4, s6;
	v62 =	vld [tilespmem:s2+$0xC0];
	v63 =	vor.u32 s8, v6;
	[tilespmem:v36+s24+$0x0] =	vst.idx.msk $0xffff, v35  }
0x3a4: {  	s16 =	sadd.s32 $0x7, s6;
	v57 =	vor.u32 s4, v6;
	v8 =	vld [tilespmem:s2+$0x80];
	[tilespmem:v52+s24+$0x0] =	vst.idx.msk $0xffff, v51  }
0x3a5: {  	v21 =	vld [tilespmem:s2+$0xE0];
	s10 =	sadd.s32 $0x9, s6;
	v22 =	vor.u32 s16, v6;
	[tilespmem:v54+s24+$0x0] =	vst.idx.msk $0xffff, v53  }
0x3a6: {  	v24 =	vld [tilespmem:s2+$0x120];
	s11 =	sadd.s32 $0xA, s6;
	v25 =	vor.u32 s10, v6;
	[tilespmem:v56+s24+$0x0] =	vst.idx.msk $0xffff, v55  }
0x3a7: {  	v26 =	vld [tilespmem:s2+$0x140];
	s12 =	sadd.s32 $0xB, s6;
	v27 =	vor.u32 s11, v6;
	[tilespmem:v59+s24+$0x0] =	vst.idx.msk $0xffff, v58  }
0x3a8: {  	s9 =	sadd.s32 $0x8, s6;
	v28 =	vld [tilespmem:s2+$0x160];
	v29 =	vor.u32 s12, v6;
	[tilespmem:v63+s24+$0x0] =	vst.idx.msk $0xffff, v62  }
0x3a9: {  	s13 =	sadd.s32 $0xC, s6;
	v23 =	vor.u32 s9, v6;
	[tilespmem:v57+s24+$0x0] =	vst.idx.msk $0xffff, v8;
	v8 =	vld [tilespmem:s2+$0x100]  }
0x3aa: {  	v30 =	vld [tilespmem:s2+$0x180];
	s15 =	sadd.s32 $0xE, s6;
	v31 =	vor.u32 s13, v6;
	[tilespmem:v22+s24+$0x0] =	vst.idx.msk $0xffff, v21  }
0x3ab: {  	v33 =	vld [tilespmem:s2+$0x1C0];
	v34 =	vor.u32 s15, v6;
	[tilespmem:v25+s24+$0x0] =	vst.idx.msk $0xffff, v24  }
0x3ac: {  	v61 =	vor.u32 s7, v7;
	v60 =	vld [tilespmem:s2+$0x1F0];
	[tilespmem:v27+s24+$0x0] =	vst.idx.msk $0xffff, v26  }
0x3ad: {  	s14 =	sadd.s32 $0xD, s6;
	v37 =	vor.u32 s0, v7;
	[tilespmem:v29+s24+$0x0] =	vst.idx.msk $0xffff, v28;
	v38 =	vld [tilespmem:s2+$0x30]  }
0x3ae: {  	v32 =	vor.u32 s14, v6;
	[tilespmem:v23+s24+$0x0] =	vst.idx.msk $0xffff, v8;
	v8 =	vld [tilespmem:s2+$0x1A0]  }
0x3af: {  	v39 =	vor.u32 s1, v7;
	[tilespmem:v31+s24+$0x0] =	vst.idx.msk $0xffff, v30;
	v40 =	vld [tilespmem:s2+$0x50]  }
0x3b0: {  	v41 =	vor.u32 s3, v7;
	[tilespmem:v34+s24+$0x0] =	vst.idx.msk $0xffff, v33;
	v42 =	vld [tilespmem:s2+$0x70]  }
0x3b1: {  	v44 =	vor.u32 s5, v7;
	v45 =	vld [tilespmem:s2+$0xB0];
	[tilespmem:v61+s24+$0x0] =	vst.idx.msk $0xffff, v60  }
0x3b2: {  	v46 =	vor.u32 s8, v7;
	v47 =	vld [tilespmem:s2+$0xD0];
	[tilespmem:v37+s24+$0x0] =	vst.idx.msk $0xffff, v38  }
0x3b3: {  	v43 =	vld [tilespmem:s2+$0x90];
	[tilespmem:v32+s24+$0x0] =	vst.idx.msk $0xffff, v8;
	v8 =	vor.u32 s4, v7  }
0x3b4: {  	v48 =	vor.u32 s16, v7;
	v49 =	vld [tilespmem:s2+$0xF0];
	[tilespmem:v39+s24+$0x0] =	vst.idx.msk $0xffff, v40  }
0x3b5: {  	v53 =	vor.u32 s11, v7;
	v54 =	vld [tilespmem:s2+$0x150];
	[tilespmem:v41+s24+$0x0] =	vst.idx.msk $0xffff, v42  }
0x3b6: {  	v55 =	vor.u32 s12, v7;
	v56 =	vld [tilespmem:s2+$0x170];
	[tilespmem:v44+s24+$0x0] =	vst.idx.msk $0xffff, v45  }
0x3b7: {  	v50 =	vor.u32 s9, v7;
	[tilespmem:v46+s24+$0x0] =	vst.idx.msk $0xffff, v47;
	v51 =	vld [tilespmem:s2+$0x110]  }
0x3b8: {  	v52 =	vor.u32 s10, v7;
	[tilespmem:v8+s24+$0x0] =	vst.idx.msk $0xffff, v43;
	v8 =	vld [tilespmem:s2+$0x130]  }
0x3b9: {  	[tilespmem:v48+s24+$0x0] =	vst.idx.msk $0xffff, v49  }
0x3ba: {  	v57 =	vor.u32 s13, v7;
	v58 =	vld [tilespmem:s2+$0x190];
	[tilespmem:v53+s24+$0x0] =	vst.idx.msk $0xffff, v54  }
0x3bb: {  	v59 =	vor.u32 s14, v7;
	[tilespmem:v55+s24+$0x0] =	vst.idx.msk $0xffff, v56;
	v60 =	vld [tilespmem:s2+$0x1B0]  }
0x3bc: {  	v62 =	vld [tilespmem:s2+$0x10];
	v63 =	vor.u32 s6, v7;
	[tilespmem:v50+s24+$0x0] =	vst.idx.msk $0xffff, v51  }
0x3bd: {  	v61 =	vor.u32 s15, v7;
	[tilespmem:v52+s24+$0x0] =	vst.idx.msk $0xffff, v8;
	v8 =	vld [tilespmem:s2+$0x1D0]  }
0x3be: {  	s17 =	rddreg [dreg:$0x4]  }
0x3bf: {  	[tilespmem:v57+s24+$0x0] =	vst.idx.msk $0xffff, v58;
	s0 =	sadd.s32 s17, s20  }
0x3c0: {  	[tilespmem:v59+s24+$0x0] =	vst.idx.msk $0xffff, v60;
	s21 =	sshll.u32 s0, $0xB;
	s22 =	sshll.u32 s0, $0x9  }
0x3c1: {  	[tilespmem:v63+s24+$0x0] =	vst.idx.msk $0xffff, v62;
	s1 =	sand.u32 $0xFFF0000, s21;
	s2 =	sand.u32 $0x3E00, s22  }
0x3c2: {  	s23 =	rddreg [dreg:$0x1];
	[tilespmem:v61+s24+$0x0] =	vst.idx.msk $0xffff, v8;
	s1 =	sor.u32 s2, s1  }
0x3c3: {  	s2 =	sadd.s32 s23, s1;
	s25 =	rddreg [dreg:$0x7]  }
0x3c4: {  	[hbm4b:s2+s18] =	stream.linear.scatter [tilespmem:s24], [sflag:$0x6], $0x1000, $0x38;
	[tilespmem:$0x10400] =	vst v63  }
0x3c5: {  	s26 =	simm.s32 $0xD400;
	s2 =	sadd.s32 s1, s25  }
0x3c6: {  	[hbm4b:s2+s18] =	stream.linear.scatter [tilespmem:s26], [sflag:$0x6], $0x1000, $0x38;
	[tilespmem:$0x10400] =	vst v63  }
.Ltmp18:
0x3c7: {  	s28 =	rddreg [dreg:$0x8];
	(pc) =	sbr.rel @p1 .LBB2_36-.Ltmp18, $4  }
0x3c8: {  	s29 =	simm.s32 $0xE400;
	s30 =	rddreg [dreg:$0x9];
	s2 =	sadd.s32 s1, s28  }
0x3c9: {  	[hbm4b:s2+s18] =	stream.linear.scatter [tilespmem:s29], [sflag:$0x6], $0x1000, $0x38;
	[tilespmem:$0x10400] =	vst v63  }
0x3ca: {  	s31 =	simm.s32 $0xF400;
	s1 =	sadd.s32 s1, s30  }
0x3cb: {  	[hbm4b:s1+s18] =	stream.linear.scatter [tilespmem:s31], [sflag:$0x6], $0x1000, $0x38;
	[tilespmem:$0x10400] =	vst v63  }
.Ltmp19:
0x3cc: {  	(pc) =	sbr.rel .LBB2_2-.Ltmp19, $4  }
0x3cd: {  	s1 =	rddreg [dreg:$0xb]  }
0x3ce: {  	s0 =	sshll.u32 s0, $0x6;
	s3 =	rddreg [dreg:$0xd]  }
0x3cf: {  	s0 =	sadd.s32 s1, s0;
	s1 =	simm.s32 $0x200;
	s3 =	sadd.s32 $0x1, s3  }
0x3d0: {  	[tilespmem:s1], [sflag:$0x2] =	stream.linear.gather [hbm4b:s0+s18], $0x200, $0x38;
	[tilespmem:$0x10400] =	vst v63  }
.LBB2_7:
.Ltmp20:
0x3d1: {  	(pc) =	sbr.rel .LBB2_12-.Ltmp20, $3  }
0x3d2: {  	_ =	sdelay $0x1  }
0x3d3: {  	s11 =	simm.s32 $0x0  }
0x3d4: {  	s14 =	simm.s32 $0xF;
	p3 =	por $0x0, $0x0;
	s20 =	rddreg [dreg:$0xf]  }
.LBB2_13:
.Ltmp21:
0x3d5: {  	(pc) =	sbr.rel .LBB2_18-.Ltmp21, $2  }
0x3d6: {  	_ =	sdelay $0x2  }
0x3d7: {  	s18 =	simm.s32 $0x0  }
.LBB2_23:
.Ltmp22:
0x3d8: {  	(pc) =	sbr.rel .LBB2_28-.Ltmp22, $3  }
0x3d9: {  	_ =	sdelay $0x1  }
0x3da: {  	s11 =	simm.s32 $0x0  }
0x3db: {  	s14 =	simm.s32 $0xF;
	p3 =	por $0x0, $0x0;
	s20 =	rddreg [dreg:$0xe]  }
.LBB2_29:
.Ltmp23:
0x3dc: {  	(pc) =	sbr.rel .LBB2_34-.Ltmp23, $2  }
0x3dd: {  	_ =	sdelay $0x2  }
0x3de: {  	s18 =	simm.s32 $0x0  }
.LBB2_9:
.Ltmp24:
0x3df: {  	(pc) =	sbr.rel .LBB2_12-.Ltmp24, $2  }
0x3e0: {  	_ =	sdelay $0x2  }
0x3e1: {  	s11 =	simm.s32 $0x10;
	s20 =	rddreg [dreg:$0xf]  }
.LBB2_15:
.Ltmp25:
0x3e2: {  	(pc) =	sbr.rel .LBB2_18-.Ltmp25, $2  }
0x3e3: {  	_ =	sdelay $0x2  }
0x3e4: {  	s6 =	simm.s32 $0x10  }
.LBB2_25:
.Ltmp26:
0x3e5: {  	(pc) =	sbr.rel .LBB2_28-.Ltmp26, $2  }
0x3e6: {  	_ =	sdelay $0x2  }
0x3e7: {  	s11 =	simm.s32 $0x10;
	s20 =	rddreg [dreg:$0xe]  }
.LBB2_31:
.Ltmp27:
0x3e8: {  	(pc) =	sbr.rel .LBB2_34-.Ltmp27, $2  }
0x3e9: {  	_ =	sdelay $0x2  }
0x3ea: {  	s6 =	simm.s32 $0x10  }
.LBB2_37:
0x3eb: {  	_ =	sfence.sel $0x180000  }
0x3ec: {  	[bflag:$0x0] =	sbarrier.arrive $0xFFFF  }
0x3ed: {  	_ =	strace $0x90000047  }
0x3ee: {  	s0 =	stileid.u32;
	[bflag:$0x2] =	sbarrier.arrive $0xFFFF  }
0x3ef: {  	p0 =	sne.s32 s0, $0x0;
	s0 =	rddreg [dreg:$0x2]  }
0x3f0: {  	s0 =	sadd.s32 @!p0 $0x100000, s0  }
0x3f1: {  	[sflag:s0] =	ssyncadd.tile.s32 @!p0 $0x1;
	_ =	shalt  }
.Lfunc_end2:
_tile_overlayer_lowered:
.L_overlay_start_2:
0x3f2: {  	(tag) =	ssettag $0x2  }
0x3f3: {  	s0 =	rddreg [dreg:$0x0];
	s2 =	stileid.u32  }
0x3f4: {  	s1 =	rddreg [dreg:$0x1];
	p0 =	sne.s32 s2, $0x0  }
0x3f5: {  	s3 =	rddreg [dreg:$0x2];
	[bflag:$0x3] =	sbarrier.arrive $0xFFFF;
	s2 =	simm.s32 @!p0 $0x1C07  }
0x3f6: {  	[timem:s3], [sflag:s2] =	dma.local @!p0 [hbm:s0], s1  }
0x3f7: {  	s0 =	simm.s32 @!p0 $0x7  }
0x3f8: {  	_ =	swait.ge @!p0 [sflag:s0], s1  }
0x3f9: {  	s1 =	ssub.s32 @!p0 $0x0, s1;
	[sflag:s0] =	ssyncset.done @!p0 $0x0  }
0x3fa: {  	[sflag:s0] =	ssyncadd.s32 @!p0 s1  }
0x3fb: {  	[bflag:$0x3] =	sbarrier.arrive $0xFFFF  }
0x3fc: {  	_ =	shalt  }

</sc_bundles>
